<compile_context>
chip_gen: v7x
topology: tpu7x:2x2x1
jax: 0.10.2.dev20260603
libtpu: 0.0.44.dev20260713+nightly
codegen_flags: <defaults>
</compile_context>

<pallas_src>
import functools

import jax
import jax.numpy as jnp
from jax import lax
from jax.experimental import pallas as pl
from jax.experimental.pallas import tpu as pltpu
from jax.experimental.pallas import tpu_sc as plsc

N = 10000
E = 160000
G = 64
D = 300
H = 600
L = 5
T = 128
AV = 100
BV = 10

DH = 160
HP = 640
NB = 10
RB = N // NB
ATR = 1024
NC = 1000

CH = 80
NSUB = 16
NH = N // 2
TRIPS = 68
NCHP = NSUB * TRIPS
CAP = NCHP * CH
EPAD = 2 * CAP
STR = 320
NPH = NSUB * STR
GARB = NPH - 8
ZR = 160

_f32 = jnp.float32


def _dot(a, b):
    return jnp.dot(a, b, preferred_element_type=_f32)



def _sc_edge_body(hi_hbm, ctab_hbm, src_hbm, dst_hbm, cidx_hbm, out_hbm,
                  srcv, dstv, cidxv, rows, crows,
                  dstv2, cidxv2, rows2, crows2, zbuf, aggr_sh,
                  sem1, sem2, sem3, sem4, sem5):
    c = lax.axis_index("c")
    s = lax.axis_index("s")

    def zfill(i, carry):
        for k in range(DH // 16):
            zbuf[i, pl.ds(k * 16, 16)] = jnp.zeros((16,), _f32)
        return carry
    lax.fori_loop(0, ZR, zfill, 0)

    coff_hi = c * N
    coff_ct = c * NC

    for p in range(2):
        pltpu.sync_copy(zbuf, aggr_sh.at[pl.ds(s * STR, ZR)])
        pltpu.sync_copy(zbuf, aggr_sh.at[pl.ds(s * STR + ZR, STR - ZR)])
        plsc.subcore_barrier()

        pbase = p * NH

        def issue(i, dv, cv, rv, crv, sem, semc):
            base = (p * NCHP + s + i * NSUB) * CH
            pltpu.sync_copy(src_hbm.at[pl.ds(base, CH)], srcv)
            pltpu.sync_copy(cidx_hbm.at[pl.ds(base, CH)], cv)
            pltpu.sync_copy(dst_hbm.at[pl.ds(base, CH)], dv)
            for k in range(CH // 16):
                sl = pl.ds(k * 16, 16)
                srcv[sl] = srcv[sl] + coff_hi
                cv[sl] = cv[sl] + coff_ct
                d = dv[sl] - pbase
                ok = (d >= 0) & (d < NH)
                dv[sl] = jnp.where(ok, d, GARB)
            return (pltpu.async_copy(hi_hbm.at[srcv], rv, sem),
                    pltpu.async_copy(ctab_hbm.at[cv], crv, semc))

        def addrelu(rv, crv):
            def edge(j, cc):
                for k in range(DH // 16):
                    sl = pl.ds(k * 16, 16)
                    rv[j, sl] = jnp.maximum(rv[j, sl] + crv[j, sl], 0.0)
                return cc
            lax.fori_loop(0, CH, edge, 0)

        def chunk(t, carry):
            cpa1, cpa2 = issue(2 * t, dstv, cidxv, rows, crows, sem1, sem2)
            cpb1, cpb2 = issue(2 * t + 1, dstv2, cidxv2, rows2, crows2,
                               sem3, sem4)
            cpa1.wait()
            cpa2.wait()
            addrelu(rows, crows)
            sca = pltpu.async_copy(rows, aggr_sh.at[dstv], sem5, add=True)
            cpb1.wait()
            cpb2.wait()
            addrelu(rows2, crows2)
            sca.wait()
            pltpu.sync_copy(rows2, aggr_sh.at[dstv2], add=True)
            return carry
        lax.fori_loop(0, TRIPS // 2, chunk, 0)
        plsc.subcore_barrier()

        @pl.when(s < NSUB - 1)
        def _():
            pltpu.sync_copy(aggr_sh.at[pl.ds(s * STR, STR)],
                            out_hbm.at[pl.ds(c * N + pbase + s * STR, STR)])

        @pl.when(s == NSUB - 1)
        def _():
            last = NH - (NSUB - 1) * STR
            pltpu.sync_copy(
                aggr_sh.at[pl.ds((NSUB - 1) * STR, last)],
                out_hbm.at[pl.ds(c * N + pbase + (NSUB - 1) * STR, last)])
        plsc.subcore_barrier()


@jax.jit
def _sc_aggregate(hi_flat, ctab_s, src, dst, cidx):
    mesh = plsc.VectorSubcoreMesh(core_axis_name="c", subcore_axis_name="s")
    f = pl.kernel(
        _sc_edge_body,
        out_type=jax.ShapeDtypeStruct((2 * N, DH), _f32),
        mesh=mesh,
        scratch_types=[
            pltpu.VMEM((CH,), jnp.int32),
            pltpu.VMEM((CH,), jnp.int32),
            pltpu.VMEM((CH,), jnp.int32),
            pltpu.VMEM((CH, DH), _f32),
            pltpu.VMEM((CH, DH), _f32),
            pltpu.VMEM((CH,), jnp.int32),
            pltpu.VMEM((CH,), jnp.int32),
            pltpu.VMEM((CH, DH), _f32),
            pltpu.VMEM((CH, DH), _f32),
            pltpu.VMEM((ZR, DH), _f32),
            pltpu.VMEM_SHARED((NPH, DH), _f32),
            pltpu.SemaphoreType.DMA,
            pltpu.SemaphoreType.DMA,
            pltpu.SemaphoreType.DMA,
            pltpu.SemaphoreType.DMA,
            pltpu.SemaphoreType.DMA,
        ],
        compiler_params=pltpu.CompilerParams(use_tc_tiling_on_sc=False),
    )
    return f(hi_flat, ctab_s, src, dst, cidx)



def _node_spec():
    return pl.BlockSpec((2, RB, DH), lambda i: (0, i, 0))


def _full(shape):
    nd = len(shape)
    return pl.BlockSpec(shape, lambda i, _n=nd: (0,) * _n)


def _atom_body(x_ref, taba_ref, tabb_ref, out_ref):
    xb = x_ref[0]
    iot = lax.broadcasted_iota(jnp.int32, (RB, ATR), 1).astype(_f32)
    m = jnp.zeros((RB, ATR), _f32)
    for i in range(9):
        m = m + (iot == xb[:, i:i + 1] + float(AV * i)).astype(_f32)
    out_ref[0] = _dot(m, taba_ref[...])
    out_ref[1] = _dot(m, tabb_ref[...])


def _atom_encode(x3f, taba, tabb):
    return pl.pallas_call(
        _atom_body,
        grid=(NB,),
        in_specs=[pl.BlockSpec((1, RB, 9), lambda i: (i, 0, 0)),
                  _full((ATR, DH)), _full((ATR, DH))],
        out_specs=_node_spec(),
        out_shape=jax.ShapeDtypeStruct((2, N, DH), _f32),
    )(x3f, taba, tabb)


def _inject_body(h_ref, vn_ref, b_ref, out_ref):
    b = b_ref[0]
    ind = (lax.broadcasted_iota(jnp.int32, (RB, G), 1).astype(_f32)
           == b).astype(_f32)
    out_ref[0] = h_ref[0] + _dot(ind, vn_ref[0])
    out_ref[1] = h_ref[1] + _dot(ind, vn_ref[1])


def _inject(h, vn, bcolf):
    return pl.pallas_call(
        _inject_body,
        grid=(NB,),
        in_specs=[_node_spec(), _full((2, G, DH)),
                  pl.BlockSpec((1, RB, 1), lambda i: (i, 0, 0))],
        out_specs=_node_spec(),
        out_shape=jax.ShapeDtypeStruct((2, N, DH), _f32),
    )(h, vn, bcolf)


def _conv_body(do_relu, hi_ref, ag_ref, eps_ref, w1_ref, b1_ref, g1_ref,
               bb1_ref, w2_ref, b2_ref, g2_ref, bb2_ref, out_ref):
    e = 1.0 + eps_ref[0, 0]
    za = e * hi_ref[0] + ag_ref[0]
    zb = e * hi_ref[1] + ag_ref[1]
    z1 = _dot(za, w1_ref[0]) + _dot(zb, w1_ref[1]) + b1_ref[...]
    z1 = jnp.maximum(z1 * g1_ref[...] + bb1_ref[...], 0.0)
    ya = _dot(z1, w2_ref[0]) + b2_ref[0]
    ya = ya * g2_ref[0] + bb2_ref[0]
    yb = _dot(z1, w2_ref[1]) + b2_ref[1]
    yb = yb * g2_ref[1] + bb2_ref[1]
    if do_relu:
        ya = jnp.maximum(ya, 0.0)
        yb = jnp.maximum(yb, 0.0)
    out_ref[0] = ya
    out_ref[1] = yb


def _conv(hi, ag, epsl, w1, b1, g1, bb1, w2, b2, g2, bb2, do_relu):
    return pl.pallas_call(
        functools.partial(_conv_body, do_relu),
        grid=(NB,),
        in_specs=[_node_spec(), _node_spec(),
                  pl.BlockSpec(memory_space=pltpu.SMEM),
                  _full((2, DH, HP)), _full((1, HP)), _full((1, HP)),
                  _full((1, HP)), _full((2, HP, DH)), _full((2, 1, DH)),
                  _full((2, 1, DH)), _full((2, 1, DH))],
        out_specs=_node_spec(),
        out_shape=jax.ShapeDtypeStruct((2, N, DH), _f32),
    )(hi, ag, epsl, w1, b1, g1, bb1, w2, b2, g2, bb2)


def _vn_body(hi_ref, br_ref, vn_ref, vw1_ref, vb1_ref, vg1_ref, vbb1_ref,
             vw2_ref, vb2_ref, vg2_ref, vbb2_ref, out_ref, acc_ref):
    i = pl.program_id(0)

    @pl.when(i == 0)
    def _():
        acc_ref[...] = vn_ref[...]

    b = br_ref[0]
    ind = (lax.broadcasted_iota(jnp.int32, (G, RB), 0).astype(_f32)
           == b).astype(_f32)
    acc_ref[0] += _dot(ind, hi_ref[0])
    acc_ref[1] += _dot(ind, hi_ref[1])

    @pl.when(i == NB - 1)
    def _():
        vt = _dot(acc_ref[0], vw1_ref[0]) + _dot(acc_ref[1], vw1_ref[1])
        vt = jnp.maximum((vt + vb1_ref[...]) * vg1_ref[...] + vbb1_ref[...], 0.0)
        ya = (_dot(vt, vw2_ref[0]) + vb2_ref[0]) * vg2_ref[0] + vbb2_ref[0]
        yb = (_dot(vt, vw2_ref[1]) + vb2_ref[1]) * vg2_ref[1] + vbb2_ref[1]
        out_ref[0] = jnp.maximum(ya, 0.0)
        out_ref[1] = jnp.maximum(yb, 0.0)


def _vn_update(hi, browf, vn, vw1, vb1, vg1, vbb1, vw2, vb2, vg2, vbb2):
    return pl.pallas_call(
        _vn_body,
        grid=(NB,),
        in_specs=[_node_spec(),
                  pl.BlockSpec((1, 1, RB), lambda i: (i, 0, 0)),
                  _full((2, G, DH)), _full((2, DH, HP)), _full((1, HP)),
                  _full((1, HP)), _full((1, HP)), _full((2, HP, DH)),
                  _full((2, 1, DH)), _full((2, 1, DH)), _full((2, 1, DH))],
        out_specs=pl.BlockSpec((2, G, DH), lambda i: (0, 0, 0)),
        out_shape=jax.ShapeDtypeStruct((2, G, DH), _f32),
        scratch_shapes=[pltpu.VMEM((2, G, DH), _f32)],
    )(hi, browf, vn, vw1, vb1, vg1, vbb1, vw2, vb2, vg2, vbb2)


def _pool_body(h_ref, br_ref, pw_ref, pb_ref, out_ref, acc_ref, cnt_ref):
    i = pl.program_id(0)

    @pl.when(i == 0)
    def _():
        acc_ref[...] = jnp.zeros((2, G, DH), _f32)
        cnt_ref[...] = jnp.zeros((G, T), _f32)

    b = br_ref[0]
    ind = (lax.broadcasted_iota(jnp.int32, (G, RB), 0).astype(_f32)
           == b).astype(_f32)
    acc_ref[0] += _dot(ind, h_ref[0])
    acc_ref[1] += _dot(ind, h_ref[1])
    cnt_ref[...] += jnp.broadcast_to(jnp.sum(ind, axis=1, keepdims=True), (G, T))

    @pl.when(i == NB - 1)
    def _():
        inv = 1.0 / jnp.maximum(cnt_ref[:, 0:1], 1.0)
        ha = acc_ref[0] * inv
        hb = acc_ref[1] * inv
        out_ref[...] = _dot(ha, pw_ref[0]) + _dot(hb, pw_ref[1]) + pb_ref[...]


def _pool(h, browf, pw, pb):
    return pl.pallas_call(
        _pool_body,
        grid=(NB,),
        in_specs=[_node_spec(),
                  pl.BlockSpec((1, 1, RB), lambda i: (i, 0, 0)),
                  _full((2, DH, T)), _full((1, T))],
        out_specs=pl.BlockSpec((G, T), lambda i: (0, 0)),
        out_shape=jax.ShapeDtypeStruct((G, T), _f32),
        scratch_shapes=[pltpu.VMEM((2, G, DH), _f32),
                        pltpu.VMEM((G, T), _f32)],
    )(h, browf, pw, pb)



def _pad_to(a, shape):
    pads = [(0, t - s) for s, t in zip(a.shape, shape)]
    return jnp.pad(a.astype(_f32), pads)


def _halves_cols(a):
    p = _pad_to(a, a.shape[:-1] + (2 * DH,))
    return jnp.moveaxis(p.reshape(a.shape[:-1] + (2, DH)), -2, 0)


def _halves_rows(a, hp_cols):
    p = _pad_to(a, (2 * DH, hp_cols))
    return p.reshape(2, DH, hp_cols)


BNS = float((1.0 + 1e-5) ** -0.5)


def kernel(x, edge_index, edge_attr, batch, atom_emb, bond_emb, conv_eps,
           conv_W1, conv_b1, mlp_bn_g, mlp_bn_b, conv_W2, conv_b2, bn_g, bn_b,
           vn_emb0, vn_W1, vn_b1, vn_bn1_g, vn_bn1_b, vn_W2, vn_b2,
           vn_bn2_g, vn_bn2_b, pred_W, pred_b):
    x = x.astype(jnp.int32)
    ei = edge_index.astype(jnp.int32)
    ea = edge_attr.astype(jnp.int32)
    bat = batch.astype(jnp.int32)
    src, dst = ei[0], ei[1]
    cidx = ea[:, 0] * (BV * BV) + ea[:, 1] * BV + ea[:, 2]

    half = (dst >= NH).astype(jnp.int32)
    nothalf = 1 - half
    r0 = jnp.cumsum(nothalf) - nothalf
    r1 = jnp.cumsum(half) - half
    pos = jnp.where(half == 1, CAP + r1, r0)
    src = jnp.zeros((EPAD,), jnp.int32).at[pos].set(src)
    cidx = jnp.zeros((EPAD,), jnp.int32).at[pos].set(cidx)
    dst = jnp.full((EPAD,), 2 * N, jnp.int32).at[pos].set(dst)

    x3f = x.astype(_f32).reshape(NB, RB, 9)
    bcolf = bat.astype(_f32).reshape(NB, RB, 1)
    browf = bat.astype(_f32).reshape(NB, 1, RB)

    atab = _halves_cols(_pad_to(atom_emb.reshape(9 * AV, D), (ATR, D)))
    taba, tabb = atab[0], atab[1]

    ctab = (bond_emb[:, 0, :, None, None, :] + bond_emb[:, 1, None, :, None, :]
            + bond_emb[:, 2, None, None, :, :]).reshape(L, NC, D)
    ctab = _halves_cols(ctab)
    ctab_s = jnp.swapaxes(ctab, 0, 1).reshape(L, 2 * NC, DH)

    vn = _halves_cols(jnp.broadcast_to(vn_emb0[0], (G, D)))

    h = _atom_encode(x3f, taba, tabb)

    for l in range(L):
        w1 = _halves_rows(conv_W1[l], HP)
        b1 = _pad_to(conv_b1[l].reshape(1, H), (1, HP))
        g1 = _pad_to((mlp_bn_g[l] * BNS).reshape(1, H), (1, HP))
        bb1 = _pad_to(mlp_bn_b[l].reshape(1, H), (1, HP))
        w2 = _halves_cols(_pad_to(conv_W2[l], (HP, D)))
        b2 = _halves_cols(conv_b2[l].reshape(1, D))
        g2 = _halves_cols((bn_g[l] * BNS).reshape(1, D))
        bb2 = _halves_cols(bn_b[l].reshape(1, D))
        epsl = conv_eps[l].astype(_f32).reshape(1, 1)

        hi = _inject(h, vn, bcolf)
        aggr = _sc_aggregate(hi.reshape(2 * N, DH), ctab_s[l], src, dst,
                             cidx).reshape(2, N, DH)
        h = _conv(hi, aggr, epsl, w1, b1, g1, bb1, w2, b2, g2, bb2,
                  do_relu=(l < L - 1))

        if l < L - 1:
            vw1 = _halves_rows(vn_W1[l], HP)
            vb1 = _pad_to(vn_b1[l].reshape(1, H), (1, HP))
            vg1 = _pad_to((vn_bn1_g[l] * BNS).reshape(1, H), (1, HP))
            vbb1 = _pad_to(vn_bn1_b[l].reshape(1, H), (1, HP))
            vw2 = _halves_cols(_pad_to(vn_W2[l], (HP, D)))
            vb2 = _halves_cols(vn_b2[l].reshape(1, D))
            vg2 = _halves_cols((vn_bn2_g[l] * BNS).reshape(1, D))
            vbb2 = _halves_cols(vn_bn2_b[l].reshape(1, D))
            vn = _vn_update(hi, browf, vn, vw1, vb1, vg1, vbb1, vw2, vb2,
                            vg2, vbb2)

    pw = _halves_rows(pred_W, T)
    pb = pred_b.astype(_f32).reshape(1, T)
    return _pool(h, browf, pw, pb)

# --- scband reference (transcript-rebuilt; emitter-appended) ---
"""Pipeline reference for scband-ogbgnn-39805756899774 (READ-ONLY COPY).

The authoritative reference and input builder live on the scoring server;
editing this copy changes nothing except your own understanding.
"""

import jax, jax.numpy as jnp
import numpy as np

N = 10000
E = 160000
G = 64
D = 300
H = 600
L = 5
T = 128
AV = 100
BV = 10


def _bn(x, g, b):
    # inference-mode BatchNorm1d with running_mean=0, running_var=1
    return (x / jnp.sqrt(1.0 + 1e-5)) * g + b


def setup_inputs(seed: int = 0):
    key = jax.random.key(seed)
    ks = jax.random.split(key, 16)
    s = 0.02
    inp = {}
    inp["x"] = jax.random.randint(ks[0], (N, 9), 0, AV)
    inp["edge_index"] = jax.random.randint(ks[1], (2, E), 0, N)
    inp["edge_attr"] = jax.random.randint(ks[2], (E, 3), 0, BV)
    inp["batch"] = jnp.sort(jax.random.randint(ks[3], (N,), 0, G))
    inp["atom_emb"] = jax.random.normal(ks[4], (9, AV, D)) * s
    inp["bond_emb"] = jax.random.normal(ks[5], (L, 3, BV, D)) * s
    inp["conv_eps"] = jnp.zeros((L,))
    inp["conv_W1"] = jax.random.normal(ks[6], (L, D, H)) * s
    inp["conv_b1"] = jnp.zeros((L, H))
    inp["mlp_bn_g"] = jnp.ones((L, H))
    inp["mlp_bn_b"] = jnp.zeros((L, H))
    inp["conv_W2"] = jax.random.normal(ks[7], (L, H, D)) * s
    inp["conv_b2"] = jnp.zeros((L, D))
    inp["bn_g"] = jnp.ones((L, D))
    inp["bn_b"] = jnp.zeros((L, D))
    inp["vn_emb0"] = jnp.zeros((1, D))
    inp["vn_W1"] = jax.random.normal(ks[8], (L - 1, D, H)) * s
    inp["vn_b1"] = jnp.zeros((L - 1, H))
    inp["vn_bn1_g"] = jnp.ones((L - 1, H))
    inp["vn_bn1_b"] = jnp.zeros((L - 1, H))
    inp["vn_W2"] = jax.random.normal(ks[9], (L - 1, H, D)) * s
    inp["vn_b2"] = jnp.zeros((L - 1, D))
    inp["vn_bn2_g"] = jnp.ones((L - 1, D))
    inp["vn_bn2_b"] = jnp.zeros((L - 1, D))
    inp["pred_W"] = jax.random.normal(ks[10], (D, T)) * s
    inp["pred_b"] = jnp.zeros((T,))
    return inp


def reference(x, edge_index, edge_attr, batch, atom_emb, bond_emb, conv_eps,
              conv_W1, conv_b1, mlp_bn_g, mlp_bn_b, conv_W2, conv_b2, bn_g, bn_b,
              vn_emb0, vn_W1, vn_b1, vn_bn1_g, vn_bn1_b, vn_W2, vn_b2,
              vn_bn2_g, vn_bn2_b, pred_W, pred_b):
    src = edge_index[0]
    dst = edge_index[1]
    # AtomEncoder: sum of 9 categorical feature embeddings
    h = atom_emb[0][x[:, 0]]
    for i in range(1, 9):
        h = h + atom_emb[i][x[:, i]]
    # virtual node embedding (init zeros), one per graph
    vn = jnp.broadcast_to(vn_emb0[0], (G, D))
    for l in range(L):
        # message from virtual node to graph nodes
        hi = h + vn[batch]
        # BondEncoder for this layer
        e = bond_emb[l, 0][edge_attr[:, 0]]
        for i in range(1, 3):
            e = e + bond_emb[l, i][edge_attr[:, i]]
        # GINConv: mlp((1+eps)*x + sum_j relu(x_j + e_j))
        msg = jax.nn.relu(hi[src] + e)
        aggr = jax.ops.segment_sum(msg, dst, num_segments=N)
        z = (1.0 + conv_eps[l]) * hi + aggr
        z = z @ conv_W1[l] + conv_b1[l]
        z = jax.nn.relu(_bn(z, mlp_bn_g[l], mlp_bn_b[l]))
        z = z @ conv_W2[l] + conv_b2[l]
        # per-layer BatchNorm after conv
        z = _bn(z, bn_g[l], bn_b[l])
        if l < L - 1:
            z = jax.nn.relu(z)  # dropout(relu(.)) in eval mode
            # virtual node update from post-vn-injection node states
            vt = jax.ops.segment_sum(hi, batch, num_segments=G) + vn
            vt = jax.nn.relu(_bn(vt @ vn_W1[l] + vn_b1[l], vn_bn1_g[l], vn_bn1_b[l]))
            vt = jax.nn.relu(_bn(vt @ vn_W2[l] + vn_b2[l], vn_bn2_g[l], vn_bn2_b[l]))
            vn = vt
        h = z
    # JK = 'last'; global mean pool over each graph
    counts = jax.ops.segment_sum(jnp.ones((N,)), batch, num_segments=G)
    hg = jax.ops.segment_sum(h, batch, num_segments=G) / jnp.maximum(counts, 1.0)[:, None]
    return hg @ pred_W + pred_b

if __name__ == "__main__":
    import jax
    _d = setup_inputs()
    print(jax.jit(kernel)(*tuple(_d.values())))

</pallas_src>

<mosaic_0001>
#map = affine_map<(d0, d1) -> (0, 0)>
#map1 = affine_map<(d0, d1) -> (0)>
module attributes {stable_mosaic.version = 14 : i64} {
  func.func @_sc_edge_body(%arg0: i32, %arg1: i32, %arg2: memref<20000x160xf32, #tpu.memory_space<hbm>>, %arg3: memref<2000x160xf32, #tpu.memory_space<hbm>>, %arg4: memref<174080xi32, #tpu.memory_space<hbm>>, %arg5: memref<174080xi32, #tpu.memory_space<hbm>>, %arg6: memref<174080xi32, #tpu.memory_space<hbm>>, %arg7: memref<20000x160xf32, #tpu.memory_space<hbm>>, %arg8: memref<80xi32, #tpu.memory_space<vmem>>, %arg9: memref<80xi32, #tpu.memory_space<vmem>>, %arg10: memref<80xi32, #tpu.memory_space<vmem>>, %arg11: memref<80x160xf32, #tpu.memory_space<vmem>>, %arg12: memref<80x160xf32, #tpu.memory_space<vmem>>, %arg13: memref<80xi32, #tpu.memory_space<vmem>>, %arg14: memref<80xi32, #tpu.memory_space<vmem>>, %arg15: memref<80x160xf32, #tpu.memory_space<vmem>>, %arg16: memref<80x160xf32, #tpu.memory_space<vmem>>, %arg17: memref<160x160xf32, #tpu.memory_space<vmem>>, %arg18: memref<5120x160xf32, #tpu.memory_space<vmem_shared>>, %arg19: memref<!tpu.dma_semaphore, #tpu.memory_space<semaphore_mem>>, %arg20: memref<!tpu.dma_semaphore, #tpu.memory_space<semaphore_mem>>, %arg21: memref<!tpu.dma_semaphore, #tpu.memory_space<semaphore_mem>>, %arg22: memref<!tpu.dma_semaphore, #tpu.memory_space<semaphore_mem>>, %arg23: memref<!tpu.dma_semaphore, #tpu.memory_space<semaphore_mem>>) attributes {dimension_semantics = [#tpu.dimension_semantics<core_parallel>, #tpu.dimension_semantics<subcore_parallel>], iteration_bounds = array<i64: 2, 16>, scalar_prefetch = 0 : i64, scratch_operands = 16 : i64, tpu.core_type = #tpu.core_type<sc_vector_subcore>, window_params = [{transform_indices = #map}, {transform_indices = #map}, {transform_indices = #map1}, {transform_indices = #map1}, {transform_indices = #map1}, {transform_indices = #map}]} {
    %scan3A = arith.constant 0 : i32
    %scan3A_0 = arith.constant 0 : i32
    %scan3A_1 = arith.constant 160 : i32
    %scan3A_2 = arith.addi %scan3A_0, %scan3A_1 : i32
    %scan3A_3 = arith.constant 1 : i32
    scf.for %scan3A_52 = %scan3A_0 to %scan3A_2 step %scan3A_3  : i32 {
      %broadcast_in_dim3A = arith.constant 0.000000e+00 : f32
      %broadcast_in_dim3A_53 = vector.broadcast %broadcast_in_dim3A : f32 to vector<16xf32>
      %swap3A = arith.index_cast %scan3A_52 : i32 to index
      %swap3A_54 = arith.constant 0 : index
      %swap3A_55 = tpu.vector_load %arg17[%swap3A, %swap3A_54] {strides = array<i32>} : memref<160x160xf32, #tpu.memory_space<vmem>>, vector<1x16xf32>,
      %swap3A_56 = vector.shape_cast %swap3A_55 : vector<1x16xf32> to vector<16xf32>
      %swap3A_57 = vector.shape_cast %broadcast_in_dim3A_53 : vector<16xf32> to vector<1x16xf32>
      tpu.vector_store %arg17[%swap3A, %swap3A_54], %swap3A_57 {strides = array<i32>} : memref<160x160xf32, #tpu.memory_space<vmem>>, vector<1x16xf32>,
      %broadcast_in_dim3A_58 = arith.constant 0.000000e+00 : f32
      %broadcast_in_dim3A_59 = vector.broadcast %broadcast_in_dim3A_58 : f32 to vector<16xf32>
      %swap3A_60 = arith.index_cast %scan3A_52 : i32 to index
      %swap3A_61 = arith.constant 16 : index
      %swap3A_62 = tpu.vector_load %arg17[%swap3A_60, %swap3A_61] {strides = array<i32>} : memref<160x160xf32, #tpu.memory_space<vmem>>, vector<1x16xf32>,
      %swap3A_63 = vector.shape_cast %swap3A_62 : vector<1x16xf32> to vector<16xf32>
      %swap3A_64 = vector.shape_cast %broadcast_in_dim3A_59 : vector<16xf32> to vector<1x16xf32>
      tpu.vector_store %arg17[%swap3A_60, %swap3A_61], %swap3A_64 {strides = array<i32>} : memref<160x160xf32, #tpu.memory_space<vmem>>, vector<1x16xf32>,
      %broadcast_in_dim3A_65 = arith.constant 0.000000e+00 : f32
      %broadcast_in_dim3A_66 = vector.broadcast %broadcast_in_dim3A_65 : f32 to vector<16xf32>
      %swap3A_67 = arith.index_cast %scan3A_52 : i32 to index
      %swap3A_68 = arith.constant 32 : index
      %swap3A_69 = tpu.vector_load %arg17[%swap3A_67, %swap3A_68] {strides = array<i32>} : memref<160x160xf32, #tpu.memory_space<vmem>>, vector<1x16xf32>,
      %swap3A_70 = vector.shape_cast %swap3A_69 : vector<1x16xf32> to vector<16xf32>
      %swap3A_71 = vector.shape_cast %broadcast_in_dim3A_66 : vector<16xf32> to vector<1x16xf32>
      tpu.vector_store %arg17[%swap3A_67, %swap3A_68], %swap3A_71 {strides = array<i32>} : memref<160x160xf32, #tpu.memory_space<vmem>>, vector<1x16xf32>,
      %broadcast_in_dim3A_72 = arith.constant 0.000000e+00 : f32
      %broadcast_in_dim3A_73 = vector.broadcast %broadcast_in_dim3A_72 : f32 to vector<16xf32>
      %swap3A_74 = arith.index_cast %scan3A_52 : i32 to index
      %swap3A_75 = arith.constant 48 : index
      %swap3A_76 = tpu.vector_load %arg17[%swap3A_74, %swap3A_75] {strides = array<i32>} : memref<160x160xf32, #tpu.memory_space<vmem>>, vector<1x16xf32>,
      %swap3A_77 = vector.shape_cast %swap3A_76 : vector<1x16xf32> to vector<16xf32>
      %swap3A_78 = vector.shape_cast %broadcast_in_dim3A_73 : vector<16xf32> to vector<1x16xf32>
      tpu.vector_store %arg17[%swap3A_74, %swap3A_75], %swap3A_78 {strides = array<i32>} : memref<160x160xf32, #tpu.memory_space<vmem>>, vector<1x16xf32>,
      %broadcast_in_dim3A_79 = arith.constant 0.000000e+00 : f32
      %broadcast_in_dim3A_80 = vector.broadcast %broadcast_in_dim3A_79 : f32 to vector<16xf32>
      %swap3A_81 = arith.index_cast %scan3A_52 : i32 to index
      %swap3A_82 = arith.constant 64 : index
      %swap3A_83 = tpu.vector_load %arg17[%swap3A_81, %swap3A_82] {strides = array<i32>} : memref<160x160xf32, #tpu.memory_space<vmem>>, vector<1x16xf32>,
      %swap3A_84 = vector.shape_cast %swap3A_83 : vector<1x16xf32> to vector<16xf32>
      %swap3A_85 = vector.shape_cast %broadcast_in_dim3A_80 : vector<16xf32> to vector<1x16xf32>
      tpu.vector_store %arg17[%swap3A_81, %swap3A_82], %swap3A_85 {strides = array<i32>} : memref<160x160xf32, #tpu.memory_space<vmem>>, vector<1x16xf32>,
      %broadcast_in_dim3A_86 = arith.constant 0.000000e+00 : f32
      %broadcast_in_dim3A_87 = vector.broadcast %broadcast_in_dim3A_86 : f32 to vector<16xf32>
      %swap3A_88 = arith.index_cast %scan3A_52 : i32 to index
      %swap3A_89 = arith.constant 80 : index
      %swap3A_90 = tpu.vector_load %arg17[%swap3A_88, %swap3A_89] {strides = array<i32>} : memref<160x160xf32, #tpu.memory_space<vmem>>, vector<1x16xf32>,
      %swap3A_91 = vector.shape_cast %swap3A_90 : vector<1x16xf32> to vector<16xf32>
      %swap3A_92 = vector.shape_cast %broadcast_in_dim3A_87 : vector<16xf32> to vector<1x16xf32>
      tpu.vector_store %arg17[%swap3A_88, %swap3A_89], %swap3A_92 {strides = array<i32>} : memref<160x160xf32, #tpu.memory_space<vmem>>, vector<1x16xf32>,
      %broadcast_in_dim3A_93 = arith.constant 0.000000e+00 : f32
      %broadcast_in_dim3A_94 = vector.broadcast %broadcast_in_dim3A_93 : f32 to vector<16xf32>
      %swap3A_95 = arith.index_cast %scan3A_52 : i32 to index
      %swap3A_96 = arith.constant 96 : index
      %swap3A_97 = tpu.vector_load %arg17[%swap3A_95, %swap3A_96] {strides = array<i32>} : memref<160x160xf32, #tpu.memory_space<vmem>>, vector<1x16xf32>,
      %swap3A_98 = vector.shape_cast %swap3A_97 : vector<1x16xf32> to vector<16xf32>
      %swap3A_99 = vector.shape_cast %broadcast_in_dim3A_94 : vector<16xf32> to vector<1x16xf32>
      tpu.vector_store %arg17[%swap3A_95, %swap3A_96], %swap3A_99 {strides = array<i32>} : memref<160x160xf32, #tpu.memory_space<vmem>>, vector<1x16xf32>,
      %broadcast_in_dim3A_100 = arith.constant 0.000000e+00 : f32
      %broadcast_in_dim3A_101 = vector.broadcast %broadcast_in_dim3A_100 : f32 to vector<16xf32>
      %swap3A_102 = arith.index_cast %scan3A_52 : i32 to index
      %swap3A_103 = arith.constant 112 : index
      %swap3A_104 = tpu.vector_load %arg17[%swap3A_102, %swap3A_103] {strides = array<i32>} : memref<160x160xf32, #tpu.memory_space<vmem>>, vector<1x16xf32>,
      %swap3A_105 = vector.shape_cast %swap3A_104 : vector<1x16xf32> to vector<16xf32>
      %swap3A_106 = vector.shape_cast %broadcast_in_dim3A_101 : vector<16xf32> to vector<1x16xf32>
      tpu.vector_store %arg17[%swap3A_102, %swap3A_103], %swap3A_106 {strides = array<i32>} : memref<160x160xf32, #tpu.memory_space<vmem>>, vector<1x16xf32>,
      %broadcast_in_dim3A_107 = arith.constant 0.000000e+00 : f32
      %broadcast_in_dim3A_108 = vector.broadcast %broadcast_in_dim3A_107 : f32 to vector<16xf32>
      %swap3A_109 = arith.index_cast %scan3A_52 : i32 to index
      %swap3A_110 = arith.constant 128 : index
      %swap3A_111 = tpu.vector_load %arg17[%swap3A_109, %swap3A_110] {strides = array<i32>} : memref<160x160xf32, #tpu.memory_space<vmem>>, vector<1x16xf32>,
      %swap3A_112 = vector.shape_cast %swap3A_111 : vector<1x16xf32> to vector<16xf32>
      %swap3A_113 = vector.shape_cast %broadcast_in_dim3A_108 : vector<16xf32> to vector<1x16xf32>
      tpu.vector_store %arg17[%swap3A_109, %swap3A_110], %swap3A_113 {strides = array<i32>} : memref<160x160xf32, #tpu.memory_space<vmem>>, vector<1x16xf32>,
      %broadcast_in_dim3A_114 = arith.constant 0.000000e+00 : f32
      %broadcast_in_dim3A_115 = vector.broadcast %broadcast_in_dim3A_114 : f32 to vector<16xf32>
      %swap3A_116 = arith.index_cast %scan3A_52 : i32 to index
      %swap3A_117 = arith.constant 144 : index
      %swap3A_118 = tpu.vector_load %arg17[%swap3A_116, %swap3A_117] {strides = array<i32>} : memref<160x160xf32, #tpu.memory_space<vmem>>, vector<1x16xf32>,
      %swap3A_119 = vector.shape_cast %swap3A_118 : vector<1x16xf32> to vector<16xf32>
      %swap3A_120 = vector.shape_cast %broadcast_in_dim3A_115 : vector<16xf32> to vector<1x16xf32>
      tpu.vector_store %arg17[%swap3A_116, %swap3A_117], %swap3A_120 {strides = array<i32>} : memref<160x160xf32, #tpu.memory_space<vmem>>, vector<1x16xf32>,
    }
    %scan3A_4 = arith.constant 160 : i32
    %mul3A = arith.constant 10000 : i32
    %mul3A_5 = arith.muli %arg0, %mul3A : i32
    %mul3A_6 = arith.constant 1000 : i32
    %mul3A_7 = arith.muli %arg0, %mul3A_6 : i32
    %mul3A_8 = arith.constant 320 : i32
    %mul3A_9 = arith.muli %arg1, %mul3A_8 : i32
    "tpu.region"() ({
      %run_scoped3A = tpu.sem_alloc : memref<!tpu.dma_semaphore, #tpu.memory_space<semaphore_mem>>
      %dma_start3A = arith.constant 0 : i32
      %dma_start3A_52 = tpu.memref_slice %arg18[%mul3A_9, %dma_start3A] : memref<5120x160xf32, #tpu.memory_space<vmem_shared>> -> memref<160x160xf32, #tpu.memory_space<vmem_shared>>
      %dma_start3A_53 = arith.constant 0 : i32
      %dma_start3A_54 = tpu.memref_slice %arg18[%mul3A_9, %dma_start3A_53] : memref<5120x160xf32, #tpu.memory_space<vmem_shared>> -> memref<160x160xf32, #tpu.memory_space<vmem_shared>>
      tpu.enqueue_dma source(%arg17 : memref<160x160xf32, #tpu.memory_space<vmem>>) target(%dma_start3A_54 : memref<160x160xf32, #tpu.memory_space<vmem_shared>>) target_semaphore(%run_scoped3A : memref<!tpu.dma_semaphore, #tpu.memory_space<semaphore_mem>>)
      %dma_wait3A = arith.constant 0 : i32
      %dma_wait3A_55 = tpu.memref_slice %arg18[%mul3A_9, %dma_wait3A] : memref<5120x160xf32, #tpu.memory_space<vmem_shared>> -> memref<160x160xf32, #tpu.memory_space<vmem_shared>>
      %dma_wait3A_56 = arith.constant 0 : i32
      %dma_wait3A_57 = tpu.memref_slice %arg18[%mul3A_9, %dma_wait3A_56] : memref<5120x160xf32, #tpu.memory_space<vmem_shared>> -> memref<160x160xf32, #tpu.memory_space<vmem_shared>>
      tpu.wait_dma2 semaphore(%run_scoped3A : memref<!tpu.dma_semaphore, #tpu.memory_space<semaphore_mem>>) src(%arg17 : memref<160x160xf32, #tpu.memory_space<vmem>>) dst(%dma_wait3A_57 : memref<160x160xf32, #tpu.memory_space<vmem_shared>>)
      tpu.yield
    }) : () -> ()
    %mul3A_10 = arith.constant 320 : i32
    %mul3A_11 = arith.muli %arg1, %mul3A_10 : i32
    %add3A = arith.constant 160 : i32
    %add3A_12 = arith.addi %mul3A_11, %add3A : i32
    "tpu.region"() ({
      %run_scoped3A = tpu.sem_alloc : memref<!tpu.dma_semaphore, #tpu.memory_space<semaphore_mem>>
      %dma_start3A = arith.constant 0 : i32
      %dma_start3A_52 = tpu.memref_slice %arg18[%add3A_12, %dma_start3A] : memref<5120x160xf32, #tpu.memory_space<vmem_shared>> -> memref<160x160xf32, #tpu.memory_space<vmem_shared>>
      %dma_start3A_53 = arith.constant 0 : i32
      %dma_start3A_54 = tpu.memref_slice %arg18[%add3A_12, %dma_start3A_53] : memref<5120x160xf32, #tpu.memory_space<vmem_shared>> -> memref<160x160xf32, #tpu.memory_space<vmem_shared>>
      tpu.enqueue_dma source(%arg17 : memref<160x160xf32, #tpu.memory_space<vmem>>) target(%dma_start3A_54 : memref<160x160xf32, #tpu.memory_space<vmem_shared>>) target_semaphore(%run_scoped3A : memref<!tpu.dma_semaphore, #tpu.memory_space<semaphore_mem>>)
      %dma_wait3A = arith.constant 0 : i32
      %dma_wait3A_55 = tpu.memref_slice %arg18[%add3A_12, %dma_wait3A] : memref<5120x160xf32, #tpu.memory_space<vmem_shared>> -> memref<160x160xf32, #tpu.memory_space<vmem_shared>>
      %dma_wait3A_56 = arith.constant 0 : i32
      %dma_wait3A_57 = tpu.memref_slice %arg18[%add3A_12, %dma_wait3A_56] : memref<5120x160xf32, #tpu.memory_space<vmem_shared>> -> memref<160x160xf32, #tpu.memory_space<vmem_shared>>
      tpu.wait_dma2 semaphore(%run_scoped3A : memref<!tpu.dma_semaphore, #tpu.memory_space<semaphore_mem>>) src(%arg17 : memref<160x160xf32, #tpu.memory_space<vmem>>) dst(%dma_wait3A_57 : memref<160x160xf32, #tpu.memory_space<vmem_shared>>)
      tpu.yield
    }) : () -> ()
    %barrier3A = arith.constant 0 : index
    tpu.barrier barrier_id(%barrier3A)
    %scan3A_13 = arith.constant 0 : i32
    %scan3A_14 = arith.constant 0 : i32
    %scan3A_15 = arith.constant 34 : i32
    %scan3A_16 = arith.addi %scan3A_14, %scan3A_15 : i32
    %scan3A_17 = arith.constant 1 : i32
    scf.for %scan3A_52 = %scan3A_14 to %scan3A_16 step %scan3A_17  : i32 {
      %mul3A_53 = arith.constant 2 : i32
      %mul3A_54 = arith.muli %mul3A_53, %scan3A_52 : i32
      %add3A_55 = arith.constant 0 : i32
      %add3A_56 = arith.addi %add3A_55, %arg1 : i32
      %mul3A_57 = arith.constant 16 : i32
      %mul3A_58 = arith.muli %mul3A_54, %mul3A_57 : i32
      %add3A_59 = arith.addi %add3A_56, %mul3A_58 : i32
      %mul3A_60 = arith.constant 80 : i32
      %mul3A_61 = arith.muli %add3A_59, %mul3A_60 : i32
      "tpu.region"() ({
        %run_scoped3A = tpu.sem_alloc : memref<!tpu.dma_semaphore, #tpu.memory_space<semaphore_mem>>
        %dma_start3A_485 = tpu.memref_slice %arg4[%mul3A_61] : memref<174080xi32, #tpu.memory_space<hbm>> -> memref<80xi32, #tpu.memory_space<hbm>>
        %dma_start3A_486 = tpu.memref_slice %arg4[%mul3A_61] : memref<174080xi32, #tpu.memory_space<hbm>> -> memref<80xi32, #tpu.memory_space<hbm>>
        tpu.enqueue_dma source(%dma_start3A_486 : memref<80xi32, #tpu.memory_space<hbm>>) target(%arg8 : memref<80xi32, #tpu.memory_space<vmem>>) target_semaphore(%run_scoped3A : memref<!tpu.dma_semaphore, #tpu.memory_space<semaphore_mem>>)
        %dma_wait3A_487 = tpu.memref_slice %arg4[%mul3A_61] : memref<174080xi32, #tpu.memory_space<hbm>> -> memref<80xi32, #tpu.memory_space<hbm>>
        %dma_wait3A_488 = tpu.memref_slice %arg4[%mul3A_61] : memref<174080xi32, #tpu.memory_space<hbm>> -> memref<80xi32, #tpu.memory_space<hbm>>
        tpu.wait_dma2 semaphore(%run_scoped3A : memref<!tpu.dma_semaphore, #tpu.memory_space<semaphore_mem>>) src(%dma_wait3A_488 : memref<80xi32, #tpu.memory_space<hbm>>) dst(%arg8 : memref<80xi32, #tpu.memory_space<vmem>>)
        tpu.yield
      }) : () -> ()
      "tpu.region"() ({
        %run_scoped3A = tpu.sem_alloc : memref<!tpu.dma_semaphore, #tpu.memory_space<semaphore_mem>>
        %dma_start3A_485 = tpu.memref_slice %arg6[%mul3A_61] : memref<174080xi32, #tpu.memory_space<hbm>> -> memref<80xi32, #tpu.memory_space<hbm>>
        %dma_start3A_486 = tpu.memref_slice %arg6[%mul3A_61] : memref<174080xi32, #tpu.memory_space<hbm>> -> memref<80xi32, #tpu.memory_space<hbm>>
        tpu.enqueue_dma source(%dma_start3A_486 : memref<80xi32, #tpu.memory_space<hbm>>) target(%arg10 : memref<80xi32, #tpu.memory_space<vmem>>) target_semaphore(%run_scoped3A : memref<!tpu.dma_semaphore, #tpu.memory_space<semaphore_mem>>)
        %dma_wait3A_487 = tpu.memref_slice %arg6[%mul3A_61] : memref<174080xi32, #tpu.memory_space<hbm>> -> memref<80xi32, #tpu.memory_space<hbm>>
        %dma_wait3A_488 = tpu.memref_slice %arg6[%mul3A_61] : memref<174080xi32, #tpu.memory_space<hbm>> -> memref<80xi32, #tpu.memory_space<hbm>>
        tpu.wait_dma2 semaphore(%run_scoped3A : memref<!tpu.dma_semaphore, #tpu.memory_space<semaphore_mem>>) src(%dma_wait3A_488 : memref<80xi32, #tpu.memory_space<hbm>>) dst(%arg10 : memref<80xi32, #tpu.memory_space<vmem>>)
        tpu.yield
      }) : () -> ()
      "tpu.region"() ({
        %run_scoped3A = tpu.sem_alloc : memref<!tpu.dma_semaphore, #tpu.memory_space<semaphore_mem>>
        %dma_start3A_485 = tpu.memref_slice %arg5[%mul3A_61] : memref<174080xi32, #tpu.memory_space<hbm>> -> memref<80xi32, #tpu.memory_space<hbm>>
        %dma_start3A_486 = tpu.memref_slice %arg5[%mul3A_61] : memref<174080xi32, #tpu.memory_space<hbm>> -> memref<80xi32, #tpu.memory_space<hbm>>
        tpu.enqueue_dma source(%dma_start3A_486 : memref<80xi32, #tpu.memory_space<hbm>>) target(%arg9 : memref<80xi32, #tpu.memory_space<vmem>>) target_semaphore(%run_scoped3A : memref<!tpu.dma_semaphore, #tpu.memory_space<semaphore_mem>>)
        %dma_wait3A_487 = tpu.memref_slice %arg5[%mul3A_61] : memref<174080xi32, #tpu.memory_space<hbm>> -> memref<80xi32, #tpu.memory_space<hbm>>
        %dma_wait3A_488 = tpu.memref_slice %arg5[%mul3A_61] : memref<174080xi32, #tpu.memory_space<hbm>> -> memref<80xi32, #tpu.memory_space<hbm>>
        tpu.wait_dma2 semaphore(%run_scoped3A : memref<!tpu.dma_semaphore, #tpu.memory_space<semaphore_mem>>) src(%dma_wait3A_488 : memref<80xi32, #tpu.memory_space<hbm>>) dst(%arg9 : memref<80xi32, #tpu.memory_space<vmem>>)
        tpu.yield
      }) : () -> ()
      %get3A = arith.constant 0 : index
      %get3A_62 = tpu.vector_load %arg8[%get3A] {strides = array<i32>} : memref<80xi32, #tpu.memory_space<vmem>>, vector<16xi32>,
      %get3A_63 = vector.shape_cast %get3A_62 : vector<16xi32> to vector<16xi32>
      %add3A_64 = vector.broadcast %mul3A_5 : i32 to vector<16xi32>
      %add3A_65 = arith.addi %get3A_63, %add3A_64 : vector<16xi32>
      %swap3A = arith.constant 0 : index
      %swap3A_66 = tpu.vector_load %arg8[%swap3A] {strides = array<i32>} : memref<80xi32, #tpu.memory_space<vmem>>, vector<16xi32>,
      %swap3A_67 = vector.shape_cast %swap3A_66 : vector<16xi32> to vector<16xi32>
      %swap3A_68 = vector.shape_cast %add3A_65 : vector<16xi32> to vector<16xi32>
      tpu.vector_store %arg8[%swap3A], %swap3A_68 {strides = array<i32>} : memref<80xi32, #tpu.memory_space<vmem>>, vector<16xi32>,
      %get3A_69 = arith.constant 0 : index
      %get3A_70 = tpu.vector_load %arg10[%get3A_69] {strides = array<i32>} : memref<80xi32, #tpu.memory_space<vmem>>, vector<16xi32>,
      %get3A_71 = vector.shape_cast %get3A_70 : vector<16xi32> to vector<16xi32>
      %add3A_72 = vector.broadcast %mul3A_7 : i32 to vector<16xi32>
      %add3A_73 = arith.addi %get3A_71, %add3A_72 : vector<16xi32>
      %swap3A_74 = arith.constant 0 : index
      %swap3A_75 = tpu.vector_load %arg10[%swap3A_74] {strides = array<i32>} : memref<80xi32, #tpu.memory_space<vmem>>, vector<16xi32>,
      %swap3A_76 = vector.shape_cast %swap3A_75 : vector<16xi32> to vector<16xi32>
      %swap3A_77 = vector.shape_cast %add3A_73 : vector<16xi32> to vector<16xi32>
      tpu.vector_store %arg10[%swap3A_74], %swap3A_77 {strides = array<i32>} : memref<80xi32, #tpu.memory_space<vmem>>, vector<16xi32>,
      %get3A_78 = arith.constant 0 : index
      %get3A_79 = tpu.vector_load %arg9[%get3A_78] {strides = array<i32>} : memref<80xi32, #tpu.memory_space<vmem>>, vector<16xi32>,
      %get3A_80 = vector.shape_cast %get3A_79 : vector<16xi32> to vector<16xi32>
      %sub3A = arith.constant 0 : i32
      %sub3A_81 = vector.broadcast %sub3A : i32 to vector<16xi32>
      %sub3A_82 = arith.subi %get3A_80, %sub3A_81 : vector<16xi32>
      %ge3A = arith.constant 0 : i32
      %ge3A_83 = vector.broadcast %ge3A : i32 to vector<16xi32>
      %ge3A_84 = arith.cmpi sge, %sub3A_82, %ge3A_83 : vector<16xi32>
      %lt3A_85 = arith.constant 5000 : i32
      %lt3A_86 = vector.broadcast %lt3A_85 : i32 to vector<16xi32>
      %lt3A_87 = arith.cmpi slt, %sub3A_82, %lt3A_86 : vector<16xi32>
      %and3A = arith.andi %ge3A_84, %lt3A_87 : vector<16xi1>
      %jit3A = arith.constant 5112 : i32
      %broadcast_in_dim3A = vector.broadcast %jit3A : i32 to vector<16xi32>
      %select_n3A = arith.select %and3A, %sub3A_82, %broadcast_in_dim3A : vector<16xi1>, vector<16xi32>
      %swap3A_88 = arith.constant 0 : index
      %swap3A_89 = tpu.vector_load %arg9[%swap3A_88] {strides = array<i32>} : memref<80xi32, #tpu.memory_space<vmem>>, vector<16xi32>,
      %swap3A_90 = vector.shape_cast %swap3A_89 : vector<16xi32> to vector<16xi32>
      %swap3A_91 = vector.shape_cast %select_n3A : vector<16xi32> to vector<16xi32>
      tpu.vector_store %arg9[%swap3A_88], %swap3A_91 {strides = array<i32>} : memref<80xi32, #tpu.memory_space<vmem>>, vector<16xi32>,
      %get3A_92 = arith.constant 16 : index
      %get3A_93 = tpu.vector_load %arg8[%get3A_92] {strides = array<i32>} : memref<80xi32, #tpu.memory_space<vmem>>, vector<16xi32>,
      %get3A_94 = vector.shape_cast %get3A_93 : vector<16xi32> to vector<16xi32>
      %add3A_95 = vector.broadcast %mul3A_5 : i32 to vector<16xi32>
      %add3A_96 = arith.addi %get3A_94, %add3A_95 : vector<16xi32>
      %swap3A_97 = arith.constant 16 : index
      %swap3A_98 = tpu.vector_load %arg8[%swap3A_97] {strides = array<i32>} : memref<80xi32, #tpu.memory_space<vmem>>, vector<16xi32>,
      %swap3A_99 = vector.shape_cast %swap3A_98 : vector<16xi32> to vector<16xi32>
      %swap3A_100 = vector.shape_cast %add3A_96 : vector<16xi32> to vector<16xi32>
      tpu.vector_store %arg8[%swap3A_97], %swap3A_100 {strides = array<i32>} : memref<80xi32, #tpu.memory_space<vmem>>, vector<16xi32>,
      %get3A_101 = arith.constant 16 : index
      %get3A_102 = tpu.vector_load %arg10[%get3A_101] {strides = array<i32>} : memref<80xi32, #tpu.memory_space<vmem>>, vector<16xi32>,
      %get3A_103 = vector.shape_cast %get3A_102 : vector<16xi32> to vector<16xi32>
      %add3A_104 = vector.broadcast %mul3A_7 : i32 to vector<16xi32>
      %add3A_105 = arith.addi %get3A_103, %add3A_104 : vector<16xi32>
      %swap3A_106 = arith.constant 16 : index
      %swap3A_107 = tpu.vector_load %arg10[%swap3A_106] {strides = array<i32>} : memref<80xi32, #tpu.memory_space<vmem>>, vector<16xi32>,
      %swap3A_108 = vector.shape_cast %swap3A_107 : vector<16xi32> to vector<16xi32>
      %swap3A_109 = vector.shape_cast %add3A_105 : vector<16xi32> to vector<16xi32>
      tpu.vector_store %arg10[%swap3A_106], %swap3A_109 {strides = array<i32>} : memref<80xi32, #tpu.memory_space<vmem>>, vector<16xi32>,
      %get3A_110 = arith.constant 16 : index
      %get3A_111 = tpu.vector_load %arg9[%get3A_110] {strides = array<i32>} : memref<80xi32, #tpu.memory_space<vmem>>, vector<16xi32>,
      %get3A_112 = vector.shape_cast %get3A_111 : vector<16xi32> to vector<16xi32>
      %sub3A_113 = arith.constant 0 : i32
      %sub3A_114 = vector.broadcast %sub3A_113 : i32 to vector<16xi32>
      %sub3A_115 = arith.subi %get3A_112, %sub3A_114 : vector<16xi32>
      %ge3A_116 = arith.constant 0 : i32
      %ge3A_117 = vector.broadcast %ge3A_116 : i32 to vector<16xi32>
      %ge3A_118 = arith.cmpi sge, %sub3A_115, %ge3A_117 : vector<16xi32>
      %lt3A_119 = arith.constant 5000 : i32
      %lt3A_120 = vector.broadcast %lt3A_119 : i32 to vector<16xi32>
      %lt3A_121 = arith.cmpi slt, %sub3A_115, %lt3A_120 : vector<16xi32>
      %and3A_122 = arith.andi %ge3A_118, %lt3A_121 : vector<16xi1>
      %jit3A_123 = arith.constant 5112 : i32
      %broadcast_in_dim3A_124 = vector.broadcast %jit3A_123 : i32 to vector<16xi32>
      %select_n3A_125 = arith.select %and3A_122, %sub3A_115, %broadcast_in_dim3A_124 : vector<16xi1>, vector<16xi32>
      %swap3A_126 = arith.constant 16 : index
      %swap3A_127 = tpu.vector_load %arg9[%swap3A_126] {strides = array<i32>} : memref<80xi32, #tpu.memory_space<vmem>>, vector<16xi32>,
      %swap3A_128 = vector.shape_cast %swap3A_127 : vector<16xi32> to vector<16xi32>
      %swap3A_129 = vector.shape_cast %select_n3A_125 : vector<16xi32> to vector<16xi32>
      tpu.vector_store %arg9[%swap3A_126], %swap3A_129 {strides = array<i32>} : memref<80xi32, #tpu.memory_space<vmem>>, vector<16xi32>,
      %get3A_130 = arith.constant 32 : index
      %get3A_131 = tpu.vector_load %arg8[%get3A_130] {strides = array<i32>} : memref<80xi32, #tpu.memory_space<vmem>>, vector<16xi32>,
      %get3A_132 = vector.shape_cast %get3A_131 : vector<16xi32> to vector<16xi32>
      %add3A_133 = vector.broadcast %mul3A_5 : i32 to vector<16xi32>
      %add3A_134 = arith.addi %get3A_132, %add3A_133 : vector<16xi32>
      %swap3A_135 = arith.constant 32 : index
      %swap3A_136 = tpu.vector_load %arg8[%swap3A_135] {strides = array<i32>} : memref<80xi32, #tpu.memory_space<vmem>>, vector<16xi32>,
      %swap3A_137 = vector.shape_cast %swap3A_136 : vector<16xi32> to vector<16xi32>
      %swap3A_138 = vector.shape_cast %add3A_134 : vector<16xi32> to vector<16xi32>
      tpu.vector_store %arg8[%swap3A_135], %swap3A_138 {strides = array<i32>} : memref<80xi32, #tpu.memory_space<vmem>>, vector<16xi32>,
      %get3A_139 = arith.constant 32 : index
      %get3A_140 = tpu.vector_load %arg10[%get3A_139] {strides = array<i32>} : memref<80xi32, #tpu.memory_space<vmem>>, vector<16xi32>,
      %get3A_141 = vector.shape_cast %get3A_140 : vector<16xi32> to vector<16xi32>
      %add3A_142 = vector.broadcast %mul3A_7 : i32 to vector<16xi32>
      %add3A_143 = arith.addi %get3A_141, %add3A_142 : vector<16xi32>
      %swap3A_144 = arith.constant 32 : index
      %swap3A_145 = tpu.vector_load %arg10[%swap3A_144] {strides = array<i32>} : memref<80xi32, #tpu.memory_space<vmem>>, vector<16xi32>,
      %swap3A_146 = vector.shape_cast %swap3A_145 : vector<16xi32> to vector<16xi32>
      %swap3A_147 = vector.shape_cast %add3A_143 : vector<16xi32> to vector<16xi32>
      tpu.vector_store %arg10[%swap3A_144], %swap3A_147 {strides = array<i32>} : memref<80xi32, #tpu.memory_space<vmem>>, vector<16xi32>,
      %get3A_148 = arith.constant 32 : index
      %get3A_149 = tpu.vector_load %arg9[%get3A_148] {strides = array<i32>} : memref<80xi32, #tpu.memory_space<vmem>>, vector<16xi32>,
      %get3A_150 = vector.shape_cast %get3A_149 : vector<16xi32> to vector<16xi32>
      %sub3A_151 = arith.constant 0 : i32
      %sub3A_152 = vector.broadcast %sub3A_151 : i32 to vector<16xi32>
      %sub3A_153 = arith.subi %get3A_150, %sub3A_152 : vector<16xi32>
      %ge3A_154 = arith.constant 0 : i32
      %ge3A_155 = vector.broadcast %ge3A_154 : i32 to vector<16xi32>
      %ge3A_156 = arith.cmpi sge, %sub3A_153, %ge3A_155 : vector<16xi32>
      %lt3A_157 = arith.constant 5000 : i32
      %lt3A_158 = vector.broadcast %lt3A_157 : i32 to vector<16xi32>
      %lt3A_159 = arith.cmpi slt, %sub3A_153, %lt3A_158 : vector<16xi32>
      %and3A_160 = arith.andi %ge3A_156, %lt3A_159 : vector<16xi1>
      %jit3A_161 = arith.constant 5112 : i32
      %broadcast_in_dim3A_162 = vector.broadcast %jit3A_161 : i32 to vector<16xi32>
      %select_n3A_163 = arith.select %and3A_160, %sub3A_153, %broadcast_in_dim3A_162 : vector<16xi1>, vector<16xi32>
      %swap3A_164 = arith.constant 32 : index
      %swap3A_165 = tpu.vector_load %arg9[%swap3A_164] {strides = array<i32>} : memref<80xi32, #tpu.memory_space<vmem>>, vector<16xi32>,
      %swap3A_166 = vector.shape_cast %swap3A_165 : vector<16xi32> to vector<16xi32>
      %swap3A_167 = vector.shape_cast %select_n3A_163 : vector<16xi32> to vector<16xi32>
      tpu.vector_store %arg9[%swap3A_164], %swap3A_167 {strides = array<i32>} : memref<80xi32, #tpu.memory_space<vmem>>, vector<16xi32>,
      %get3A_168 = arith.constant 48 : index
      %get3A_169 = tpu.vector_load %arg8[%get3A_168] {strides = array<i32>} : memref<80xi32, #tpu.memory_space<vmem>>, vector<16xi32>,
      %get3A_170 = vector.shape_cast %get3A_169 : vector<16xi32> to vector<16xi32>
      %add3A_171 = vector.broadcast %mul3A_5 : i32 to vector<16xi32>
      %add3A_172 = arith.addi %get3A_170, %add3A_171 : vector<16xi32>
      %swap3A_173 = arith.constant 48 : index
      %swap3A_174 = tpu.vector_load %arg8[%swap3A_173] {strides = array<i32>} : memref<80xi32, #tpu.memory_space<vmem>>, vector<16xi32>,
      %swap3A_175 = vector.shape_cast %swap3A_174 : vector<16xi32> to vector<16xi32>
      %swap3A_176 = vector.shape_cast %add3A_172 : vector<16xi32> to vector<16xi32>
      tpu.vector_store %arg8[%swap3A_173], %swap3A_176 {strides = array<i32>} : memref<80xi32, #tpu.memory_space<vmem>>, vector<16xi32>,
      %get3A_177 = arith.constant 48 : index
      %get3A_178 = tpu.vector_load %arg10[%get3A_177] {strides = array<i32>} : memref<80xi32, #tpu.memory_space<vmem>>, vector<16xi32>,
      %get3A_179 = vector.shape_cast %get3A_178 : vector<16xi32> to vector<16xi32>
      %add3A_180 = vector.broadcast %mul3A_7 : i32 to vector<16xi32>
      %add3A_181 = arith.addi %get3A_179, %add3A_180 : vector<16xi32>
      %swap3A_182 = arith.constant 48 : index
      %swap3A_183 = tpu.vector_load %arg10[%swap3A_182] {strides = array<i32>} : memref<80xi32, #tpu.memory_space<vmem>>, vector<16xi32>,
      %swap3A_184 = vector.shape_cast %swap3A_183 : vector<16xi32> to vector<16xi32>
      %swap3A_185 = vector.shape_cast %add3A_181 : vector<16xi32> to vector<16xi32>
      tpu.vector_store %arg10[%swap3A_182], %swap3A_185 {strides = array<i32>} : memref<80xi32, #tpu.memory_space<vmem>>, vector<16xi32>,
      %get3A_186 = arith.constant 48 : index
      %get3A_187 = tpu.vector_load %arg9[%get3A_186] {strides = array<i32>} : memref<80xi32, #tpu.memory_space<vmem>>, vector<16xi32>,
      %get3A_188 = vector.shape_cast %get3A_187 : vector<16xi32> to vector<16xi32>
      %sub3A_189 = arith.constant 0 : i32
      %sub3A_190 = vector.broadcast %sub3A_189 : i32 to vector<16xi32>
      %sub3A_191 = arith.subi %get3A_188, %sub3A_190 : vector<16xi32>
      %ge3A_192 = arith.constant 0 : i32
      %ge3A_193 = vector.broadcast %ge3A_192 : i32 to vector<16xi32>
      %ge3A_194 = arith.cmpi sge, %sub3A_191, %ge3A_193 : vector<16xi32>
      %lt3A_195 = arith.constant 5000 : i32
      %lt3A_196 = vector.broadcast %lt3A_195 : i32 to vector<16xi32>
      %lt3A_197 = arith.cmpi slt, %sub3A_191, %lt3A_196 : vector<16xi32>
      %and3A_198 = arith.andi %ge3A_194, %lt3A_197 : vector<16xi1>
      %jit3A_199 = arith.constant 5112 : i32
      %broadcast_in_dim3A_200 = vector.broadcast %jit3A_199 : i32 to vector<16xi32>
      %select_n3A_201 = arith.select %and3A_198, %sub3A_191, %broadcast_in_dim3A_200 : vector<16xi1>, vector<16xi32>
      %swap3A_202 = arith.constant 48 : index
      %swap3A_203 = tpu.vector_load %arg9[%swap3A_202] {strides = array<i32>} : memref<80xi32, #tpu.memory_space<vmem>>, vector<16xi32>,
      %swap3A_204 = vector.shape_cast %swap3A_203 : vector<16xi32> to vector<16xi32>
      %swap3A_205 = vector.shape_cast %select_n3A_201 : vector<16xi32> to vector<16xi32>
      tpu.vector_store %arg9[%swap3A_202], %swap3A_205 {strides = array<i32>} : memref<80xi32, #tpu.memory_space<vmem>>, vector<16xi32>,
      %get3A_206 = arith.constant 64 : index
      %get3A_207 = tpu.vector_load %arg8[%get3A_206] {strides = array<i32>} : memref<80xi32, #tpu.memory_space<vmem>>, vector<16xi32>,
      %get3A_208 = vector.shape_cast %get3A_207 : vector<16xi32> to vector<16xi32>
      %add3A_209 = vector.broadcast %mul3A_5 : i32 to vector<16xi32>
      %add3A_210 = arith.addi %get3A_208, %add3A_209 : vector<16xi32>
      %swap3A_211 = arith.constant 64 : index
      %swap3A_212 = tpu.vector_load %arg8[%swap3A_211] {strides = array<i32>} : memref<80xi32, #tpu.memory_space<vmem>>, vector<16xi32>,
      %swap3A_213 = vector.shape_cast %swap3A_212 : vector<16xi32> to vector<16xi32>
      %swap3A_214 = vector.shape_cast %add3A_210 : vector<16xi32> to vector<16xi32>
      tpu.vector_store %arg8[%swap3A_211], %swap3A_214 {strides = array<i32>} : memref<80xi32, #tpu.memory_space<vmem>>, vector<16xi32>,
      %get3A_215 = arith.constant 64 : index
      %get3A_216 = tpu.vector_load %arg10[%get3A_215] {strides = array<i32>} : memref<80xi32, #tpu.memory_space<vmem>>, vector<16xi32>,
      %get3A_217 = vector.shape_cast %get3A_216 : vector<16xi32> to vector<16xi32>
      %add3A_218 = vector.broadcast %mul3A_7 : i32 to vector<16xi32>
      %add3A_219 = arith.addi %get3A_217, %add3A_218 : vector<16xi32>
      %swap3A_220 = arith.constant 64 : index
      %swap3A_221 = tpu.vector_load %arg10[%swap3A_220] {strides = array<i32>} : memref<80xi32, #tpu.memory_space<vmem>>, vector<16xi32>,
      %swap3A_222 = vector.shape_cast %swap3A_221 : vector<16xi32> to vector<16xi32>
      %swap3A_223 = vector.shape_cast %add3A_219 : vector<16xi32> to vector<16xi32>
      tpu.vector_store %arg10[%swap3A_220], %swap3A_223 {strides = array<i32>} : memref<80xi32, #tpu.memory_space<vmem>>, vector<16xi32>,
      %get3A_224 = arith.constant 64 : index
      %get3A_225 = tpu.vector_load %arg9[%get3A_224] {strides = array<i32>} : memref<80xi32, #tpu.memory_space<vmem>>, vector<16xi32>,
      %get3A_226 = vector.shape_cast %get3A_225 : vector<16xi32> to vector<16xi32>
      %sub3A_227 = arith.constant 0 : i32
      %sub3A_228 = vector.broadcast %sub3A_227 : i32 to vector<16xi32>
      %sub3A_229 = arith.subi %get3A_226, %sub3A_228 : vector<16xi32>
      %ge3A_230 = arith.constant 0 : i32
      %ge3A_231 = vector.broadcast %ge3A_230 : i32 to vector<16xi32>
      %ge3A_232 = arith.cmpi sge, %sub3A_229, %ge3A_231 : vector<16xi32>
      %lt3A_233 = arith.constant 5000 : i32
      %lt3A_234 = vector.broadcast %lt3A_233 : i32 to vector<16xi32>
      %lt3A_235 = arith.cmpi slt, %sub3A_229, %lt3A_234 : vector<16xi32>
      %and3A_236 = arith.andi %ge3A_232, %lt3A_235 : vector<16xi1>
      %jit3A_237 = arith.constant 5112 : i32
      %broadcast_in_dim3A_238 = vector.broadcast %jit3A_237 : i32 to vector<16xi32>
      %select_n3A_239 = arith.select %and3A_236, %sub3A_229, %broadcast_in_dim3A_238 : vector<16xi1>, vector<16xi32>
      %swap3A_240 = arith.constant 64 : index
      %swap3A_241 = tpu.vector_load %arg9[%swap3A_240] {strides = array<i32>} : memref<80xi32, #tpu.memory_space<vmem>>, vector<16xi32>,
      %swap3A_242 = vector.shape_cast %swap3A_241 : vector<16xi32> to vector<16xi32>
      %swap3A_243 = vector.shape_cast %select_n3A_239 : vector<16xi32> to vector<16xi32>
      tpu.vector_store %arg9[%swap3A_240], %swap3A_243 {strides = array<i32>} : memref<80xi32, #tpu.memory_space<vmem>>, vector<16xi32>,
      %dma_start3A = arith.constant 0 : i32
      %dma_start3A_244 = arith.constant 0 : i32
      %dma_start3A_245 = tpu.memref_slice %arg2[%dma_start3A, %dma_start3A_244] : memref<20000x160xf32, #tpu.memory_space<hbm>> -> memref<20000x160xf32, #tpu.memory_space<hbm>>
      tpu.enqueue_indirect_dma source(%dma_start3A_245 : memref<20000x160xf32, #tpu.memory_space<hbm>>) target(%arg11 : memref<80x160xf32, #tpu.memory_space<vmem>>) offsets(%arg8 : memref<80xi32, #tpu.memory_space<vmem>>) semaphore(%arg19 : memref<!tpu.dma_semaphore, #tpu.memory_space<semaphore_mem>>)
      %dma_start3A_246 = arith.constant 0 : i32
      %dma_start3A_247 = arith.constant 0 : i32
      %dma_start3A_248 = tpu.memref_slice %arg3[%dma_start3A_246, %dma_start3A_247] : memref<2000x160xf32, #tpu.memory_space<hbm>> -> memref<2000x160xf32, #tpu.memory_space<hbm>>
      tpu.enqueue_indirect_dma source(%dma_start3A_248 : memref<2000x160xf32, #tpu.memory_space<hbm>>) target(%arg12 : memref<80x160xf32, #tpu.memory_space<vmem>>) offsets(%arg10 : memref<80xi32, #tpu.memory_space<vmem>>) semaphore(%arg20 : memref<!tpu.dma_semaphore, #tpu.memory_space<semaphore_mem>>)
      %mul3A_249 = arith.constant 2 : i32
      %mul3A_250 = arith.muli %mul3A_249, %scan3A_52 : i32
      %add3A_251 = arith.constant 1 : i32
      %add3A_252 = arith.addi %mul3A_250, %add3A_251 : i32
      %add3A_253 = arith.constant 0 : i32
      %add3A_254 = arith.addi %add3A_253, %arg1 : i32
      %mul3A_255 = arith.constant 16 : i32
      %mul3A_256 = arith.muli %add3A_252, %mul3A_255 : i32
      %add3A_257 = arith.addi %add3A_254, %mul3A_256 : i32
      %mul3A_258 = arith.constant 80 : i32
      %mul3A_259 = arith.muli %add3A_257, %mul3A_258 : i32
      "tpu.region"() ({
        %run_scoped3A = tpu.sem_alloc : memref<!tpu.dma_semaphore, #tpu.memory_space<semaphore_mem>>
        %dma_start3A_485 = tpu.memref_slice %arg4[%mul3A_259] : memref<174080xi32, #tpu.memory_space<hbm>> -> memref<80xi32, #tpu.memory_space<hbm>>
        %dma_start3A_486 = tpu.memref_slice %arg4[%mul3A_259] : memref<174080xi32, #tpu.memory_space<hbm>> -> memref<80xi32, #tpu.memory_space<hbm>>
        tpu.enqueue_dma source(%dma_start3A_486 : memref<80xi32, #tpu.memory_space<hbm>>) target(%arg8 : memref<80xi32, #tpu.memory_space<vmem>>) target_semaphore(%run_scoped3A : memref<!tpu.dma_semaphore, #tpu.memory_space<semaphore_mem>>)
        %dma_wait3A_487 = tpu.memref_slice %arg4[%mul3A_259] : memref<174080xi32, #tpu.memory_space<hbm>> -> memref<80xi32, #tpu.memory_space<hbm>>
        %dma_wait3A_488 = tpu.memref_slice %arg4[%mul3A_259] : memref<174080xi32, #tpu.memory_space<hbm>> -> memref<80xi32, #tpu.memory_space<hbm>>
        tpu.wait_dma2 semaphore(%run_scoped3A : memref<!tpu.dma_semaphore, #tpu.memory_space<semaphore_mem>>) src(%dma_wait3A_488 : memref<80xi32, #tpu.memory_space<hbm>>) dst(%arg8 : memref<80xi32, #tpu.memory_space<vmem>>)
        tpu.yield
      }) : () -> ()
      "tpu.region"() ({
        %run_scoped3A = tpu.sem_alloc : memref<!tpu.dma_semaphore, #tpu.memory_space<semaphore_mem>>
        %dma_start3A_485 = tpu.memref_slice %arg6[%mul3A_259] : memref<174080xi32, #tpu.memory_space<hbm>> -> memref<80xi32, #tpu.memory_space<hbm>>
        %dma_start3A_486 = tpu.memref_slice %arg6[%mul3A_259] : memref<174080xi32, #tpu.memory_space<hbm>> -> memref<80xi32, #tpu.memory_space<hbm>>
        tpu.enqueue_dma source(%dma_start3A_486 : memref<80xi32, #tpu.memory_space<hbm>>) target(%arg14 : memref<80xi32, #tpu.memory_space<vmem>>) target_semaphore(%run_scoped3A : memref<!tpu.dma_semaphore, #tpu.memory_space<semaphore_mem>>)
        %dma_wait3A_487 = tpu.memref_slice %arg6[%mul3A_259] : memref<174080xi32, #tpu.memory_space<hbm>> -> memref<80xi32, #tpu.memory_space<hbm>>
        %dma_wait3A_488 = tpu.memref_slice %arg6[%mul3A_259] : memref<174080xi32, #tpu.memory_space<hbm>> -> memref<80xi32, #tpu.memory_space<hbm>>
        tpu.wait_dma2 semaphore(%run_scoped3A : memref<!tpu.dma_semaphore, #tpu.memory_space<semaphore_mem>>) src(%dma_wait3A_488 : memref<80xi32, #tpu.memory_space<hbm>>) dst(%arg14 : memref<80xi32, #tpu.memory_space<vmem>>)
        tpu.yield
      }) : () -> ()
      "tpu.region"() ({
        %run_scoped3A = tpu.sem_alloc : memref<!tpu.dma_semaphore, #tpu.memory_space<semaphore_mem>>
        %dma_start3A_485 = tpu.memref_slice %arg5[%mul3A_259] : memref<174080xi32, #tpu.memory_space<hbm>> -> memref<80xi32, #tpu.memory_space<hbm>>
        %dma_start3A_486 = tpu.memref_slice %arg5[%mul3A_259] : memref<174080xi32, #tpu.memory_space<hbm>> -> memref<80xi32, #tpu.memory_space<hbm>>
        tpu.enqueue_dma source(%dma_start3A_486 : memref<80xi32, #tpu.memory_space<hbm>>) target(%arg13 : memref<80xi32, #tpu.memory_space<vmem>>) target_semaphore(%run_scoped3A : memref<!tpu.dma_semaphore, #tpu.memory_space<semaphore_mem>>)
        %dma_wait3A_487 = tpu.memref_slice %arg5[%mul3A_259] : memref<174080xi32, #tpu.memory_space<hbm>> -> memref<80xi32, #tpu.memory_space<hbm>>
        %dma_wait3A_488 = tpu.memref_slice %arg5[%mul3A_259] : memref<174080xi32, #tpu.memory_space<hbm>> -> memref<80xi32, #tpu.memory_space<hbm>>
        tpu.wait_dma2 semaphore(%run_scoped3A : memref<!tpu.dma_semaphore, #tpu.memory_space<semaphore_mem>>) src(%dma_wait3A_488 : memref<80xi32, #tpu.memory_space<hbm>>) dst(%arg13 : memref<80xi32, #tpu.memory_space<vmem>>)
        tpu.yield
      }) : () -> ()
      %get3A_260 = arith.constant 0 : index
      %get3A_261 = tpu.vector_load %arg8[%get3A_260] {strides = array<i32>} : memref<80xi32, #tpu.memory_space<vmem>>, vector<16xi32>,
      %get3A_262 = vector.shape_cast %get3A_261 : vector<16xi32> to vector<16xi32>
      %add3A_263 = vector.broadcast %mul3A_5 : i32 to vector<16xi32>
      %add3A_264 = arith.addi %get3A_262, %add3A_263 : vector<16xi32>
      %swap3A_265 = arith.constant 0 : index
      %swap3A_266 = tpu.vector_load %arg8[%swap3A_265] {strides = array<i32>} : memref<80xi32, #tpu.memory_space<vmem>>, vector<16xi32>,
      %swap3A_267 = vector.shape_cast %swap3A_266 : vector<16xi32> to vector<16xi32>
      %swap3A_268 = vector.shape_cast %add3A_264 : vector<16xi32> to vector<16xi32>
      tpu.vector_store %arg8[%swap3A_265], %swap3A_268 {strides = array<i32>} : memref<80xi32, #tpu.memory_space<vmem>>, vector<16xi32>,
      %get3A_269 = arith.constant 0 : index
      %get3A_270 = tpu.vector_load %arg14[%get3A_269] {strides = array<i32>} : memref<80xi32, #tpu.memory_space<vmem>>, vector<16xi32>,
      %get3A_271 = vector.shape_cast %get3A_270 : vector<16xi32> to vector<16xi32>
      %add3A_272 = vector.broadcast %mul3A_7 : i32 to vector<16xi32>
      %add3A_273 = arith.addi %get3A_271, %add3A_272 : vector<16xi32>
      %swap3A_274 = arith.constant 0 : index
      %swap3A_275 = tpu.vector_load %arg14[%swap3A_274] {strides = array<i32>} : memref<80xi32, #tpu.memory_space<vmem>>, vector<16xi32>,
      %swap3A_276 = vector.shape_cast %swap3A_275 : vector<16xi32> to vector<16xi32>
      %swap3A_277 = vector.shape_cast %add3A_273 : vector<16xi32> to vector<16xi32>
      tpu.vector_store %arg14[%swap3A_274], %swap3A_277 {strides = array<i32>} : memref<80xi32, #tpu.memory_space<vmem>>, vector<16xi32>,
      %get3A_278 = arith.constant 0 : index
      %get3A_279 = tpu.vector_load %arg13[%get3A_278] {strides = array<i32>} : memref<80xi32, #tpu.memory_space<vmem>>, vector<16xi32>,
      %get3A_280 = vector.shape_cast %get3A_279 : vector<16xi32> to vector<16xi32>
      %sub3A_281 = arith.constant 0 : i32
      %sub3A_282 = vector.broadcast %sub3A_281 : i32 to vector<16xi32>
      %sub3A_283 = arith.subi %get3A_280, %sub3A_282 : vector<16xi32>
      %ge3A_284 = arith.constant 0 : i32
      %ge3A_285 = vector.broadcast %ge3A_284 : i32 to vector<16xi32>
      %ge3A_286 = arith.cmpi sge, %sub3A_283, %ge3A_285 : vector<16xi32>
      %lt3A_287 = arith.constant 5000 : i32
      %lt3A_288 = vector.broadcast %lt3A_287 : i32 to vector<16xi32>
      %lt3A_289 = arith.cmpi slt, %sub3A_283, %lt3A_288 : vector<16xi32>
      %and3A_290 = arith.andi %ge3A_286, %lt3A_289 : vector<16xi1>
      %jit3A_291 = arith.constant 5112 : i32
      %broadcast_in_dim3A_292 = vector.broadcast %jit3A_291 : i32 to vector<16xi32>
      %select_n3A_293 = arith.select %and3A_290, %sub3A_283, %broadcast_in_dim3A_292 : vector<16xi1>, vector<16xi32>
      %swap3A_294 = arith.constant 0 : index
      %swap3A_295 = tpu.vector_load %arg13[%swap3A_294] {strides = array<i32>} : memref<80xi32, #tpu.memory_space<vmem>>, vector<16xi32>,
      %swap3A_296 = vector.shape_cast %swap3A_295 : vector<16xi32> to vector<16xi32>
      %swap3A_297 = vector.shape_cast %select_n3A_293 : vector<16xi32> to vector<16xi32>
      tpu.vector_store %arg13[%swap3A_294], %swap3A_297 {strides = array<i32>} : memref<80xi32, #tpu.memory_space<vmem>>, vector<16xi32>,
      %get3A_298 = arith.constant 16 : index
      %get3A_299 = tpu.vector_load %arg8[%get3A_298] {strides = array<i32>} : memref<80xi32, #tpu.memory_space<vmem>>, vector<16xi32>,
      %get3A_300 = vector.shape_cast %get3A_299 : vector<16xi32> to vector<16xi32>
      %add3A_301 = vector.broadcast %mul3A_5 : i32 to vector<16xi32>
      %add3A_302 = arith.addi %get3A_300, %add3A_301 : vector<16xi32>
      %swap3A_303 = arith.constant 16 : index
      %swap3A_304 = tpu.vector_load %arg8[%swap3A_303] {strides = array<i32>} : memref<80xi32, #tpu.memory_space<vmem>>, vector<16xi32>,
      %swap3A_305 = vector.shape_cast %swap3A_304 : vector<16xi32> to vector<16xi32>
      %swap3A_306 = vector.shape_cast %add3A_302 : vector<16xi32> to vector<16xi32>
      tpu.vector_store %arg8[%swap3A_303], %swap3A_306 {strides = array<i32>} : memref<80xi32, #tpu.memory_space<vmem>>, vector<16xi32>,
      %get3A_307 = arith.constant 16 : index
      %get3A_308 = tpu.vector_load %arg14[%get3A_307] {strides = array<i32>} : memref<80xi32, #tpu.memory_space<vmem>>, vector<16xi32>,
      %get3A_309 = vector.shape_cast %get3A_308 : vector<16xi32> to vector<16xi32>
      %add3A_310 = vector.broadcast %mul3A_7 : i32 to vector<16xi32>
      %add3A_311 = arith.addi %get3A_309, %add3A_310 : vector<16xi32>
      %swap3A_312 = arith.constant 16 : index
      %swap3A_313 = tpu.vector_load %arg14[%swap3A_312] {strides = array<i32>} : memref<80xi32, #tpu.memory_space<vmem>>, vector<16xi32>,
      %swap3A_314 = vector.shape_cast %swap3A_313 : vector<16xi32> to vector<16xi32>
      %swap3A_315 = vector.shape_cast %add3A_311 : vector<16xi32> to vector<16xi32>
      tpu.vector_store %arg14[%swap3A_312], %swap3A_315 {strides = array<i32>} : memref<80xi32, #tpu.memory_space<vmem>>, vector<16xi32>,
      %get3A_316 = arith.constant 16 : index
      %get3A_317 = tpu.vector_load %arg13[%get3A_316] {strides = array<i32>} : memref<80xi32, #tpu.memory_space<vmem>>, vector<16xi32>,
      %get3A_318 = vector.shape_cast %get3A_317 : vector<16xi32> to vector<16xi32>
      %sub3A_319 = arith.constant 0 : i32
      %sub3A_320 = vector.broadcast %sub3A_319 : i32 to vector<16xi32>
      %sub3A_321 = arith.subi %get3A_318, %sub3A_320 : vector<16xi32>
      %ge3A_322 = arith.constant 0 : i32
      %ge3A_323 = vector.broadcast %ge3A_322 : i32 to vector<16xi32>
      %ge3A_324 = arith.cmpi sge, %sub3A_321, %ge3A_323 : vector<16xi32>
      %lt3A_325 = arith.constant 5000 : i32
      %lt3A_326 = vector.broadcast %lt3A_325 : i32 to vector<16xi32>
      %lt3A_327 = arith.cmpi slt, %sub3A_321, %lt3A_326 : vector<16xi32>
      %and3A_328 = arith.andi %ge3A_324, %lt3A_327 : vector<16xi1>
      %jit3A_329 = arith.constant 5112 : i32
      %broadcast_in_dim3A_330 = vector.broadcast %jit3A_329 : i32 to vector<16xi32>
      %select_n3A_331 = arith.select %and3A_328, %sub3A_321, %broadcast_in_dim3A_330 : vector<16xi1>, vector<16xi32>
      %swap3A_332 = arith.constant 16 : index
      %swap3A_333 = tpu.vector_load %arg13[%swap3A_332] {strides = array<i32>} : memref<80xi32, #tpu.memory_space<vmem>>, vector<16xi32>,
      %swap3A_334 = vector.shape_cast %swap3A_333 : vector<16xi32> to vector<16xi32>
      %swap3A_335 = vector.shape_cast %select_n3A_331 : vector<16xi32> to vector<16xi32>
      tpu.vector_store %arg13[%swap3A_332], %swap3A_335 {strides = array<i32>} : memref<80xi32, #tpu.memory_space<vmem>>, vector<16xi32>,
      %get3A_336 = arith.constant 32 : index
      %get3A_337 = tpu.vector_load %arg8[%get3A_336] {strides = array<i32>} : memref<80xi32, #tpu.memory_space<vmem>>, vector<16xi32>,
      %get3A_338 = vector.shape_cast %get3A_337 : vector<16xi32> to vector<16xi32>
      %add3A_339 = vector.broadcast %mul3A_5 : i32 to vector<16xi32>
      %add3A_340 = arith.addi %get3A_338, %add3A_339 : vector<16xi32>
      %swap3A_341 = arith.constant 32 : index
      %swap3A_342 = tpu.vector_load %arg8[%swap3A_341] {strides = array<i32>} : memref<80xi32, #tpu.memory_space<vmem>>, vector<16xi32>,
      %swap3A_343 = vector.shape_cast %swap3A_342 : vector<16xi32> to vector<16xi32>
      %swap3A_344 = vector.shape_cast %add3A_340 : vector<16xi32> to vector<16xi32>
      tpu.vector_store %arg8[%swap3A_341], %swap3A_344 {strides = array<i32>} : memref<80xi32, #tpu.memory_space<vmem>>, vector<16xi32>,
      %get3A_345 = arith.constant 32 : index
      %get3A_346 = tpu.vector_load %arg14[%get3A_345] {strides = array<i32>} : memref<80xi32, #tpu.memory_space<vmem>>, vector<16xi32>,
      %get3A_347 = vector.shape_cast %get3A_346 : vector<16xi32> to vector<16xi32>
      %add3A_348 = vector.broadcast %mul3A_7 : i32 to vector<16xi32>
      %add3A_349 = arith.addi %get3A_347, %add3A_348 : vector<16xi32>
      %swap3A_350 = arith.constant 32 : index
      %swap3A_351 = tpu.vector_load %arg14[%swap3A_350] {strides = array<i32>} : memref<80xi32, #tpu.memory_space<vmem>>, vector<16xi32>,
      %swap3A_352 = vector.shape_cast %swap3A_351 : vector<16xi32> to vector<16xi32>
      %swap3A_353 = vector.shape_cast %add3A_349 : vector<16xi32> to vector<16xi32>
      tpu.vector_store %arg14[%swap3A_350], %swap3A_353 {strides = array<i32>} : memref<80xi32, #tpu.memory_space<vmem>>, vector<16xi32>,
      %get3A_354 = arith.constant 32 : index
      %get3A_355 = tpu.vector_load %arg13[%get3A_354] {strides = array<i32>} : memref<80xi32, #tpu.memory_space<vmem>>, vector<16xi32>,
      %get3A_356 = vector.shape_cast %get3A_355 : vector<16xi32> to vector<16xi32>
      %sub3A_357 = arith.constant 0 : i32
      %sub3A_358 = vector.broadcast %sub3A_357 : i32 to vector<16xi32>
      %sub3A_359 = arith.subi %get3A_356, %sub3A_358 : vector<16xi32>
      %ge3A_360 = arith.constant 0 : i32
      %ge3A_361 = vector.broadcast %ge3A_360 : i32 to vector<16xi32>
      %ge3A_362 = arith.cmpi sge, %sub3A_359, %ge3A_361 : vector<16xi32>
      %lt3A_363 = arith.constant 5000 : i32
      %lt3A_364 = vector.broadcast %lt3A_363 : i32 to vector<16xi32>
      %lt3A_365 = arith.cmpi slt, %sub3A_359, %lt3A_364 : vector<16xi32>
      %and3A_366 = arith.andi %ge3A_362, %lt3A_365 : vector<16xi1>
      %jit3A_367 = arith.constant 5112 : i32
      %broadcast_in_dim3A_368 = vector.broadcast %jit3A_367 : i32 to vector<16xi32>
      %select_n3A_369 = arith.select %and3A_366, %sub3A_359, %broadcast_in_dim3A_368 : vector<16xi1>, vector<16xi32>
      %swap3A_370 = arith.constant 32 : index
      %swap3A_371 = tpu.vector_load %arg13[%swap3A_370] {strides = array<i32>} : memref<80xi32, #tpu.memory_space<vmem>>, vector<16xi32>,
      %swap3A_372 = vector.shape_cast %swap3A_371 : vector<16xi32> to vector<16xi32>
      %swap3A_373 = vector.shape_cast %select_n3A_369 : vector<16xi32> to vector<16xi32>
      tpu.vector_store %arg13[%swap3A_370], %swap3A_373 {strides = array<i32>} : memref<80xi32, #tpu.memory_space<vmem>>, vector<16xi32>,
      %get3A_374 = arith.constant 48 : index
      %get3A_375 = tpu.vector_load %arg8[%get3A_374] {strides = array<i32>} : memref<80xi32, #tpu.memory_space<vmem>>, vector<16xi32>,
      %get3A_376 = vector.shape_cast %get3A_375 : vector<16xi32> to vector<16xi32>
      %add3A_377 = vector.broadcast %mul3A_5 : i32 to vector<16xi32>
      %add3A_378 = arith.addi %get3A_376, %add3A_377 : vector<16xi32>
      %swap3A_379 = arith.constant 48 : index
      %swap3A_380 = tpu.vector_load %arg8[%swap3A_379] {strides = array<i32>} : memref<80xi32, #tpu.memory_space<vmem>>, vector<16xi32>,
      %swap3A_381 = vector.shape_cast %swap3A_380 : vector<16xi32> to vector<16xi32>
      %swap3A_382 = vector.shape_cast %add3A_378 : vector<16xi32> to vector<16xi32>
      tpu.vector_store %arg8[%swap3A_379], %swap3A_382 {strides = array<i32>} : memref<80xi32, #tpu.memory_space<vmem>>, vector<16xi32>,
      %get3A_383 = arith.constant 48 : index
      %get3A_384 = tpu.vector_load %arg14[%get3A_383] {strides = array<i32>} : memref<80xi32, #tpu.memory_space<vmem>>, vector<16xi32>,
      %get3A_385 = vector.shape_cast %get3A_384 : vector<16xi32> to vector<16xi32>
      %add3A_386 = vector.broadcast %mul3A_7 : i32 to vector<16xi32>
      %add3A_387 = arith.addi %get3A_385, %add3A_386 : vector<16xi32>
      %swap3A_388 = arith.constant 48 : index
      %swap3A_389 = tpu.vector_load %arg14[%swap3A_388] {strides = array<i32>} : memref<80xi32, #tpu.memory_space<vmem>>, vector<16xi32>,
      %swap3A_390 = vector.shape_cast %swap3A_389 : vector<16xi32> to vector<16xi32>
      %swap3A_391 = vector.shape_cast %add3A_387 : vector<16xi32> to vector<16xi32>
      tpu.vector_store %arg14[%swap3A_388], %swap3A_391 {strides = array<i32>} : memref<80xi32, #tpu.memory_space<vmem>>, vector<16xi32>,
      %get3A_392 = arith.constant 48 : index
      %get3A_393 = tpu.vector_load %arg13[%get3A_392] {strides = array<i32>} : memref<80xi32, #tpu.memory_space<vmem>>, vector<16xi32>,
      %get3A_394 = vector.shape_cast %get3A_393 : vector<16xi32> to vector<16xi32>
      %sub3A_395 = arith.constant 0 : i32
      %sub3A_396 = vector.broadcast %sub3A_395 : i32 to vector<16xi32>
      %sub3A_397 = arith.subi %get3A_394, %sub3A_396 : vector<16xi32>
      %ge3A_398 = arith.constant 0 : i32
      %ge3A_399 = vector.broadcast %ge3A_398 : i32 to vector<16xi32>
      %ge3A_400 = arith.cmpi sge, %sub3A_397, %ge3A_399 : vector<16xi32>
      %lt3A_401 = arith.constant 5000 : i32
      %lt3A_402 = vector.broadcast %lt3A_401 : i32 to vector<16xi32>
      %lt3A_403 = arith.cmpi slt, %sub3A_397, %lt3A_402 : vector<16xi32>
      %and3A_404 = arith.andi %ge3A_400, %lt3A_403 : vector<16xi1>
      %jit3A_405 = arith.constant 5112 : i32
      %broadcast_in_dim3A_406 = vector.broadcast %jit3A_405 : i32 to vector<16xi32>
      %select_n3A_407 = arith.select %and3A_404, %sub3A_397, %broadcast_in_dim3A_406 : vector<16xi1>, vector<16xi32>
      %swap3A_408 = arith.constant 48 : index
      %swap3A_409 = tpu.vector_load %arg13[%swap3A_408] {strides = array<i32>} : memref<80xi32, #tpu.memory_space<vmem>>, vector<16xi32>,
      %swap3A_410 = vector.shape_cast %swap3A_409 : vector<16xi32> to vector<16xi32>
      %swap3A_411 = vector.shape_cast %select_n3A_407 : vector<16xi32> to vector<16xi32>
      tpu.vector_store %arg13[%swap3A_408], %swap3A_411 {strides = array<i32>} : memref<80xi32, #tpu.memory_space<vmem>>, vector<16xi32>,
      %get3A_412 = arith.constant 64 : index
      %get3A_413 = tpu.vector_load %arg8[%get3A_412] {strides = array<i32>} : memref<80xi32, #tpu.memory_space<vmem>>, vector<16xi32>,
      %get3A_414 = vector.shape_cast %get3A_413 : vector<16xi32> to vector<16xi32>
      %add3A_415 = vector.broadcast %mul3A_5 : i32 to vector<16xi32>
      %add3A_416 = arith.addi %get3A_414, %add3A_415 : vector<16xi32>
      %swap3A_417 = arith.constant 64 : index
      %swap3A_418 = tpu.vector_load %arg8[%swap3A_417] {strides = array<i32>} : memref<80xi32, #tpu.memory_space<vmem>>, vector<16xi32>,
      %swap3A_419 = vector.shape_cast %swap3A_418 : vector<16xi32> to vector<16xi32>
      %swap3A_420 = vector.shape_cast %add3A_416 : vector<16xi32> to vector<16xi32>
      tpu.vector_store %arg8[%swap3A_417], %swap3A_420 {strides = array<i32>} : memref<80xi32, #tpu.memory_space<vmem>>, vector<16xi32>,
      %get3A_421 = arith.constant 64 : index
      %get3A_422 = tpu.vector_load %arg14[%get3A_421] {strides = array<i32>} : memref<80xi32, #tpu.memory_space<vmem>>, vector<16xi32>,
      %get3A_423 = vector.shape_cast %get3A_422 : vector<16xi32> to vector<16xi32>
      %add3A_424 = vector.broadcast %mul3A_7 : i32 to vector<16xi32>
      %add3A_425 = arith.addi %get3A_423, %add3A_424 : vector<16xi32>
      %swap3A_426 = arith.constant 64 : index
      %swap3A_427 = tpu.vector_load %arg14[%swap3A_426] {strides = array<i32>} : memref<80xi32, #tpu.memory_space<vmem>>, vector<16xi32>,
      %swap3A_428 = vector.shape_cast %swap3A_427 : vector<16xi32> to vector<16xi32>
      %swap3A_429 = vector.shape_cast %add3A_425 : vector<16xi32> to vector<16xi32>
      tpu.vector_store %arg14[%swap3A_426], %swap3A_429 {strides = array<i32>} : memref<80xi32, #tpu.memory_space<vmem>>, vector<16xi32>,
      %get3A_430 = arith.constant 64 : index
      %get3A_431 = tpu.vector_load %arg13[%get3A_430] {strides = array<i32>} : memref<80xi32, #tpu.memory_space<vmem>>, vector<16xi32>,
      %get3A_432 = vector.shape_cast %get3A_431 : vector<16xi32> to vector<16xi32>
      %sub3A_433 = arith.constant 0 : i32
      %sub3A_434 = vector.broadcast %sub3A_433 : i32 to vector<16xi32>
      %sub3A_435 = arith.subi %get3A_432, %sub3A_434 : vector<16xi32>
      %ge3A_436 = arith.constant 0 : i32
      %ge3A_437 = vector.broadcast %ge3A_436 : i32 to vector<16xi32>
      %ge3A_438 = arith.cmpi sge, %sub3A_435, %ge3A_437 : vector<16xi32>
      %lt3A_439 = arith.constant 5000 : i32
      %lt3A_440 = vector.broadcast %lt3A_439 : i32 to vector<16xi32>
      %lt3A_441 = arith.cmpi slt, %sub3A_435, %lt3A_440 : vector<16xi32>
      %and3A_442 = arith.andi %ge3A_438, %lt3A_441 : vector<16xi1>
      %jit3A_443 = arith.constant 5112 : i32
      %broadcast_in_dim3A_444 = vector.broadcast %jit3A_443 : i32 to vector<16xi32>
      %select_n3A_445 = arith.select %and3A_442, %sub3A_435, %broadcast_in_dim3A_444 : vector<16xi1>, vector<16xi32>
      %swap3A_446 = arith.constant 64 : index
      %swap3A_447 = tpu.vector_load %arg13[%swap3A_446] {strides = array<i32>} : memref<80xi32, #tpu.memory_space<vmem>>, vector<16xi32>,
      %swap3A_448 = vector.shape_cast %swap3A_447 : vector<16xi32> to vector<16xi32>
      %swap3A_449 = vector.shape_cast %select_n3A_445 : vector<16xi32> to vector<16xi32>
      tpu.vector_store %arg13[%swap3A_446], %swap3A_449 {strides = array<i32>} : memref<80xi32, #tpu.memory_space<vmem>>, vector<16xi32>,
      %dma_start3A_450 = arith.constant 0 : i32
      %dma_start3A_451 = arith.constant 0 : i32
      %dma_start3A_452 = tpu.memref_slice %arg2[%dma_start3A_450, %dma_start3A_451] : memref<20000x160xf32, #tpu.memory_space<hbm>> -> memref<20000x160xf32, #tpu.memory_space<hbm>>
      tpu.enqueue_indirect_dma source(%dma_start3A_452 : memref<20000x160xf32, #tpu.memory_space<hbm>>) target(%arg15 : memref<80x160xf32, #tpu.memory_space<vmem>>) offsets(%arg8 : memref<80xi32, #tpu.memory_space<vmem>>) semaphore(%arg21 : memref<!tpu.dma_semaphore, #tpu.memory_space<semaphore_mem>>)
      %dma_start3A_453 = arith.constant 0 : i32
      %dma_start3A_454 = arith.constant 0 : i32
      %dma_start3A_455 = tpu.memref_slice %arg3[%dma_start3A_453, %dma_start3A_454] : memref<2000x160xf32, #tpu.memory_space<hbm>> -> memref<2000x160xf32, #tpu.memory_space<hbm>>
      tpu.enqueue_indirect_dma source(%dma_start3A_455 : memref<2000x160xf32, #tpu.memory_space<hbm>>) target(%arg16 : memref<80x160xf32, #tpu.memory_space<vmem>>) offsets(%arg14 : memref<80xi32, #tpu.memory_space<vmem>>) semaphore(%arg22 : memref<!tpu.dma_semaphore, #tpu.memory_space<semaphore_mem>>)
      %dma_wait3A = arith.constant 0 : i32
      %dma_wait3A_456 = arith.constant 0 : i32
      %dma_wait3A_457 = tpu.memref_slice %arg2[%dma_wait3A, %dma_wait3A_456] : memref<20000x160xf32, #tpu.memory_space<hbm>> -> memref<20000x160xf32, #tpu.memory_space<hbm>>
      tpu.wait_indirect_dma semaphore(%arg19 : memref<!tpu.dma_semaphore, #tpu.memory_space<semaphore_mem>>) src(%dma_wait3A_457 : memref<20000x160xf32, #tpu.memory_space<hbm>>) dst(%arg11 : memref<80x160xf32, #tpu.memory_space<vmem>>)
      %dma_wait3A_458 = arith.constant 0 : i32
      %dma_wait3A_459 = arith.constant 0 : i32
      %dma_wait3A_460 = tpu.memref_slice %arg3[%dma_wait3A_458, %dma_wait3A_459] : memref<2000x160xf32, #tpu.memory_space<hbm>> -> memref<2000x160xf32, #tpu.memory_space<hbm>>
      tpu.wait_indirect_dma semaphore(%arg20 : memref<!tpu.dma_semaphore, #tpu.memory_space<semaphore_mem>>) src(%dma_wait3A_460 : memref<2000x160xf32, #tpu.memory_space<hbm>>) dst(%arg12 : memref<80x160xf32, #tpu.memory_space<vmem>>)
      %scan3A_461 = arith.constant 0 : i32
      %scan3A_462 = arith.constant 0 : i32
      %scan3A_463 = arith.constant 80 : i32
      %scan3A_464 = arith.addi %scan3A_462, %scan3A_463 : i32
      %scan3A_465 = arith.constant 1 : i32
      scf.for %scan3A_485 = %scan3A_462 to %scan3A_464 step %scan3A_465  : i32 {
        %get3A_486 = arith.index_cast %scan3A_485 : i32 to index
        %get3A_487 = arith.constant 0 : index
        %get3A_488 = tpu.vector_load %arg11[%get3A_486, %get3A_487] {strides = array<i32>} : memref<80x160xf32, #tpu.memory_space<vmem>>, vector<1x16xf32>,
        %get3A_489 = vector.shape_cast %get3A_488 : vector<1x16xf32> to vector<16xf32>
        %get3A_490 = arith.index_cast %scan3A_485 : i32 to index
        %get3A_491 = arith.constant 0 : index
        %get3A_492 = tpu.vector_load %arg12[%get3A_490, %get3A_491] {strides = array<i32>} : memref<80x160xf32, #tpu.memory_space<vmem>>, vector<1x16xf32>,
        %get3A_493 = vector.shape_cast %get3A_492 : vector<1x16xf32> to vector<16xf32>
        %add3A_494 = arith.addf %get3A_489, %get3A_493 : vector<16xf32>
        %max3A = arith.constant 0.000000e+00 : f32
        %max3A_495 = vector.broadcast %max3A : f32 to vector<16xf32>
        %max3A_496 = arith.maximumf %add3A_494, %max3A_495 : vector<16xf32>
        %swap3A_497 = arith.index_cast %scan3A_485 : i32 to index
        %swap3A_498 = arith.constant 0 : index
        %swap3A_499 = tpu.vector_load %arg11[%swap3A_497, %swap3A_498] {strides = array<i32>} : memref<80x160xf32, #tpu.memory_space<vmem>>, vector<1x16xf32>,
        %swap3A_500 = vector.shape_cast %swap3A_499 : vector<1x16xf32> to vector<16xf32>
        %swap3A_501 = vector.shape_cast %max3A_496 : vector<16xf32> to vector<1x16xf32>
        tpu.vector_store %arg11[%swap3A_497, %swap3A_498], %swap3A_501 {strides = array<i32>} : memref<80x160xf32, #tpu.memory_space<vmem>>, vector<1x16xf32>,
        %get3A_502 = arith.index_cast %scan3A_485 : i32 to index
        %get3A_503 = arith.constant 16 : index
        %get3A_504 = tpu.vector_load %arg11[%get3A_502, %get3A_503] {strides = array<i32>} : memref<80x160xf32, #tpu.memory_space<vmem>>, vector<1x16xf32>,
        %get3A_505 = vector.shape_cast %get3A_504 : vector<1x16xf32> to vector<16xf32>
        %get3A_506 = arith.index_cast %scan3A_485 : i32 to index
        %get3A_507 = arith.constant 16 : index
        %get3A_508 = tpu.vector_load %arg12[%get3A_506, %get3A_507] {strides = array<i32>} : memref<80x160xf32, #tpu.memory_space<vmem>>, vector<1x16xf32>,
        %get3A_509 = vector.shape_cast %get3A_508 : vector<1x16xf32> to vector<16xf32>
        %add3A_510 = arith.addf %get3A_505, %get3A_509 : vector<16xf32>
        %max3A_511 = arith.constant 0.000000e+00 : f32
        %max3A_512 = vector.broadcast %max3A_511 : f32 to vector<16xf32>
        %max3A_513 = arith.maximumf %add3A_510, %max3A_512 : vector<16xf32>
        %swap3A_514 = arith.index_cast %scan3A_485 : i32 to index
        %swap3A_515 = arith.constant 16 : index
        %swap3A_516 = tpu.vector_load %arg11[%swap3A_514, %swap3A_515] {strides = array<i32>} : memref<80x160xf32, #tpu.memory_space<vmem>>, vector<1x16xf32>,
        %swap3A_517 = vector.shape_cast %swap3A_516 : vector<1x16xf32> to vector<16xf32>
        %swap3A_518 = vector.shape_cast %max3A_513 : vector<16xf32> to vector<1x16xf32>
        tpu.vector_store %arg11[%swap3A_514, %swap3A_515], %swap3A_518 {strides = array<i32>} : memref<80x160xf32, #tpu.memory_space<vmem>>, vector<1x16xf32>,
        %get3A_519 = arith.index_cast %scan3A_485 : i32 to index
        %get3A_520 = arith.constant 32 : index
        %get3A_521 = tpu.vector_load %arg11[%get3A_519, %get3A_520] {strides = array<i32>} : memref<80x160xf32, #tpu.memory_space<vmem>>, vector<1x16xf32>,
        %get3A_522 = vector.shape_cast %get3A_521 : vector<1x16xf32> to vector<16xf32>
        %get3A_523 = arith.index_cast %scan3A_485 : i32 to index
        %get3A_524 = arith.constant 32 : index
        %get3A_525 = tpu.vector_load %arg12[%get3A_523, %get3A_524] {strides = array<i32>} : memref<80x160xf32, #tpu.memory_space<vmem>>, vector<1x16xf32>,
        %get3A_526 = vector.shape_cast %get3A_525 : vector<1x16xf32> to vector<16xf32>
        %add3A_527 = arith.addf %get3A_522, %get3A_526 : vector<16xf32>
        %max3A_528 = arith.constant 0.000000e+00 : f32
        %max3A_529 = vector.broadcast %max3A_528 : f32 to vector<16xf32>
        %max3A_530 = arith.maximumf %add3A_527, %max3A_529 : vector<16xf32>
        %swap3A_531 = arith.index_cast %scan3A_485 : i32 to index
        %swap3A_532 = arith.constant 32 : index
        %swap3A_533 = tpu.vector_load %arg11[%swap3A_531, %swap3A_532] {strides = array<i32>} : memref<80x160xf32, #tpu.memory_space<vmem>>, vector<1x16xf32>,
        %swap3A_534 = vector.shape_cast %swap3A_533 : vector<1x16xf32> to vector<16xf32>
        %swap3A_535 = vector.shape_cast %max3A_530 : vector<16xf32> to vector<1x16xf32>
        tpu.vector_store %arg11[%swap3A_531, %swap3A_532], %swap3A_535 {strides = array<i32>} : memref<80x160xf32, #tpu.memory_space<vmem>>, vector<1x16xf32>,
        %get3A_536 = arith.index_cast %scan3A_485 : i32 to index
        %get3A_537 = arith.constant 48 : index
        %get3A_538 = tpu.vector_load %arg11[%get3A_536, %get3A_537] {strides = array<i32>} : memref<80x160xf32, #tpu.memory_space<vmem>>, vector<1x16xf32>,
        %get3A_539 = vector.shape_cast %get3A_538 : vector<1x16xf32> to vector<16xf32>
        %get3A_540 = arith.index_cast %scan3A_485 : i32 to index
        %get3A_541 = arith.constant 48 : index
        %get3A_542 = tpu.vector_load %arg12[%get3A_540, %get3A_541] {strides = array<i32>} : memref<80x160xf32, #tpu.memory_space<vmem>>, vector<1x16xf32>,
        %get3A_543 = vector.shape_cast %get3A_542 : vector<1x16xf32> to vector<16xf32>
        %add3A_544 = arith.addf %get3A_539, %get3A_543 : vector<16xf32>
        %max3A_545 = arith.constant 0.000000e+00 : f32
        %max3A_546 = vector.broadcast %max3A_545 : f32 to vector<16xf32>
        %max3A_547 = arith.maximumf %add3A_544, %max3A_546 : vector<16xf32>
        %swap3A_548 = arith.index_cast %scan3A_485 : i32 to index
        %swap3A_549 = arith.constant 48 : index
        %swap3A_550 = tpu.vector_load %arg11[%swap3A_548, %swap3A_549] {strides = array<i32>} : memref<80x160xf32, #tpu.memory_space<vmem>>, vector<1x16xf32>,
        %swap3A_551 = vector.shape_cast %swap3A_550 : vector<1x16xf32> to vector<16xf32>
        %swap3A_552 = vector.shape_cast %max3A_547 : vector<16xf32> to vector<1x16xf32>
        tpu.vector_store %arg11[%swap3A_548, %swap3A_549], %swap3A_552 {strides = array<i32>} : memref<80x160xf32, #tpu.memory_space<vmem>>, vector<1x16xf32>,
        %get3A_553 = arith.index_cast %scan3A_485 : i32 to index
        %get3A_554 = arith.constant 64 : index
        %get3A_555 = tpu.vector_load %arg11[%get3A_553, %get3A_554] {strides = array<i32>} : memref<80x160xf32, #tpu.memory_space<vmem>>, vector<1x16xf32>,
        %get3A_556 = vector.shape_cast %get3A_555 : vector<1x16xf32> to vector<16xf32>
        %get3A_557 = arith.index_cast %scan3A_485 : i32 to index
        %get3A_558 = arith.constant 64 : index
        %get3A_559 = tpu.vector_load %arg12[%get3A_557, %get3A_558] {strides = array<i32>} : memref<80x160xf32, #tpu.memory_space<vmem>>, vector<1x16xf32>,
        %get3A_560 = vector.shape_cast %get3A_559 : vector<1x16xf32> to vector<16xf32>
        %add3A_561 = arith.addf %get3A_556, %get3A_560 : vector<16xf32>
        %max3A_562 = arith.constant 0.000000e+00 : f32
        %max3A_563 = vector.broadcast %max3A_562 : f32 to vector<16xf32>
        %max3A_564 = arith.maximumf %add3A_561, %max3A_563 : vector<16xf32>
        %swap3A_565 = arith.index_cast %scan3A_485 : i32 to index
        %swap3A_566 = arith.constant 64 : index
        %swap3A_567 = tpu.vector_load %arg11[%swap3A_565, %swap3A_566] {strides = array<i32>} : memref<80x160xf32, #tpu.memory_space<vmem>>, vector<1x16xf32>,
        %swap3A_568 = vector.shape_cast %swap3A_567 : vector<1x16xf32> to vector<16xf32>
        %swap3A_569 = vector.shape_cast %max3A_564 : vector<16xf32> to vector<1x16xf32>
        tpu.vector_store %arg11[%swap3A_565, %swap3A_566], %swap3A_569 {strides = array<i32>} : memref<80x160xf32, #tpu.memory_space<vmem>>, vector<1x16xf32>,
        %get3A_570 = arith.index_cast %scan3A_485 : i32 to index
        %get3A_571 = arith.constant 80 : index
        %get3A_572 = tpu.vector_load %arg11[%get3A_570, %get3A_571] {strides = array<i32>} : memref<80x160xf32, #tpu.memory_space<vmem>>, vector<1x16xf32>,
        %get3A_573 = vector.shape_cast %get3A_572 : vector<1x16xf32> to vector<16xf32>
        %get3A_574 = arith.index_cast %scan3A_485 : i32 to index
        %get3A_575 = arith.constant 80 : index
        %get3A_576 = tpu.vector_load %arg12[%get3A_574, %get3A_575] {strides = array<i32>} : memref<80x160xf32, #tpu.memory_space<vmem>>, vector<1x16xf32>,
        %get3A_577 = vector.shape_cast %get3A_576 : vector<1x16xf32> to vector<16xf32>
        %add3A_578 = arith.addf %get3A_573, %get3A_577 : vector<16xf32>
        %max3A_579 = arith.constant 0.000000e+00 : f32
        %max3A_580 = vector.broadcast %max3A_579 : f32 to vector<16xf32>
        %max3A_581 = arith.maximumf %add3A_578, %max3A_580 : vector<16xf32>
        %swap3A_582 = arith.index_cast %scan3A_485 : i32 to index
        %swap3A_583 = arith.constant 80 : index
        %swap3A_584 = tpu.vector_load %arg11[%swap3A_582, %swap3A_583] {strides = array<i32>} : memref<80x160xf32, #tpu.memory_space<vmem>>, vector<1x16xf32>,
        %swap3A_585 = vector.shape_cast %swap3A_584 : vector<1x16xf32> to vector<16xf32>
        %swap3A_586 = vector.shape_cast %max3A_581 : vector<16xf32> to vector<1x16xf32>
        tpu.vector_store %arg11[%swap3A_582, %swap3A_583], %swap3A_586 {strides = array<i32>} : memref<80x160xf32, #tpu.memory_space<vmem>>, vector<1x16xf32>,
        %get3A_587 = arith.index_cast %scan3A_485 : i32 to index
        %get3A_588 = arith.constant 96 : index
        %get3A_589 = tpu.vector_load %arg11[%get3A_587, %get3A_588] {strides = array<i32>} : memref<80x160xf32, #tpu.memory_space<vmem>>, vector<1x16xf32>,
        %get3A_590 = vector.shape_cast %get3A_589 : vector<1x16xf32> to vector<16xf32>
        %get3A_591 = arith.index_cast %scan3A_485 : i32 to index
        %get3A_592 = arith.constant 96 : index
        %get3A_593 = tpu.vector_load %arg12[%get3A_591, %get3A_592] {strides = array<i32>} : memref<80x160xf32, #tpu.memory_space<vmem>>, vector<1x16xf32>,
        %get3A_594 = vector.shape_cast %get3A_593 : vector<1x16xf32> to vector<16xf32>
        %add3A_595 = arith.addf %get3A_590, %get3A_594 : vector<16xf32>
        %max3A_596 = arith.constant 0.000000e+00 : f32
        %max3A_597 = vector.broadcast %max3A_596 : f32 to vector<16xf32>
        %max3A_598 = arith.maximumf %add3A_595, %max3A_597 : vector<16xf32>
        %swap3A_599 = arith.index_cast %scan3A_485 : i32 to index
        %swap3A_600 = arith.constant 96 : index
        %swap3A_601 = tpu.vector_load %arg11[%swap3A_599, %swap3A_600] {strides = array<i32>} : memref<80x160xf32, #tpu.memory_space<vmem>>, vector<1x16xf32>,
        %swap3A_602 = vector.shape_cast %swap3A_601 : vector<1x16xf32> to vector<16xf32>
        %swap3A_603 = vector.shape_cast %max3A_598 : vector<16xf32> to vector<1x16xf32>
        tpu.vector_store %arg11[%swap3A_599, %swap3A_600], %swap3A_603 {strides = array<i32>} : memref<80x160xf32, #tpu.memory_space<vmem>>, vector<1x16xf32>,
        %get3A_604 = arith.index_cast %scan3A_485 : i32 to index
        %get3A_605 = arith.constant 112 : index
        %get3A_606 = tpu.vector_load %arg11[%get3A_604, %get3A_605] {strides = array<i32>} : memref<80x160xf32, #tpu.memory_space<vmem>>, vector<1x16xf32>,
        %get3A_607 = vector.shape_cast %get3A_606 : vector<1x16xf32> to vector<16xf32>
        %get3A_608 = arith.index_cast %scan3A_485 : i32 to index
        %get3A_609 = arith.constant 112 : index
        %get3A_610 = tpu.vector_load %arg12[%get3A_608, %get3A_609] {strides = array<i32>} : memref<80x160xf32, #tpu.memory_space<vmem>>, vector<1x16xf32>,
        %get3A_611 = vector.shape_cast %get3A_610 : vector<1x16xf32> to vector<16xf32>
        %add3A_612 = arith.addf %get3A_607, %get3A_611 : vector<16xf32>
        %max3A_613 = arith.constant 0.000000e+00 : f32
        %max3A_614 = vector.broadcast %max3A_613 : f32 to vector<16xf32>
        %max3A_615 = arith.maximumf %add3A_612, %max3A_614 : vector<16xf32>
        %swap3A_616 = arith.index_cast %scan3A_485 : i32 to index
        %swap3A_617 = arith.constant 112 : index
        %swap3A_618 = tpu.vector_load %arg11[%swap3A_616, %swap3A_617] {strides = array<i32>} : memref<80x160xf32, #tpu.memory_space<vmem>>, vector<1x16xf32>,
        %swap3A_619 = vector.shape_cast %swap3A_618 : vector<1x16xf32> to vector<16xf32>
        %swap3A_620 = vector.shape_cast %max3A_615 : vector<16xf32> to vector<1x16xf32>
        tpu.vector_store %arg11[%swap3A_616, %swap3A_617], %swap3A_620 {strides = array<i32>} : memref<80x160xf32, #tpu.memory_space<vmem>>, vector<1x16xf32>,
        %get3A_621 = arith.index_cast %scan3A_485 : i32 to index
        %get3A_622 = arith.constant 128 : index
        %get3A_623 = tpu.vector_load %arg11[%get3A_621, %get3A_622] {strides = array<i32>} : memref<80x160xf32, #tpu.memory_space<vmem>>, vector<1x16xf32>,
        %get3A_624 = vector.shape_cast %get3A_623 : vector<1x16xf32> to vector<16xf32>
        %get3A_625 = arith.index_cast %scan3A_485 : i32 to index
        %get3A_626 = arith.constant 128 : index
        %get3A_627 = tpu.vector_load %arg12[%get3A_625, %get3A_626] {strides = array<i32>} : memref<80x160xf32, #tpu.memory_space<vmem>>, vector<1x16xf32>,
        %get3A_628 = vector.shape_cast %get3A_627 : vector<1x16xf32> to vector<16xf32>
        %add3A_629 = arith.addf %get3A_624, %get3A_628 : vector<16xf32>
        %max3A_630 = arith.constant 0.000000e+00 : f32
        %max3A_631 = vector.broadcast %max3A_630 : f32 to vector<16xf32>
        %max3A_632 = arith.maximumf %add3A_629, %max3A_631 : vector<16xf32>
        %swap3A_633 = arith.index_cast %scan3A_485 : i32 to index
        %swap3A_634 = arith.constant 128 : index
        %swap3A_635 = tpu.vector_load %arg11[%swap3A_633, %swap3A_634] {strides = array<i32>} : memref<80x160xf32, #tpu.memory_space<vmem>>, vector<1x16xf32>,
        %swap3A_636 = vector.shape_cast %swap3A_635 : vector<1x16xf32> to vector<16xf32>
        %swap3A_637 = vector.shape_cast %max3A_632 : vector<16xf32> to vector<1x16xf32>
        tpu.vector_store %arg11[%swap3A_633, %swap3A_634], %swap3A_637 {strides = array<i32>} : memref<80x160xf32, #tpu.memory_space<vmem>>, vector<1x16xf32>,
        %get3A_638 = arith.index_cast %scan3A_485 : i32 to index
        %get3A_639 = arith.constant 144 : index
        %get3A_640 = tpu.vector_load %arg11[%get3A_638, %get3A_639] {strides = array<i32>} : memref<80x160xf32, #tpu.memory_space<vmem>>, vector<1x16xf32>,
        %get3A_641 = vector.shape_cast %get3A_640 : vector<1x16xf32> to vector<16xf32>
        %get3A_642 = arith.index_cast %scan3A_485 : i32 to index
        %get3A_643 = arith.constant 144 : index
        %get3A_644 = tpu.vector_load %arg12[%get3A_642, %get3A_643] {strides = array<i32>} : memref<80x160xf32, #tpu.memory_space<vmem>>, vector<1x16xf32>,
        %get3A_645 = vector.shape_cast %get3A_644 : vector<1x16xf32> to vector<16xf32>
        %add3A_646 = arith.addf %get3A_641, %get3A_645 : vector<16xf32>
        %max3A_647 = arith.constant 0.000000e+00 : f32
        %max3A_648 = vector.broadcast %max3A_647 : f32 to vector<16xf32>
        %max3A_649 = arith.maximumf %add3A_646, %max3A_648 : vector<16xf32>
        %swap3A_650 = arith.index_cast %scan3A_485 : i32 to index
        %swap3A_651 = arith.constant 144 : index
        %swap3A_652 = tpu.vector_load %arg11[%swap3A_650, %swap3A_651] {strides = array<i32>} : memref<80x160xf32, #tpu.memory_space<vmem>>, vector<1x16xf32>,
        %swap3A_653 = vector.shape_cast %swap3A_652 : vector<1x16xf32> to vector<16xf32>
        %swap3A_654 = vector.shape_cast %max3A_649 : vector<16xf32> to vector<1x16xf32>
        tpu.vector_store %arg11[%swap3A_650, %swap3A_651], %swap3A_654 {strides = array<i32>} : memref<80x160xf32, #tpu.memory_space<vmem>>, vector<1x16xf32>,
      }
      %scan3A_466 = arith.constant 80 : i32
      %dma_start3A_467 = arith.constant 0 : i32
      %dma_start3A_468 = arith.constant 0 : i32
      %dma_start3A_469 = tpu.memref_slice %arg18[%dma_start3A_467, %dma_start3A_468] : memref<5120x160xf32, #tpu.memory_space<vmem_shared>> -> memref<5120x160xf32, #tpu.memory_space<vmem_shared>>
      tpu.enqueue_indirect_dma source(%arg11 : memref<80x160xf32, #tpu.memory_space<vmem>>) target(%dma_start3A_469 : memref<5120x160xf32, #tpu.memory_space<vmem_shared>>) offsets(%arg9 : memref<80xi32, #tpu.memory_space<vmem>>) semaphore(%arg23 : memref<!tpu.dma_semaphore, #tpu.memory_space<semaphore_mem>>) {add = true}
      %dma_wait3A_470 = arith.constant 0 : i32
      %dma_wait3A_471 = arith.constant 0 : i32
      %dma_wait3A_472 = tpu.memref_slice %arg2[%dma_wait3A_470, %dma_wait3A_471] : memref<20000x160xf32, #tpu.memory_space<hbm>> -> memref<20000x160xf32, #tpu.memory_space<hbm>>
      tpu.wait_indirect_dma semaphore(%arg21 : memref<!tpu.dma_semaphore, #tpu.memory_space<semaphore_mem>>) src(%dma_wait3A_472 : memref<20000x160xf32, #tpu.memory_space<hbm>>) dst(%arg15 : memref<80x160xf32, #tpu.memory_space<vmem>>)
      %dma_wait3A_473 = arith.constant 0 : i32
      %dma_wait3A_474 = arith.constant 0 : i32
      %dma_wait3A_475 = tpu.memref_slice %arg3[%dma_wait3A_473, %dma_wait3A_474] : memref<2000x160xf32, #tpu.memory_space<hbm>> -> memref<2000x160xf32, #tpu.memory_space<hbm>>
      tpu.wait_indirect_dma semaphore(%arg22 : memref<!tpu.dma_semaphore, #tpu.memory_space<semaphore_mem>>) src(%dma_wait3A_475 : memref<2000x160xf32, #tpu.memory_space<hbm>>) dst(%arg16 : memref<80x160xf32, #tpu.memory_space<vmem>>)
      %scan3A_476 = arith.constant 0 : i32
      %scan3A_477 = arith.constant 0 : i32
      %scan3A_478 = arith.constant 80 : i32
      %scan3A_479 = arith.addi %scan3A_477, %scan3A_478 : i32
      %scan3A_480 = arith.constant 1 : i32
      scf.for %scan3A_485 = %scan3A_477 to %scan3A_479 step %scan3A_480  : i32 {
        %get3A_486 = arith.index_cast %scan3A_485 : i32 to index
        %get3A_487 = arith.constant 0 : index
        %get3A_488 = tpu.vector_load %arg15[%get3A_486, %get3A_487] {strides = array<i32>} : memref<80x160xf32, #tpu.memory_space<vmem>>, vector<1x16xf32>,
        %get3A_489 = vector.shape_cast %get3A_488 : vector<1x16xf32> to vector<16xf32>
        %get3A_490 = arith.index_cast %scan3A_485 : i32 to index
        %get3A_491 = arith.constant 0 : index
        %get3A_492 = tpu.vector_load %arg16[%get3A_490, %get3A_491] {strides = array<i32>} : memref<80x160xf32, #tpu.memory_space<vmem>>, vector<1x16xf32>,
        %get3A_493 = vector.shape_cast %get3A_492 : vector<1x16xf32> to vector<16xf32>
        %add3A_494 = arith.addf %get3A_489, %get3A_493 : vector<16xf32>
        %max3A = arith.constant 0.000000e+00 : f32
        %max3A_495 = vector.broadcast %max3A : f32 to vector<16xf32>
        %max3A_496 = arith.maximumf %add3A_494, %max3A_495 : vector<16xf32>
        %swap3A_497 = arith.index_cast %scan3A_485 : i32 to index
        %swap3A_498 = arith.constant 0 : index
        %swap3A_499 = tpu.vector_load %arg15[%swap3A_497, %swap3A_498] {strides = array<i32>} : memref<80x160xf32, #tpu.memory_space<vmem>>, vector<1x16xf32>,
        %swap3A_500 = vector.shape_cast %swap3A_499 : vector<1x16xf32> to vector<16xf32>
        %swap3A_501 = vector.shape_cast %max3A_496 : vector<16xf32> to vector<1x16xf32>
        tpu.vector_store %arg15[%swap3A_497, %swap3A_498], %swap3A_501 {strides = array<i32>} : memref<80x160xf32, #tpu.memory_space<vmem>>, vector<1x16xf32>,
        %get3A_502 = arith.index_cast %scan3A_485 : i32 to index
        %get3A_503 = arith.constant 16 : index
        %get3A_504 = tpu.vector_load %arg15[%get3A_502, %get3A_503] {strides = array<i32>} : memref<80x160xf32, #tpu.memory_space<vmem>>, vector<1x16xf32>,
        %get3A_505 = vector.shape_cast %get3A_504 : vector<1x16xf32> to vector<16xf32>
        %get3A_506 = arith.index_cast %scan3A_485 : i32 to index
        %get3A_507 = arith.constant 16 : index
        %get3A_508 = tpu.vector_load %arg16[%get3A_506, %get3A_507] {strides = array<i32>} : memref<80x160xf32, #tpu.memory_space<vmem>>, vector<1x16xf32>,
        %get3A_509 = vector.shape_cast %get3A_508 : vector<1x16xf32> to vector<16xf32>
        %add3A_510 = arith.addf %get3A_505, %get3A_509 : vector<16xf32>
        %max3A_511 = arith.constant 0.000000e+00 : f32
        %max3A_512 = vector.broadcast %max3A_511 : f32 to vector<16xf32>
        %max3A_513 = arith.maximumf %add3A_510, %max3A_512 : vector<16xf32>
        %swap3A_514 = arith.index_cast %scan3A_485 : i32 to index
        %swap3A_515 = arith.constant 16 : index
        %swap3A_516 = tpu.vector_load %arg15[%swap3A_514, %swap3A_515] {strides = array<i32>} : memref<80x160xf32, #tpu.memory_space<vmem>>, vector<1x16xf32>,
        %swap3A_517 = vector.shape_cast %swap3A_516 : vector<1x16xf32> to vector<16xf32>
        %swap3A_518 = vector.shape_cast %max3A_513 : vector<16xf32> to vector<1x16xf32>
        tpu.vector_store %arg15[%swap3A_514, %swap3A_515], %swap3A_518 {strides = array<i32>} : memref<80x160xf32, #tpu.memory_space<vmem>>, vector<1x16xf32>,
        %get3A_519 = arith.index_cast %scan3A_485 : i32 to index
        %get3A_520 = arith.constant 32 : index
        %get3A_521 = tpu.vector_load %arg15[%get3A_519, %get3A_520] {strides = array<i32>} : memref<80x160xf32, #tpu.memory_space<vmem>>, vector<1x16xf32>,
        %get3A_522 = vector.shape_cast %get3A_521 : vector<1x16xf32> to vector<16xf32>
        %get3A_523 = arith.index_cast %scan3A_485 : i32 to index
        %get3A_524 = arith.constant 32 : index
        %get3A_525 = tpu.vector_load %arg16[%get3A_523, %get3A_524] {strides = array<i32>} : memref<80x160xf32, #tpu.memory_space<vmem>>, vector<1x16xf32>,
        %get3A_526 = vector.shape_cast %get3A_525 : vector<1x16xf32> to vector<16xf32>
        %add3A_527 = arith.addf %get3A_522, %get3A_526 : vector<16xf32>
        %max3A_528 = arith.constant 0.000000e+00 : f32
        %max3A_529 = vector.broadcast %max3A_528 : f32 to vector<16xf32>
        %max3A_530 = arith.maximumf %add3A_527, %max3A_529 : vector<16xf32>
        %swap3A_531 = arith.index_cast %scan3A_485 : i32 to index
        %swap3A_532 = arith.constant 32 : index
        %swap3A_533 = tpu.vector_load %arg15[%swap3A_531, %swap3A_532] {strides = array<i32>} : memref<80x160xf32, #tpu.memory_space<vmem>>, vector<1x16xf32>,
        %swap3A_534 = vector.shape_cast %swap3A_533 : vector<1x16xf32> to vector<16xf32>
        %swap3A_535 = vector.shape_cast %max3A_530 : vector<16xf32> to vector<1x16xf32>
        tpu.vector_store %arg15[%swap3A_531, %swap3A_532], %swap3A_535 {strides = array<i32>} : memref<80x160xf32, #tpu.memory_space<vmem>>, vector<1x16xf32>,
        %get3A_536 = arith.index_cast %scan3A_485 : i32 to index
        %get3A_537 = arith.constant 48 : index
        %get3A_538 = tpu.vector_load %arg15[%get3A_536, %get3A_537] {strides = array<i32>} : memref<80x160xf32, #tpu.memory_space<vmem>>, vector<1x16xf32>,
        %get3A_539 = vector.shape_cast %get3A_538 : vector<1x16xf32> to vector<16xf32>
        %get3A_540 = arith.index_cast %scan3A_485 : i32 to index
        %get3A_541 = arith.constant 48 : index
        %get3A_542 = tpu.vector_load %arg16[%get3A_540, %get3A_541] {strides = array<i32>} : memref<80x160xf32, #tpu.memory_space<vmem>>, vector<1x16xf32>,
        %get3A_543 = vector.shape_cast %get3A_542 : vector<1x16xf32> to vector<16xf32>
        %add3A_544 = arith.addf %get3A_539, %get3A_543 : vector<16xf32>
        %max3A_545 = arith.constant 0.000000e+00 : f32
        %max3A_546 = vector.broadcast %max3A_545 : f32 to vector<16xf32>
        %max3A_547 = arith.maximumf %add3A_544, %max3A_546 : vector<16xf32>
        %swap3A_548 = arith.index_cast %scan3A_485 : i32 to index
        %swap3A_549 = arith.constant 48 : index
        %swap3A_550 = tpu.vector_load %arg15[%swap3A_548, %swap3A_549] {strides = array<i32>} : memref<80x160xf32, #tpu.memory_space<vmem>>, vector<1x16xf32>,
        %swap3A_551 = vector.shape_cast %swap3A_550 : vector<1x16xf32> to vector<16xf32>
        %swap3A_552 = vector.shape_cast %max3A_547 : vector<16xf32> to vector<1x16xf32>
        tpu.vector_store %arg15[%swap3A_548, %swap3A_549], %swap3A_552 {strides = array<i32>} : memref<80x160xf32, #tpu.memory_space<vmem>>, vector<1x16xf32>,
        %get3A_553 = arith.index_cast %scan3A_485 : i32 to index
        %get3A_554 = arith.constant 64 : index
        %get3A_555 = tpu.vector_load %arg15[%get3A_553, %get3A_554] {strides = array<i32>} : memref<80x160xf32, #tpu.memory_space<vmem>>, vector<1x16xf32>,
        %get3A_556 = vector.shape_cast %get3A_555 : vector<1x16xf32> to vector<16xf32>
        %get3A_557 = arith.index_cast %scan3A_485 : i32 to index
        %get3A_558 = arith.constant 64 : index
        %get3A_559 = tpu.vector_load %arg16[%get3A_557, %get3A_558] {strides = array<i32>} : memref<80x160xf32, #tpu.memory_space<vmem>>, vector<1x16xf32>,
        %get3A_560 = vector.shape_cast %get3A_559 : vector<1x16xf32> to vector<16xf32>
        %add3A_561 = arith.addf %get3A_556, %get3A_560 : vector<16xf32>
        %max3A_562 = arith.constant 0.000000e+00 : f32
        %max3A_563 = vector.broadcast %max3A_562 : f32 to vector<16xf32>
        %max3A_564 = arith.maximumf %add3A_561, %max3A_563 : vector<16xf32>
        %swap3A_565 = arith.index_cast %scan3A_485 : i32 to index
        %swap3A_566 = arith.constant 64 : index
        %swap3A_567 = tpu.vector_load %arg15[%swap3A_565, %swap3A_566] {strides = array<i32>} : memref<80x160xf32, #tpu.memory_space<vmem>>, vector<1x16xf32>,
        %swap3A_568 = vector.shape_cast %swap3A_567 : vector<1x16xf32> to vector<16xf32>
        %swap3A_569 = vector.shape_cast %max3A_564 : vector<16xf32> to vector<1x16xf32>
        tpu.vector_store %arg15[%swap3A_565, %swap3A_566], %swap3A_569 {strides = array<i32>} : memref<80x160xf32, #tpu.memory_space<vmem>>, vector<1x16xf32>,
        %get3A_570 = arith.index_cast %scan3A_485 : i32 to index
        %get3A_571 = arith.constant 80 : index
        %get3A_572 = tpu.vector_load %arg15[%get3A_570, %get3A_571] {strides = array<i32>} : memref<80x160xf32, #tpu.memory_space<vmem>>, vector<1x16xf32>,
        %get3A_573 = vector.shape_cast %get3A_572 : vector<1x16xf32> to vector<16xf32>
        %get3A_574 = arith.index_cast %scan3A_485 : i32 to index
        %get3A_575 = arith.constant 80 : index
        %get3A_576 = tpu.vector_load %arg16[%get3A_574, %get3A_575] {strides = array<i32>} : memref<80x160xf32, #tpu.memory_space<vmem>>, vector<1x16xf32>,
        %get3A_577 = vector.shape_cast %get3A_576 : vector<1x16xf32> to vector<16xf32>
        %add3A_578 = arith.addf %get3A_573, %get3A_577 : vector<16xf32>
        %max3A_579 = arith.constant 0.000000e+00 : f32
        %max3A_580 = vector.broadcast %max3A_579 : f32 to vector<16xf32>
        %max3A_581 = arith.maximumf %add3A_578, %max3A_580 : vector<16xf32>
        %swap3A_582 = arith.index_cast %scan3A_485 : i32 to index
        %swap3A_583 = arith.constant 80 : index
        %swap3A_584 = tpu.vector_load %arg15[%swap3A_582, %swap3A_583] {strides = array<i32>} : memref<80x160xf32, #tpu.memory_space<vmem>>, vector<1x16xf32>,
        %swap3A_585 = vector.shape_cast %swap3A_584 : vector<1x16xf32> to vector<16xf32>
        %swap3A_586 = vector.shape_cast %max3A_581 : vector<16xf32> to vector<1x16xf32>
        tpu.vector_store %arg15[%swap3A_582, %swap3A_583], %swap3A_586 {strides = array<i32>} : memref<80x160xf32, #tpu.memory_space<vmem>>, vector<1x16xf32>,
        %get3A_587 = arith.index_cast %scan3A_485 : i32 to index
        %get3A_588 = arith.constant 96 : index
        %get3A_589 = tpu.vector_load %arg15[%get3A_587, %get3A_588] {strides = array<i32>} : memref<80x160xf32, #tpu.memory_space<vmem>>, vector<1x16xf32>,
        %get3A_590 = vector.shape_cast %get3A_589 : vector<1x16xf32> to vector<16xf32>
        %get3A_591 = arith.index_cast %scan3A_485 : i32 to index
        %get3A_592 = arith.constant 96 : index
        %get3A_593 = tpu.vector_load %arg16[%get3A_591, %get3A_592] {strides = array<i32>} : memref<80x160xf32, #tpu.memory_space<vmem>>, vector<1x16xf32>,
        %get3A_594 = vector.shape_cast %get3A_593 : vector<1x16xf32> to vector<16xf32>
        %add3A_595 = arith.addf %get3A_590, %get3A_594 : vector<16xf32>
        %max3A_596 = arith.constant 0.000000e+00 : f32
        %max3A_597 = vector.broadcast %max3A_596 : f32 to vector<16xf32>
        %max3A_598 = arith.maximumf %add3A_595, %max3A_597 : vector<16xf32>
        %swap3A_599 = arith.index_cast %scan3A_485 : i32 to index
        %swap3A_600 = arith.constant 96 : index
        %swap3A_601 = tpu.vector_load %arg15[%swap3A_599, %swap3A_600] {strides = array<i32>} : memref<80x160xf32, #tpu.memory_space<vmem>>, vector<1x16xf32>,
        %swap3A_602 = vector.shape_cast %swap3A_601 : vector<1x16xf32> to vector<16xf32>
        %swap3A_603 = vector.shape_cast %max3A_598 : vector<16xf32> to vector<1x16xf32>
        tpu.vector_store %arg15[%swap3A_599, %swap3A_600], %swap3A_603 {strides = array<i32>} : memref<80x160xf32, #tpu.memory_space<vmem>>, vector<1x16xf32>,
        %get3A_604 = arith.index_cast %scan3A_485 : i32 to index
        %get3A_605 = arith.constant 112 : index
        %get3A_606 = tpu.vector_load %arg15[%get3A_604, %get3A_605] {strides = array<i32>} : memref<80x160xf32, #tpu.memory_space<vmem>>, vector<1x16xf32>,
        %get3A_607 = vector.shape_cast %get3A_606 : vector<1x16xf32> to vector<16xf32>
        %get3A_608 = arith.index_cast %scan3A_485 : i32 to index
        %get3A_609 = arith.constant 112 : index
        %get3A_610 = tpu.vector_load %arg16[%get3A_608, %get3A_609] {strides = array<i32>} : memref<80x160xf32, #tpu.memory_space<vmem>>, vector<1x16xf32>,
        %get3A_611 = vector.shape_cast %get3A_610 : vector<1x16xf32> to vector<16xf32>
        %add3A_612 = arith.addf %get3A_607, %get3A_611 : vector<16xf32>
        %max3A_613 = arith.constant 0.000000e+00 : f32
        %max3A_614 = vector.broadcast %max3A_613 : f32 to vector<16xf32>
        %max3A_615 = arith.maximumf %add3A_612, %max3A_614 : vector<16xf32>
        %swap3A_616 = arith.index_cast %scan3A_485 : i32 to index
        %swap3A_617 = arith.constant 112 : index
        %swap3A_618 = tpu.vector_load %arg15[%swap3A_616, %swap3A_617] {strides = array<i32>} : memref<80x160xf32, #tpu.memory_space<vmem>>, vector<1x16xf32>,
        %swap3A_619 = vector.shape_cast %swap3A_618 : vector<1x16xf32> to vector<16xf32>
        %swap3A_620 = vector.shape_cast %max3A_615 : vector<16xf32> to vector<1x16xf32>
        tpu.vector_store %arg15[%swap3A_616, %swap3A_617], %swap3A_620 {strides = array<i32>} : memref<80x160xf32, #tpu.memory_space<vmem>>, vector<1x16xf32>,
        %get3A_621 = arith.index_cast %scan3A_485 : i32 to index
        %get3A_622 = arith.constant 128 : index
        %get3A_623 = tpu.vector_load %arg15[%get3A_621, %get3A_622] {strides = array<i32>} : memref<80x160xf32, #tpu.memory_space<vmem>>, vector<1x16xf32>,
        %get3A_624 = vector.shape_cast %get3A_623 : vector<1x16xf32> to vector<16xf32>
        %get3A_625 = arith.index_cast %scan3A_485 : i32 to index
        %get3A_626 = arith.constant 128 : index
        %get3A_627 = tpu.vector_load %arg16[%get3A_625, %get3A_626] {strides = array<i32>} : memref<80x160xf32, #tpu.memory_space<vmem>>, vector<1x16xf32>,
        %get3A_628 = vector.shape_cast %get3A_627 : vector<1x16xf32> to vector<16xf32>
        %add3A_629 = arith.addf %get3A_624, %get3A_628 : vector<16xf32>
        %max3A_630 = arith.constant 0.000000e+00 : f32
        %max3A_631 = vector.broadcast %max3A_630 : f32 to vector<16xf32>
        %max3A_632 = arith.maximumf %add3A_629, %max3A_631 : vector<16xf32>
        %swap3A_633 = arith.index_cast %scan3A_485 : i32 to index
        %swap3A_634 = arith.constant 128 : index
        %swap3A_635 = tpu.vector_load %arg15[%swap3A_633, %swap3A_634] {strides = array<i32>} : memref<80x160xf32, #tpu.memory_space<vmem>>, vector<1x16xf32>,
        %swap3A_636 = vector.shape_cast %swap3A_635 : vector<1x16xf32> to vector<16xf32>
        %swap3A_637 = vector.shape_cast %max3A_632 : vector<16xf32> to vector<1x16xf32>
        tpu.vector_store %arg15[%swap3A_633, %swap3A_634], %swap3A_637 {strides = array<i32>} : memref<80x160xf32, #tpu.memory_space<vmem>>, vector<1x16xf32>,
        %get3A_638 = arith.index_cast %scan3A_485 : i32 to index
        %get3A_639 = arith.constant 144 : index
        %get3A_640 = tpu.vector_load %arg15[%get3A_638, %get3A_639] {strides = array<i32>} : memref<80x160xf32, #tpu.memory_space<vmem>>, vector<1x16xf32>,
        %get3A_641 = vector.shape_cast %get3A_640 : vector<1x16xf32> to vector<16xf32>
        %get3A_642 = arith.index_cast %scan3A_485 : i32 to index
        %get3A_643 = arith.constant 144 : index
        %get3A_644 = tpu.vector_load %arg16[%get3A_642, %get3A_643] {strides = array<i32>} : memref<80x160xf32, #tpu.memory_space<vmem>>, vector<1x16xf32>,
        %get3A_645 = vector.shape_cast %get3A_644 : vector<1x16xf32> to vector<16xf32>
        %add3A_646 = arith.addf %get3A_641, %get3A_645 : vector<16xf32>
        %max3A_647 = arith.constant 0.000000e+00 : f32
        %max3A_648 = vector.broadcast %max3A_647 : f32 to vector<16xf32>
        %max3A_649 = arith.maximumf %add3A_646, %max3A_648 : vector<16xf32>
        %swap3A_650 = arith.index_cast %scan3A_485 : i32 to index
        %swap3A_651 = arith.constant 144 : index
        %swap3A_652 = tpu.vector_load %arg15[%swap3A_650, %swap3A_651] {strides = array<i32>} : memref<80x160xf32, #tpu.memory_space<vmem>>, vector<1x16xf32>,
        %swap3A_653 = vector.shape_cast %swap3A_652 : vector<1x16xf32> to vector<16xf32>
        %swap3A_654 = vector.shape_cast %max3A_649 : vector<16xf32> to vector<1x16xf32>
        tpu.vector_store %arg15[%swap3A_650, %swap3A_651], %swap3A_654 {strides = array<i32>} : memref<80x160xf32, #tpu.memory_space<vmem>>, vector<1x16xf32>,
      }
      %scan3A_481 = arith.constant 80 : i32
      %dma_wait3A_482 = arith.constant 0 : i32
      %dma_wait3A_483 = arith.constant 0 : i32
      %dma_wait3A_484 = tpu.memref_slice %arg18[%dma_wait3A_482, %dma_wait3A_483] : memref<5120x160xf32, #tpu.memory_space<vmem_shared>> -> memref<5120x160xf32, #tpu.memory_space<vmem_shared>>
      tpu.wait_indirect_dma semaphore(%arg23 : memref<!tpu.dma_semaphore, #tpu.memory_space<semaphore_mem>>) src(%arg11 : memref<80x160xf32, #tpu.memory_space<vmem>>) dst(%dma_wait3A_484 : memref<5120x160xf32, #tpu.memory_space<vmem_shared>>)
      "tpu.region"() ({
        %run_scoped3A = tpu.sem_alloc : memref<!tpu.dma_semaphore, #tpu.memory_space<semaphore_mem>>
        %dma_start3A_485 = arith.constant 0 : i32
        %dma_start3A_486 = arith.constant 0 : i32
        %dma_start3A_487 = tpu.memref_slice %arg18[%dma_start3A_485, %dma_start3A_486] : memref<5120x160xf32, #tpu.memory_space<vmem_shared>> -> memref<5120x160xf32, #tpu.memory_space<vmem_shared>>
        tpu.enqueue_indirect_dma source(%arg15 : memref<80x160xf32, #tpu.memory_space<vmem>>) target(%dma_start3A_487 : memref<5120x160xf32, #tpu.memory_space<vmem_shared>>) offsets(%arg13 : memref<80xi32, #tpu.memory_space<vmem>>) semaphore(%run_scoped3A : memref<!tpu.dma_semaphore, #tpu.memory_space<semaphore_mem>>) {add = true}
        %dma_wait3A_488 = arith.constant 0 : i32
        %dma_wait3A_489 = arith.constant 0 : i32
        %dma_wait3A_490 = tpu.memref_slice %arg18[%dma_wait3A_488, %dma_wait3A_489] : memref<5120x160xf32, #tpu.memory_space<vmem_shared>> -> memref<5120x160xf32, #tpu.memory_space<vmem_shared>>
        tpu.wait_indirect_dma semaphore(%run_scoped3A : memref<!tpu.dma_semaphore, #tpu.memory_space<semaphore_mem>>) src(%arg15 : memref<80x160xf32, #tpu.memory_space<vmem>>) dst(%dma_wait3A_490 : memref<5120x160xf32, #tpu.memory_space<vmem_shared>>)
        tpu.yield
      }) : () -> ()
    }
    %scan3A_18 = arith.constant 34 : i32
    %barrier3A_19 = arith.constant 0 : index
    tpu.barrier barrier_id(%barrier3A_19)
    %lt3A = arith.constant 15 : i32
    %lt3A_20 = arith.cmpi slt, %arg1, %lt3A : i32
    %convert_element_type3A = arith.extui %lt3A_20 : i1 to i32
    %cond3A = arith.constant 0 : i32
    %cond3A_21 = arith.cmpi ne, %convert_element_type3A, %cond3A : i32
    scf.if %cond3A_21 {
      %mul3A_52 = arith.constant 320 : i32
      %mul3A_53 = arith.muli %arg1, %mul3A_52 : i32
      %mul3A_54 = arith.constant 10000 : i32
      %mul3A_55 = arith.muli %arg0, %mul3A_54 : i32
      %add3A_56 = arith.constant 0 : i32
      %add3A_57 = arith.addi %mul3A_55, %add3A_56 : i32
      %mul3A_58 = arith.constant 320 : i32
      %mul3A_59 = arith.muli %arg1, %mul3A_58 : i32
      %add3A_60 = arith.addi %add3A_57, %mul3A_59 : i32
      "tpu.region"() ({
        %run_scoped3A = tpu.sem_alloc : memref<!tpu.dma_semaphore, #tpu.memory_space<semaphore_mem>>
        %dma_start3A = arith.constant 0 : i32
        %dma_start3A_61 = tpu.memref_slice %arg7[%add3A_60, %dma_start3A] : memref<20000x160xf32, #tpu.memory_space<hbm>> -> memref<320x160xf32, #tpu.memory_space<hbm>>
        %dma_start3A_62 = arith.constant 0 : i32
        %dma_start3A_63 = tpu.memref_slice %arg18[%mul3A_53, %dma_start3A_62] : memref<5120x160xf32, #tpu.memory_space<vmem_shared>> -> memref<320x160xf32, #tpu.memory_space<vmem_shared>>
        tpu.enqueue_dma source(%dma_start3A_63 : memref<320x160xf32, #tpu.memory_space<vmem_shared>>) target(%dma_start3A_61 : memref<320x160xf32, #tpu.memory_space<hbm>>) target_semaphore(%run_scoped3A : memref<!tpu.dma_semaphore, #tpu.memory_space<semaphore_mem>>)
        %dma_wait3A = arith.constant 0 : i32
        %dma_wait3A_64 = tpu.memref_slice %arg7[%add3A_60, %dma_wait3A] : memref<20000x160xf32, #tpu.memory_space<hbm>> -> memref<320x160xf32, #tpu.memory_space<hbm>>
        %dma_wait3A_65 = arith.constant 0 : i32
        %dma_wait3A_66 = tpu.memref_slice %arg18[%mul3A_53, %dma_wait3A_65] : memref<5120x160xf32, #tpu.memory_space<vmem_shared>> -> memref<320x160xf32, #tpu.memory_space<vmem_shared>>
        tpu.wait_dma2 semaphore(%run_scoped3A : memref<!tpu.dma_semaphore, #tpu.memory_space<semaphore_mem>>) src(%dma_wait3A_66 : memref<320x160xf32, #tpu.memory_space<vmem_shared>>) dst(%dma_wait3A_64 : memref<320x160xf32, #tpu.memory_space<hbm>>)
        tpu.yield
      }) : () -> ()
    } else {
    }
    %eq3A = arith.constant 15 : i32
    %eq3A_22 = arith.cmpi eq, %arg1, %eq3A : i32
    %convert_element_type3A_23 = arith.extui %eq3A_22 : i1 to i32
    %cond3A_24 = arith.constant 0 : i32
    %cond3A_25 = arith.cmpi ne, %convert_element_type3A_23, %cond3A_24 : i32
    scf.if %cond3A_25 {
      %mul3A_52 = arith.constant 10000 : i32
      %mul3A_53 = arith.muli %arg0, %mul3A_52 : i32
      %add3A_54 = arith.constant 0 : i32
      %add3A_55 = arith.addi %mul3A_53, %add3A_54 : i32
      %add3A_56 = arith.constant 4800 : i32
      %add3A_57 = arith.addi %add3A_55, %add3A_56 : i32
      "tpu.region"() ({
        %run_scoped3A = tpu.sem_alloc : memref<!tpu.dma_semaphore, #tpu.memory_space<semaphore_mem>>
        %dma_start3A = arith.constant 0 : i32
        %dma_start3A_58 = tpu.memref_slice %arg7[%add3A_57, %dma_start3A] : memref<20000x160xf32, #tpu.memory_space<hbm>> -> memref<200x160xf32, #tpu.memory_space<hbm>>
        %dma_start3A_59 = arith.constant 4800 : i32
        %dma_start3A_60 = arith.constant 0 : i32
        %dma_start3A_61 = tpu.memref_slice %arg18[%dma_start3A_59, %dma_start3A_60] : memref<5120x160xf32, #tpu.memory_space<vmem_shared>> -> memref<200x160xf32, #tpu.memory_space<vmem_shared>>
        tpu.enqueue_dma source(%dma_start3A_61 : memref<200x160xf32, #tpu.memory_space<vmem_shared>>) target(%dma_start3A_58 : memref<200x160xf32, #tpu.memory_space<hbm>>) target_semaphore(%run_scoped3A : memref<!tpu.dma_semaphore, #tpu.memory_space<semaphore_mem>>)
        %dma_wait3A = arith.constant 0 : i32
        %dma_wait3A_62 = tpu.memref_slice %arg7[%add3A_57, %dma_wait3A] : memref<20000x160xf32, #tpu.memory_space<hbm>> -> memref<200x160xf32, #tpu.memory_space<hbm>>
        %dma_wait3A_63 = arith.constant 4800 : i32
        %dma_wait3A_64 = arith.constant 0 : i32
        %dma_wait3A_65 = tpu.memref_slice %arg18[%dma_wait3A_63, %dma_wait3A_64] : memref<5120x160xf32, #tpu.memory_space<vmem_shared>> -> memref<200x160xf32, #tpu.memory_space<vmem_shared>>
        tpu.wait_dma2 semaphore(%run_scoped3A : memref<!tpu.dma_semaphore, #tpu.memory_space<semaphore_mem>>) src(%dma_wait3A_65 : memref<200x160xf32, #tpu.memory_space<vmem_shared>>) dst(%dma_wait3A_62 : memref<200x160xf32, #tpu.memory_space<hbm>>)
        tpu.yield
      }) : () -> ()
    } else {
    }
    %barrier3A_26 = arith.constant 0 : index
    tpu.barrier barrier_id(%barrier3A_26)
    %mul3A_27 = arith.constant 320 : i32
    %mul3A_28 = arith.muli %arg1, %mul3A_27 : i32
    "tpu.region"() ({
      %run_scoped3A = tpu.sem_alloc : memref<!tpu.dma_semaphore, #tpu.memory_space<semaphore_mem>>
      %dma_start3A = arith.constant 0 : i32
      %dma_start3A_52 = tpu.memref_slice %arg18[%mul3A_28, %dma_start3A] : memref<5120x160xf32, #tpu.memory_space<vmem_shared>> -> memref<160x160xf32, #tpu.memory_space<vmem_shared>>
      %dma_start3A_53 = arith.constant 0 : i32
      %dma_start3A_54 = tpu.memref_slice %arg18[%mul3A_28, %dma_start3A_53] : memref<5120x160xf32, #tpu.memory_space<vmem_shared>> -> memref<160x160xf32, #tpu.memory_space<vmem_shared>>
      tpu.enqueue_dma source(%arg17 : memref<160x160xf32, #tpu.memory_space<vmem>>) target(%dma_start3A_54 : memref<160x160xf32, #tpu.memory_space<vmem_shared>>) target_semaphore(%run_scoped3A : memref<!tpu.dma_semaphore, #tpu.memory_space<semaphore_mem>>)
      %dma_wait3A = arith.constant 0 : i32
      %dma_wait3A_55 = tpu.memref_slice %arg18[%mul3A_28, %dma_wait3A] : memref<5120x160xf32, #tpu.memory_space<vmem_shared>> -> memref<160x160xf32, #tpu.memory_space<vmem_shared>>
      %dma_wait3A_56 = arith.constant 0 : i32
      %dma_wait3A_57 = tpu.memref_slice %arg18[%mul3A_28, %dma_wait3A_56] : memref<5120x160xf32, #tpu.memory_space<vmem_shared>> -> memref<160x160xf32, #tpu.memory_space<vmem_shared>>
      tpu.wait_dma2 semaphore(%run_scoped3A : memref<!tpu.dma_semaphore, #tpu.memory_space<semaphore_mem>>) src(%arg17 : memref<160x160xf32, #tpu.memory_space<vmem>>) dst(%dma_wait3A_57 : memref<160x160xf32, #tpu.memory_space<vmem_shared>>)
      tpu.yield
    }) : () -> ()
    %mul3A_29 = arith.constant 320 : i32
    %mul3A_30 = arith.muli %arg1, %mul3A_29 : i32
    %add3A_31 = arith.constant 160 : i32
    %add3A_32 = arith.addi %mul3A_30, %add3A_31 : i32
    "tpu.region"() ({
      %run_scoped3A = tpu.sem_alloc : memref<!tpu.dma_semaphore, #tpu.memory_space<semaphore_mem>>
      %dma_start3A = arith.constant 0 : i32
      %dma_start3A_52 = tpu.memref_slice %arg18[%add3A_32, %dma_start3A] : memref<5120x160xf32, #tpu.memory_space<vmem_shared>> -> memref<160x160xf32, #tpu.memory_space<vmem_shared>>
      %dma_start3A_53 = arith.constant 0 : i32
      %dma_start3A_54 = tpu.memref_slice %arg18[%add3A_32, %dma_start3A_53] : memref<5120x160xf32, #tpu.memory_space<vmem_shared>> -> memref<160x160xf32, #tpu.memory_space<vmem_shared>>
      tpu.enqueue_dma source(%arg17 : memref<160x160xf32, #tpu.memory_space<vmem>>) target(%dma_start3A_54 : memref<160x160xf32, #tpu.memory_space<vmem_shared>>) target_semaphore(%run_scoped3A : memref<!tpu.dma_semaphore, #tpu.memory_space<semaphore_mem>>)
      %dma_wait3A = arith.constant 0 : i32
      %dma_wait3A_55 = tpu.memref_slice %arg18[%add3A_32, %dma_wait3A] : memref<5120x160xf32, #tpu.memory_space<vmem_shared>> -> memref<160x160xf32, #tpu.memory_space<vmem_shared>>
      %dma_wait3A_56 = arith.constant 0 : i32
      %dma_wait3A_57 = tpu.memref_slice %arg18[%add3A_32, %dma_wait3A_56] : memref<5120x160xf32, #tpu.memory_space<vmem_shared>> -> memref<160x160xf32, #tpu.memory_space<vmem_shared>>
      tpu.wait_dma2 semaphore(%run_scoped3A : memref<!tpu.dma_semaphore, #tpu.memory_space<semaphore_mem>>) src(%arg17 : memref<160x160xf32, #tpu.memory_space<vmem>>) dst(%dma_wait3A_57 : memref<160x160xf32, #tpu.memory_space<vmem_shared>>)
      tpu.yield
    }) : () -> ()
    %barrier3A_33 = arith.constant 0 : index
    tpu.barrier barrier_id(%barrier3A_33)
    %scan3A_34 = arith.constant 0 : i32
    %scan3A_35 = arith.constant 0 : i32
    %scan3A_36 = arith.constant 34 : i32
    %scan3A_37 = arith.addi %scan3A_35, %scan3A_36 : i32
    %scan3A_38 = arith.constant 1 : i32
    scf.for %scan3A_52 = %scan3A_35 to %scan3A_37 step %scan3A_38  : i32 {
      %mul3A_53 = arith.constant 2 : i32
      %mul3A_54 = arith.muli %mul3A_53, %scan3A_52 : i32
      %add3A_55 = arith.constant 1088 : i32
      %add3A_56 = arith.addi %add3A_55, %arg1 : i32
      %mul3A_57 = arith.constant 16 : i32
      %mul3A_58 = arith.muli %mul3A_54, %mul3A_57 : i32
      %add3A_59 = arith.addi %add3A_56, %mul3A_58 : i32
      %mul3A_60 = arith.constant 80 : i32
      %mul3A_61 = arith.muli %add3A_59, %mul3A_60 : i32
      "tpu.region"() ({
        %run_scoped3A = tpu.sem_alloc : memref<!tpu.dma_semaphore, #tpu.memory_space<semaphore_mem>>
        %dma_start3A_485 = tpu.memref_slice %arg4[%mul3A_61] : memref<174080xi32, #tpu.memory_space<hbm>> -> memref<80xi32, #tpu.memory_space<hbm>>
        %dma_start3A_486 = tpu.memref_slice %arg4[%mul3A_61] : memref<174080xi32, #tpu.memory_space<hbm>> -> memref<80xi32, #tpu.memory_space<hbm>>
        tpu.enqueue_dma source(%dma_start3A_486 : memref<80xi32, #tpu.memory_space<hbm>>) target(%arg8 : memref<80xi32, #tpu.memory_space<vmem>>) target_semaphore(%run_scoped3A : memref<!tpu.dma_semaphore, #tpu.memory_space<semaphore_mem>>)
        %dma_wait3A_487 = tpu.memref_slice %arg4[%mul3A_61] : memref<174080xi32, #tpu.memory_space<hbm>> -> memref<80xi32, #tpu.memory_space<hbm>>
        %dma_wait3A_488 = tpu.memref_slice %arg4[%mul3A_61] : memref<174080xi32, #tpu.memory_space<hbm>> -> memref<80xi32, #tpu.memory_space<hbm>>
        tpu.wait_dma2 semaphore(%run_scoped3A : memref<!tpu.dma_semaphore, #tpu.memory_space<semaphore_mem>>) src(%dma_wait3A_488 : memref<80xi32, #tpu.memory_space<hbm>>) dst(%arg8 : memref<80xi32, #tpu.memory_space<vmem>>)
        tpu.yield
      }) : () -> ()
      "tpu.region"() ({
        %run_scoped3A = tpu.sem_alloc : memref<!tpu.dma_semaphore, #tpu.memory_space<semaphore_mem>>
        %dma_start3A_485 = tpu.memref_slice %arg6[%mul3A_61] : memref<174080xi32, #tpu.memory_space<hbm>> -> memref<80xi32, #tpu.memory_space<hbm>>
        %dma_start3A_486 = tpu.memref_slice %arg6[%mul3A_61] : memref<174080xi32, #tpu.memory_space<hbm>> -> memref<80xi32, #tpu.memory_space<hbm>>
        tpu.enqueue_dma source(%dma_start3A_486 : memref<80xi32, #tpu.memory_space<hbm>>) target(%arg10 : memref<80xi32, #tpu.memory_space<vmem>>) target_semaphore(%run_scoped3A : memref<!tpu.dma_semaphore, #tpu.memory_space<semaphore_mem>>)
        %dma_wait3A_487 = tpu.memref_slice %arg6[%mul3A_61] : memref<174080xi32, #tpu.memory_space<hbm>> -> memref<80xi32, #tpu.memory_space<hbm>>
        %dma_wait3A_488 = tpu.memref_slice %arg6[%mul3A_61] : memref<174080xi32, #tpu.memory_space<hbm>> -> memref<80xi32, #tpu.memory_space<hbm>>
        tpu.wait_dma2 semaphore(%run_scoped3A : memref<!tpu.dma_semaphore, #tpu.memory_space<semaphore_mem>>) src(%dma_wait3A_488 : memref<80xi32, #tpu.memory_space<hbm>>) dst(%arg10 : memref<80xi32, #tpu.memory_space<vmem>>)
        tpu.yield
      }) : () -> ()
      "tpu.region"() ({
        %run_scoped3A = tpu.sem_alloc : memref<!tpu.dma_semaphore, #tpu.memory_space<semaphore_mem>>
        %dma_start3A_485 = tpu.memref_slice %arg5[%mul3A_61] : memref<174080xi32, #tpu.memory_space<hbm>> -> memref<80xi32, #tpu.memory_space<hbm>>
        %dma_start3A_486 = tpu.memref_slice %arg5[%mul3A_61] : memref<174080xi32, #tpu.memory_space<hbm>> -> memref<80xi32, #tpu.memory_space<hbm>>
        tpu.enqueue_dma source(%dma_start3A_486 : memref<80xi32, #tpu.memory_space<hbm>>) target(%arg9 : memref<80xi32, #tpu.memory_space<vmem>>) target_semaphore(%run_scoped3A : memref<!tpu.dma_semaphore, #tpu.memory_space<semaphore_mem>>)
        %dma_wait3A_487 = tpu.memref_slice %arg5[%mul3A_61] : memref<174080xi32, #tpu.memory_space<hbm>> -> memref<80xi32, #tpu.memory_space<hbm>>
        %dma_wait3A_488 = tpu.memref_slice %arg5[%mul3A_61] : memref<174080xi32, #tpu.memory_space<hbm>> -> memref<80xi32, #tpu.memory_space<hbm>>
        tpu.wait_dma2 semaphore(%run_scoped3A : memref<!tpu.dma_semaphore, #tpu.memory_space<semaphore_mem>>) src(%dma_wait3A_488 : memref<80xi32, #tpu.memory_space<hbm>>) dst(%arg9 : memref<80xi32, #tpu.memory_space<vmem>>)
        tpu.yield
      }) : () -> ()
      %get3A = arith.constant 0 : index
      %get3A_62 = tpu.vector_load %arg8[%get3A] {strides = array<i32>} : memref<80xi32, #tpu.memory_space<vmem>>, vector<16xi32>,
      %get3A_63 = vector.shape_cast %get3A_62 : vector<16xi32> to vector<16xi32>
      %add3A_64 = vector.broadcast %mul3A_5 : i32 to vector<16xi32>
      %add3A_65 = arith.addi %get3A_63, %add3A_64 : vector<16xi32>
      %swap3A = arith.constant 0 : index
      %swap3A_66 = tpu.vector_load %arg8[%swap3A] {strides = array<i32>} : memref<80xi32, #tpu.memory_space<vmem>>, vector<16xi32>,
      %swap3A_67 = vector.shape_cast %swap3A_66 : vector<16xi32> to vector<16xi32>
      %swap3A_68 = vector.shape_cast %add3A_65 : vector<16xi32> to vector<16xi32>
      tpu.vector_store %arg8[%swap3A], %swap3A_68 {strides = array<i32>} : memref<80xi32, #tpu.memory_space<vmem>>, vector<16xi32>,
      %get3A_69 = arith.constant 0 : index
      %get3A_70 = tpu.vector_load %arg10[%get3A_69] {strides = array<i32>} : memref<80xi32, #tpu.memory_space<vmem>>, vector<16xi32>,
      %get3A_71 = vector.shape_cast %get3A_70 : vector<16xi32> to vector<16xi32>
      %add3A_72 = vector.broadcast %mul3A_7 : i32 to vector<16xi32>
      %add3A_73 = arith.addi %get3A_71, %add3A_72 : vector<16xi32>
      %swap3A_74 = arith.constant 0 : index
      %swap3A_75 = tpu.vector_load %arg10[%swap3A_74] {strides = array<i32>} : memref<80xi32, #tpu.memory_space<vmem>>, vector<16xi32>,
      %swap3A_76 = vector.shape_cast %swap3A_75 : vector<16xi32> to vector<16xi32>
      %swap3A_77 = vector.shape_cast %add3A_73 : vector<16xi32> to vector<16xi32>
      tpu.vector_store %arg10[%swap3A_74], %swap3A_77 {strides = array<i32>} : memref<80xi32, #tpu.memory_space<vmem>>, vector<16xi32>,
      %get3A_78 = arith.constant 0 : index
      %get3A_79 = tpu.vector_load %arg9[%get3A_78] {strides = array<i32>} : memref<80xi32, #tpu.memory_space<vmem>>, vector<16xi32>,
      %get3A_80 = vector.shape_cast %get3A_79 : vector<16xi32> to vector<16xi32>
      %sub3A = arith.constant 5000 : i32
      %sub3A_81 = vector.broadcast %sub3A : i32 to vector<16xi32>
      %sub3A_82 = arith.subi %get3A_80, %sub3A_81 : vector<16xi32>
      %ge3A = arith.constant 0 : i32
      %ge3A_83 = vector.broadcast %ge3A : i32 to vector<16xi32>
      %ge3A_84 = arith.cmpi sge, %sub3A_82, %ge3A_83 : vector<16xi32>
      %lt3A_85 = arith.constant 5000 : i32
      %lt3A_86 = vector.broadcast %lt3A_85 : i32 to vector<16xi32>
      %lt3A_87 = arith.cmpi slt, %sub3A_82, %lt3A_86 : vector<16xi32>
      %and3A = arith.andi %ge3A_84, %lt3A_87 : vector<16xi1>
      %jit3A = arith.constant 5112 : i32
      %broadcast_in_dim3A = vector.broadcast %jit3A : i32 to vector<16xi32>
      %select_n3A = arith.select %and3A, %sub3A_82, %broadcast_in_dim3A : vector<16xi1>, vector<16xi32>
      %swap3A_88 = arith.constant 0 : index
      %swap3A_89 = tpu.vector_load %arg9[%swap3A_88] {strides = array<i32>} : memref<80xi32, #tpu.memory_space<vmem>>, vector<16xi32>,
      %swap3A_90 = vector.shape_cast %swap3A_89 : vector<16xi32> to vector<16xi32>
      %swap3A_91 = vector.shape_cast %select_n3A : vector<16xi32> to vector<16xi32>
      tpu.vector_store %arg9[%swap3A_88], %swap3A_91 {strides = array<i32>} : memref<80xi32, #tpu.memory_space<vmem>>, vector<16xi32>,
      %get3A_92 = arith.constant 16 : index
      %get3A_93 = tpu.vector_load %arg8[%get3A_92] {strides = array<i32>} : memref<80xi32, #tpu.memory_space<vmem>>, vector<16xi32>,
      %get3A_94 = vector.shape_cast %get3A_93 : vector<16xi32> to vector<16xi32>
      %add3A_95 = vector.broadcast %mul3A_5 : i32 to vector<16xi32>
      %add3A_96 = arith.addi %get3A_94, %add3A_95 : vector<16xi32>
      %swap3A_97 = arith.constant 16 : index
      %swap3A_98 = tpu.vector_load %arg8[%swap3A_97] {strides = array<i32>} : memref<80xi32, #tpu.memory_space<vmem>>, vector<16xi32>,
      %swap3A_99 = vector.shape_cast %swap3A_98 : vector<16xi32> to vector<16xi32>
      %swap3A_100 = vector.shape_cast %add3A_96 : vector<16xi32> to vector<16xi32>
      tpu.vector_store %arg8[%swap3A_97], %swap3A_100 {strides = array<i32>} : memref<80xi32, #tpu.memory_space<vmem>>, vector<16xi32>,
      %get3A_101 = arith.constant 16 : index
      %get3A_102 = tpu.vector_load %arg10[%get3A_101] {strides = array<i32>} : memref<80xi32, #tpu.memory_space<vmem>>, vector<16xi32>,
      %get3A_103 = vector.shape_cast %get3A_102 : vector<16xi32> to vector<16xi32>
      %add3A_104 = vector.broadcast %mul3A_7 : i32 to vector<16xi32>
      %add3A_105 = arith.addi %get3A_103, %add3A_104 : vector<16xi32>
      %swap3A_106 = arith.constant 16 : index
      %swap3A_107 = tpu.vector_load %arg10[%swap3A_106] {strides = array<i32>} : memref<80xi32, #tpu.memory_space<vmem>>, vector<16xi32>,
      %swap3A_108 = vector.shape_cast %swap3A_107 : vector<16xi32> to vector<16xi32>
      %swap3A_109 = vector.shape_cast %add3A_105 : vector<16xi32> to vector<16xi32>
      tpu.vector_store %arg10[%swap3A_106], %swap3A_109 {strides = array<i32>} : memref<80xi32, #tpu.memory_space<vmem>>, vector<16xi32>,
      %get3A_110 = arith.constant 16 : index
      %get3A_111 = tpu.vector_load %arg9[%get3A_110] {strides = array<i32>} : memref<80xi32, #tpu.memory_space<vmem>>, vector<16xi32>,
      %get3A_112 = vector.shape_cast %get3A_111 : vector<16xi32> to vector<16xi32>
      %sub3A_113 = arith.constant 5000 : i32
      %sub3A_114 = vector.broadcast %sub3A_113 : i32 to vector<16xi32>
      %sub3A_115 = arith.subi %get3A_112, %sub3A_114 : vector<16xi32>
      %ge3A_116 = arith.constant 0 : i32
      %ge3A_117 = vector.broadcast %ge3A_116 : i32 to vector<16xi32>
      %ge3A_118 = arith.cmpi sge, %sub3A_115, %ge3A_117 : vector<16xi32>
      %lt3A_119 = arith.constant 5000 : i32
      %lt3A_120 = vector.broadcast %lt3A_119 : i32 to vector<16xi32>
      %lt3A_121 = arith.cmpi slt, %sub3A_115, %lt3A_120 : vector<16xi32>
      %and3A_122 = arith.andi %ge3A_118, %lt3A_121 : vector<16xi1>
      %jit3A_123 = arith.constant 5112 : i32
      %broadcast_in_dim3A_124 = vector.broadcast %jit3A_123 : i32 to vector<16xi32>
      %select_n3A_125 = arith.select %and3A_122, %sub3A_115, %broadcast_in_dim3A_124 : vector<16xi1>, vector<16xi32>
      %swap3A_126 = arith.constant 16 : index
      %swap3A_127 = tpu.vector_load %arg9[%swap3A_126] {strides = array<i32>} : memref<80xi32, #tpu.memory_space<vmem>>, vector<16xi32>,
      %swap3A_128 = vector.shape_cast %swap3A_127 : vector<16xi32> to vector<16xi32>
      %swap3A_129 = vector.shape_cast %select_n3A_125 : vector<16xi32> to vector<16xi32>
      tpu.vector_store %arg9[%swap3A_126], %swap3A_129 {strides = array<i32>} : memref<80xi32, #tpu.memory_space<vmem>>, vector<16xi32>,
      %get3A_130 = arith.constant 32 : index
      %get3A_131 = tpu.vector_load %arg8[%get3A_130] {strides = array<i32>} : memref<80xi32, #tpu.memory_space<vmem>>, vector<16xi32>,
      %get3A_132 = vector.shape_cast %get3A_131 : vector<16xi32> to vector<16xi32>
      %add3A_133 = vector.broadcast %mul3A_5 : i32 to vector<16xi32>
      %add3A_134 = arith.addi %get3A_132, %add3A_133 : vector<16xi32>
      %swap3A_135 = arith.constant 32 : index
      %swap3A_136 = tpu.vector_load %arg8[%swap3A_135] {strides = array<i32>} : memref<80xi32, #tpu.memory_space<vmem>>, vector<16xi32>,
      %swap3A_137 = vector.shape_cast %swap3A_136 : vector<16xi32> to vector<16xi32>
      %swap3A_138 = vector.shape_cast %add3A_134 : vector<16xi32> to vector<16xi32>
      tpu.vector_store %arg8[%swap3A_135], %swap3A_138 {strides = array<i32>} : memref<80xi32, #tpu.memory_space<vmem>>, vector<16xi32>,
      %get3A_139 = arith.constant 32 : index
      %get3A_140 = tpu.vector_load %arg10[%get3A_139] {strides = array<i32>} : memref<80xi32, #tpu.memory_space<vmem>>, vector<16xi32>,
      %get3A_141 = vector.shape_cast %get3A_140 : vector<16xi32> to vector<16xi32>
      %add3A_142 = vector.broadcast %mul3A_7 : i32 to vector<16xi32>
      %add3A_143 = arith.addi %get3A_141, %add3A_142 : vector<16xi32>
      %swap3A_144 = arith.constant 32 : index
      %swap3A_145 = tpu.vector_load %arg10[%swap3A_144] {strides = array<i32>} : memref<80xi32, #tpu.memory_space<vmem>>, vector<16xi32>,
      %swap3A_146 = vector.shape_cast %swap3A_145 : vector<16xi32> to vector<16xi32>
      %swap3A_147 = vector.shape_cast %add3A_143 : vector<16xi32> to vector<16xi32>
      tpu.vector_store %arg10[%swap3A_144], %swap3A_147 {strides = array<i32>} : memref<80xi32, #tpu.memory_space<vmem>>, vector<16xi32>,
      %get3A_148 = arith.constant 32 : index
      %get3A_149 = tpu.vector_load %arg9[%get3A_148] {strides = array<i32>} : memref<80xi32, #tpu.memory_space<vmem>>, vector<16xi32>,
      %get3A_150 = vector.shape_cast %get3A_149 : vector<16xi32> to vector<16xi32>
      %sub3A_151 = arith.constant 5000 : i32
      %sub3A_152 = vector.broadcast %sub3A_151 : i32 to vector<16xi32>
      %sub3A_153 = arith.subi %get3A_150, %sub3A_152 : vector<16xi32>
      %ge3A_154 = arith.constant 0 : i32
      %ge3A_155 = vector.broadcast %ge3A_154 : i32 to vector<16xi32>
      %ge3A_156 = arith.cmpi sge, %sub3A_153, %ge3A_155 : vector<16xi32>
      %lt3A_157 = arith.constant 5000 : i32
      %lt3A_158 = vector.broadcast %lt3A_157 : i32 to vector<16xi32>
      %lt3A_159 = arith.cmpi slt, %sub3A_153, %lt3A_158 : vector<16xi32>
      %and3A_160 = arith.andi %ge3A_156, %lt3A_159 : vector<16xi1>
      %jit3A_161 = arith.constant 5112 : i32
      %broadcast_in_dim3A_162 = vector.broadcast %jit3A_161 : i32 to vector<16xi32>
      %select_n3A_163 = arith.select %and3A_160, %sub3A_153, %broadcast_in_dim3A_162 : vector<16xi1>, vector<16xi32>
      %swap3A_164 = arith.constant 32 : index
      %swap3A_165 = tpu.vector_load %arg9[%swap3A_164] {strides = array<i32>} : memref<80xi32, #tpu.memory_space<vmem>>, vector<16xi32>,
      %swap3A_166 = vector.shape_cast %swap3A_165 : vector<16xi32> to vector<16xi32>
      %swap3A_167 = vector.shape_cast %select_n3A_163 : vector<16xi32> to vector<16xi32>
      tpu.vector_store %arg9[%swap3A_164], %swap3A_167 {strides = array<i32>} : memref<80xi32, #tpu.memory_space<vmem>>, vector<16xi32>,
      %get3A_168 = arith.constant 48 : index
      %get3A_169 = tpu.vector_load %arg8[%get3A_168] {strides = array<i32>} : memref<80xi32, #tpu.memory_space<vmem>>, vector<16xi32>,
      %get3A_170 = vector.shape_cast %get3A_169 : vector<16xi32> to vector<16xi32>
      %add3A_171 = vector.broadcast %mul3A_5 : i32 to vector<16xi32>
      %add3A_172 = arith.addi %get3A_170, %add3A_171 : vector<16xi32>
      %swap3A_173 = arith.constant 48 : index
      %swap3A_174 = tpu.vector_load %arg8[%swap3A_173] {strides = array<i32>} : memref<80xi32, #tpu.memory_space<vmem>>, vector<16xi32>,
      %swap3A_175 = vector.shape_cast %swap3A_174 : vector<16xi32> to vector<16xi32>
      %swap3A_176 = vector.shape_cast %add3A_172 : vector<16xi32> to vector<16xi32>
      tpu.vector_store %arg8[%swap3A_173], %swap3A_176 {strides = array<i32>} : memref<80xi32, #tpu.memory_space<vmem>>, vector<16xi32>,
      %get3A_177 = arith.constant 48 : index
      %get3A_178 = tpu.vector_load %arg10[%get3A_177] {strides = array<i32>} : memref<80xi32, #tpu.memory_space<vmem>>, vector<16xi32>,
      %get3A_179 = vector.shape_cast %get3A_178 : vector<16xi32> to vector<16xi32>
      %add3A_180 = vector.broadcast %mul3A_7 : i32 to vector<16xi32>
      %add3A_181 = arith.addi %get3A_179, %add3A_180 : vector<16xi32>
      %swap3A_182 = arith.constant 48 : index
      %swap3A_183 = tpu.vector_load %arg10[%swap3A_182] {strides = array<i32>} : memref<80xi32, #tpu.memory_space<vmem>>, vector<16xi32>,
      %swap3A_184 = vector.shape_cast %swap3A_183 : vector<16xi32> to vector<16xi32>
      %swap3A_185 = vector.shape_cast %add3A_181 : vector<16xi32> to vector<16xi32>
      tpu.vector_store %arg10[%swap3A_182], %swap3A_185 {strides = array<i32>} : memref<80xi32, #tpu.memory_space<vmem>>, vector<16xi32>,
      %get3A_186 = arith.constant 48 : index
      %get3A_187 = tpu.vector_load %arg9[%get3A_186] {strides = array<i32>} : memref<80xi32, #tpu.memory_space<vmem>>, vector<16xi32>,
      %get3A_188 = vector.shape_cast %get3A_187 : vector<16xi32> to vector<16xi32>
      %sub3A_189 = arith.constant 5000 : i32
      %sub3A_190 = vector.broadcast %sub3A_189 : i32 to vector<16xi32>
      %sub3A_191 = arith.subi %get3A_188, %sub3A_190 : vector<16xi32>
      %ge3A_192 = arith.constant 0 : i32
      %ge3A_193 = vector.broadcast %ge3A_192 : i32 to vector<16xi32>
      %ge3A_194 = arith.cmpi sge, %sub3A_191, %ge3A_193 : vector<16xi32>
      %lt3A_195 = arith.constant 5000 : i32
      %lt3A_196 = vector.broadcast %lt3A_195 : i32 to vector<16xi32>
      %lt3A_197 = arith.cmpi slt, %sub3A_191, %lt3A_196 : vector<16xi32>
      %and3A_198 = arith.andi %ge3A_194, %lt3A_197 : vector<16xi1>
      %jit3A_199 = arith.constant 5112 : i32
      %broadcast_in_dim3A_200 = vector.broadcast %jit3A_199 : i32 to vector<16xi32>
      %select_n3A_201 = arith.select %and3A_198, %sub3A_191, %broadcast_in_dim3A_200 : vector<16xi1>, vector<16xi32>
      %swap3A_202 = arith.constant 48 : index
      %swap3A_203 = tpu.vector_load %arg9[%swap3A_202] {strides = array<i32>} : memref<80xi32, #tpu.memory_space<vmem>>, vector<16xi32>,
      %swap3A_204 = vector.shape_cast %swap3A_203 : vector<16xi32> to vector<16xi32>
      %swap3A_205 = vector.shape_cast %select_n3A_201 : vector<16xi32> to vector<16xi32>
      tpu.vector_store %arg9[%swap3A_202], %swap3A_205 {strides = array<i32>} : memref<80xi32, #tpu.memory_space<vmem>>, vector<16xi32>,
      %get3A_206 = arith.constant 64 : index
      %get3A_207 = tpu.vector_load %arg8[%get3A_206] {strides = array<i32>} : memref<80xi32, #tpu.memory_space<vmem>>, vector<16xi32>,
      %get3A_208 = vector.shape_cast %get3A_207 : vector<16xi32> to vector<16xi32>
      %add3A_209 = vector.broadcast %mul3A_5 : i32 to vector<16xi32>
      %add3A_210 = arith.addi %get3A_208, %add3A_209 : vector<16xi32>
      %swap3A_211 = arith.constant 64 : index
      %swap3A_212 = tpu.vector_load %arg8[%swap3A_211] {strides = array<i32>} : memref<80xi32, #tpu.memory_space<vmem>>, vector<16xi32>,
      %swap3A_213 = vector.shape_cast %swap3A_212 : vector<16xi32> to vector<16xi32>
      %swap3A_214 = vector.shape_cast %add3A_210 : vector<16xi32> to vector<16xi32>
      tpu.vector_store %arg8[%swap3A_211], %swap3A_214 {strides = array<i32>} : memref<80xi32, #tpu.memory_space<vmem>>, vector<16xi32>,
      %get3A_215 = arith.constant 64 : index
      %get3A_216 = tpu.vector_load %arg10[%get3A_215] {strides = array<i32>} : memref<80xi32, #tpu.memory_space<vmem>>, vector<16xi32>,
      %get3A_217 = vector.shape_cast %get3A_216 : vector<16xi32> to vector<16xi32>
      %add3A_218 = vector.broadcast %mul3A_7 : i32 to vector<16xi32>
      %add3A_219 = arith.addi %get3A_217, %add3A_218 : vector<16xi32>
      %swap3A_220 = arith.constant 64 : index
      %swap3A_221 = tpu.vector_load %arg10[%swap3A_220] {strides = array<i32>} : memref<80xi32, #tpu.memory_space<vmem>>, vector<16xi32>,
      %swap3A_222 = vector.shape_cast %swap3A_221 : vector<16xi32> to vector<16xi32>
      %swap3A_223 = vector.shape_cast %add3A_219 : vector<16xi32> to vector<16xi32>
      tpu.vector_store %arg10[%swap3A_220], %swap3A_223 {strides = array<i32>} : memref<80xi32, #tpu.memory_space<vmem>>, vector<16xi32>,
      %get3A_224 = arith.constant 64 : index
      %get3A_225 = tpu.vector_load %arg9[%get3A_224] {strides = array<i32>} : memref<80xi32, #tpu.memory_space<vmem>>, vector<16xi32>,
      %get3A_226 = vector.shape_cast %get3A_225 : vector<16xi32> to vector<16xi32>
      %sub3A_227 = arith.constant 5000 : i32
      %sub3A_228 = vector.broadcast %sub3A_227 : i32 to vector<16xi32>
      %sub3A_229 = arith.subi %get3A_226, %sub3A_228 : vector<16xi32>
      %ge3A_230 = arith.constant 0 : i32
      %ge3A_231 = vector.broadcast %ge3A_230 : i32 to vector<16xi32>
      %ge3A_232 = arith.cmpi sge, %sub3A_229, %ge3A_231 : vector<16xi32>
      %lt3A_233 = arith.constant 5000 : i32
      %lt3A_234 = vector.broadcast %lt3A_233 : i32 to vector<16xi32>
      %lt3A_235 = arith.cmpi slt, %sub3A_229, %lt3A_234 : vector<16xi32>
      %and3A_236 = arith.andi %ge3A_232, %lt3A_235 : vector<16xi1>
      %jit3A_237 = arith.constant 5112 : i32
      %broadcast_in_dim3A_238 = vector.broadcast %jit3A_237 : i32 to vector<16xi32>
      %select_n3A_239 = arith.select %and3A_236, %sub3A_229, %broadcast_in_dim3A_238 : vector<16xi1>, vector<16xi32>
      %swap3A_240 = arith.constant 64 : index
      %swap3A_241 = tpu.vector_load %arg9[%swap3A_240] {strides = array<i32>} : memref<80xi32, #tpu.memory_space<vmem>>, vector<16xi32>,
      %swap3A_242 = vector.shape_cast %swap3A_241 : vector<16xi32> to vector<16xi32>
      %swap3A_243 = vector.shape_cast %select_n3A_239 : vector<16xi32> to vector<16xi32>
      tpu.vector_store %arg9[%swap3A_240], %swap3A_243 {strides = array<i32>} : memref<80xi32, #tpu.memory_space<vmem>>, vector<16xi32>,
      %dma_start3A = arith.constant 0 : i32
      %dma_start3A_244 = arith.constant 0 : i32
      %dma_start3A_245 = tpu.memref_slice %arg2[%dma_start3A, %dma_start3A_244] : memref<20000x160xf32, #tpu.memory_space<hbm>> -> memref<20000x160xf32, #tpu.memory_space<hbm>>
      tpu.enqueue_indirect_dma source(%dma_start3A_245 : memref<20000x160xf32, #tpu.memory_space<hbm>>) target(%arg11 : memref<80x160xf32, #tpu.memory_space<vmem>>) offsets(%arg8 : memref<80xi32, #tpu.memory_space<vmem>>) semaphore(%arg19 : memref<!tpu.dma_semaphore, #tpu.memory_space<semaphore_mem>>)
      %dma_start3A_246 = arith.constant 0 : i32
      %dma_start3A_247 = arith.constant 0 : i32
      %dma_start3A_248 = tpu.memref_slice %arg3[%dma_start3A_246, %dma_start3A_247] : memref<2000x160xf32, #tpu.memory_space<hbm>> -> memref<2000x160xf32, #tpu.memory_space<hbm>>
      tpu.enqueue_indirect_dma source(%dma_start3A_248 : memref<2000x160xf32, #tpu.memory_space<hbm>>) target(%arg12 : memref<80x160xf32, #tpu.memory_space<vmem>>) offsets(%arg10 : memref<80xi32, #tpu.memory_space<vmem>>) semaphore(%arg20 : memref<!tpu.dma_semaphore, #tpu.memory_space<semaphore_mem>>)
      %mul3A_249 = arith.constant 2 : i32
      %mul3A_250 = arith.muli %mul3A_249, %scan3A_52 : i32
      %add3A_251 = arith.constant 1 : i32
      %add3A_252 = arith.addi %mul3A_250, %add3A_251 : i32
      %add3A_253 = arith.constant 1088 : i32
      %add3A_254 = arith.addi %add3A_253, %arg1 : i32
      %mul3A_255 = arith.constant 16 : i32
      %mul3A_256 = arith.muli %add3A_252, %mul3A_255 : i32
      %add3A_257 = arith.addi %add3A_254, %mul3A_256 : i32
      %mul3A_258 = arith.constant 80 : i32
      %mul3A_259 = arith.muli %add3A_257, %mul3A_258 : i32
      "tpu.region"() ({
        %run_scoped3A = tpu.sem_alloc : memref<!tpu.dma_semaphore, #tpu.memory_space<semaphore_mem>>
        %dma_start3A_485 = tpu.memref_slice %arg4[%mul3A_259] : memref<174080xi32, #tpu.memory_space<hbm>> -> memref<80xi32, #tpu.memory_space<hbm>>
        %dma_start3A_486 = tpu.memref_slice %arg4[%mul3A_259] : memref<174080xi32, #tpu.memory_space<hbm>> -> memref<80xi32, #tpu.memory_space<hbm>>
        tpu.enqueue_dma source(%dma_start3A_486 : memref<80xi32, #tpu.memory_space<hbm>>) target(%arg8 : memref<80xi32, #tpu.memory_space<vmem>>) target_semaphore(%run_scoped3A : memref<!tpu.dma_semaphore, #tpu.memory_space<semaphore_mem>>)
        %dma_wait3A_487 = tpu.memref_slice %arg4[%mul3A_259] : memref<174080xi32, #tpu.memory_space<hbm>> -> memref<80xi32, #tpu.memory_space<hbm>>
        %dma_wait3A_488 = tpu.memref_slice %arg4[%mul3A_259] : memref<174080xi32, #tpu.memory_space<hbm>> -> memref<80xi32, #tpu.memory_space<hbm>>
        tpu.wait_dma2 semaphore(%run_scoped3A : memref<!tpu.dma_semaphore, #tpu.memory_space<semaphore_mem>>) src(%dma_wait3A_488 : memref<80xi32, #tpu.memory_space<hbm>>) dst(%arg8 : memref<80xi32, #tpu.memory_space<vmem>>)
        tpu.yield
      }) : () -> ()
      "tpu.region"() ({
        %run_scoped3A = tpu.sem_alloc : memref<!tpu.dma_semaphore, #tpu.memory_space<semaphore_mem>>
        %dma_start3A_485 = tpu.memref_slice %arg6[%mul3A_259] : memref<174080xi32, #tpu.memory_space<hbm>> -> memref<80xi32, #tpu.memory_space<hbm>>
        %dma_start3A_486 = tpu.memref_slice %arg6[%mul3A_259] : memref<174080xi32, #tpu.memory_space<hbm>> -> memref<80xi32, #tpu.memory_space<hbm>>
        tpu.enqueue_dma source(%dma_start3A_486 : memref<80xi32, #tpu.memory_space<hbm>>) target(%arg14 : memref<80xi32, #tpu.memory_space<vmem>>) target_semaphore(%run_scoped3A : memref<!tpu.dma_semaphore, #tpu.memory_space<semaphore_mem>>)
        %dma_wait3A_487 = tpu.memref_slice %arg6[%mul3A_259] : memref<174080xi32, #tpu.memory_space<hbm>> -> memref<80xi32, #tpu.memory_space<hbm>>
        %dma_wait3A_488 = tpu.memref_slice %arg6[%mul3A_259] : memref<174080xi32, #tpu.memory_space<hbm>> -> memref<80xi32, #tpu.memory_space<hbm>>
        tpu.wait_dma2 semaphore(%run_scoped3A : memref<!tpu.dma_semaphore, #tpu.memory_space<semaphore_mem>>) src(%dma_wait3A_488 : memref<80xi32, #tpu.memory_space<hbm>>) dst(%arg14 : memref<80xi32, #tpu.memory_space<vmem>>)
        tpu.yield
      }) : () -> ()
      "tpu.region"() ({
        %run_scoped3A = tpu.sem_alloc : memref<!tpu.dma_semaphore, #tpu.memory_space<semaphore_mem>>
        %dma_start3A_485 = tpu.memref_slice %arg5[%mul3A_259] : memref<174080xi32, #tpu.memory_space<hbm>> -> memref<80xi32, #tpu.memory_space<hbm>>
        %dma_start3A_486 = tpu.memref_slice %arg5[%mul3A_259] : memref<174080xi32, #tpu.memory_space<hbm>> -> memref<80xi32, #tpu.memory_space<hbm>>
        tpu.enqueue_dma source(%dma_start3A_486 : memref<80xi32, #tpu.memory_space<hbm>>) target(%arg13 : memref<80xi32, #tpu.memory_space<vmem>>) target_semaphore(%run_scoped3A : memref<!tpu.dma_semaphore, #tpu.memory_space<semaphore_mem>>)
        %dma_wait3A_487 = tpu.memref_slice %arg5[%mul3A_259] : memref<174080xi32, #tpu.memory_space<hbm>> -> memref<80xi32, #tpu.memory_space<hbm>>
        %dma_wait3A_488 = tpu.memref_slice %arg5[%mul3A_259] : memref<174080xi32, #tpu.memory_space<hbm>> -> memref<80xi32, #tpu.memory_space<hbm>>
        tpu.wait_dma2 semaphore(%run_scoped3A : memref<!tpu.dma_semaphore, #tpu.memory_space<semaphore_mem>>) src(%dma_wait3A_488 : memref<80xi32, #tpu.memory_space<hbm>>) dst(%arg13 : memref<80xi32, #tpu.memory_space<vmem>>)
        tpu.yield
      }) : () -> ()
      %get3A_260 = arith.constant 0 : index
      %get3A_261 = tpu.vector_load %arg8[%get3A_260] {strides = array<i32>} : memref<80xi32, #tpu.memory_space<vmem>>, vector<16xi32>,
      %get3A_262 = vector.shape_cast %get3A_261 : vector<16xi32> to vector<16xi32>
      %add3A_263 = vector.broadcast %mul3A_5 : i32 to vector<16xi32>
      %add3A_264 = arith.addi %get3A_262, %add3A_263 : vector<16xi32>
      %swap3A_265 = arith.constant 0 : index
      %swap3A_266 = tpu.vector_load %arg8[%swap3A_265] {strides = array<i32>} : memref<80xi32, #tpu.memory_space<vmem>>, vector<16xi32>,
      %swap3A_267 = vector.shape_cast %swap3A_266 : vector<16xi32> to vector<16xi32>
      %swap3A_268 = vector.shape_cast %add3A_264 : vector<16xi32> to vector<16xi32>
      tpu.vector_store %arg8[%swap3A_265], %swap3A_268 {strides = array<i32>} : memref<80xi32, #tpu.memory_space<vmem>>, vector<16xi32>,
      %get3A_269 = arith.constant 0 : index
      %get3A_270 = tpu.vector_load %arg14[%get3A_269] {strides = array<i32>} : memref<80xi32, #tpu.memory_space<vmem>>, vector<16xi32>,
      %get3A_271 = vector.shape_cast %get3A_270 : vector<16xi32> to vector<16xi32>
      %add3A_272 = vector.broadcast %mul3A_7 : i32 to vector<16xi32>
      %add3A_273 = arith.addi %get3A_271, %add3A_272 : vector<16xi32>
      %swap3A_274 = arith.constant 0 : index
      %swap3A_275 = tpu.vector_load %arg14[%swap3A_274] {strides = array<i32>} : memref<80xi32, #tpu.memory_space<vmem>>, vector<16xi32>,
      %swap3A_276 = vector.shape_cast %swap3A_275 : vector<16xi32> to vector<16xi32>
      %swap3A_277 = vector.shape_cast %add3A_273 : vector<16xi32> to vector<16xi32>
      tpu.vector_store %arg14[%swap3A_274], %swap3A_277 {strides = array<i32>} : memref<80xi32, #tpu.memory_space<vmem>>, vector<16xi32>,
      %get3A_278 = arith.constant 0 : index
      %get3A_279 = tpu.vector_load %arg13[%get3A_278] {strides = array<i32>} : memref<80xi32, #tpu.memory_space<vmem>>, vector<16xi32>,
      %get3A_280 = vector.shape_cast %get3A_279 : vector<16xi32> to vector<16xi32>
      %sub3A_281 = arith.constant 5000 : i32
      %sub3A_282 = vector.broadcast %sub3A_281 : i32 to vector<16xi32>
      %sub3A_283 = arith.subi %get3A_280, %sub3A_282 : vector<16xi32>
      %ge3A_284 = arith.constant 0 : i32
      %ge3A_285 = vector.broadcast %ge3A_284 : i32 to vector<16xi32>
      %ge3A_286 = arith.cmpi sge, %sub3A_283, %ge3A_285 : vector<16xi32>
      %lt3A_287 = arith.constant 5000 : i32
      %lt3A_288 = vector.broadcast %lt3A_287 : i32 to vector<16xi32>
      %lt3A_289 = arith.cmpi slt, %sub3A_283, %lt3A_288 : vector<16xi32>
      %and3A_290 = arith.andi %ge3A_286, %lt3A_289 : vector<16xi1>
      %jit3A_291 = arith.constant 5112 : i32
      %broadcast_in_dim3A_292 = vector.broadcast %jit3A_291 : i32 to vector<16xi32>
      %select_n3A_293 = arith.select %and3A_290, %sub3A_283, %broadcast_in_dim3A_292 : vector<16xi1>, vector<16xi32>
      %swap3A_294 = arith.constant 0 : index
      %swap3A_295 = tpu.vector_load %arg13[%swap3A_294] {strides = array<i32>} : memref<80xi32, #tpu.memory_space<vmem>>, vector<16xi32>,
      %swap3A_296 = vector.shape_cast %swap3A_295 : vector<16xi32> to vector<16xi32>
      %swap3A_297 = vector.shape_cast %select_n3A_293 : vector<16xi32> to vector<16xi32>
      tpu.vector_store %arg13[%swap3A_294], %swap3A_297 {strides = array<i32>} : memref<80xi32, #tpu.memory_space<vmem>>, vector<16xi32>,
      %get3A_298 = arith.constant 16 : index
      %get3A_299 = tpu.vector_load %arg8[%get3A_298] {strides = array<i32>} : memref<80xi32, #tpu.memory_space<vmem>>, vector<16xi32>,
      %get3A_300 = vector.shape_cast %get3A_299 : vector<16xi32> to vector<16xi32>
      %add3A_301 = vector.broadcast %mul3A_5 : i32 to vector<16xi32>
      %add3A_302 = arith.addi %get3A_300, %add3A_301 : vector<16xi32>
      %swap3A_303 = arith.constant 16 : index
      %swap3A_304 = tpu.vector_load %arg8[%swap3A_303] {strides = array<i32>} : memref<80xi32, #tpu.memory_space<vmem>>, vector<16xi32>,
      %swap3A_305 = vector.shape_cast %swap3A_304 : vector<16xi32> to vector<16xi32>
      %swap3A_306 = vector.shape_cast %add3A_302 : vector<16xi32> to vector<16xi32>
      tpu.vector_store %arg8[%swap3A_303], %swap3A_306 {strides = array<i32>} : memref<80xi32, #tpu.memory_space<vmem>>, vector<16xi32>,
      %get3A_307 = arith.constant 16 : index
      %get3A_308 = tpu.vector_load %arg14[%get3A_307] {strides = array<i32>} : memref<80xi32, #tpu.memory_space<vmem>>, vector<16xi32>,
      %get3A_309 = vector.shape_cast %get3A_308 : vector<16xi32> to vector<16xi32>
      %add3A_310 = vector.broadcast %mul3A_7 : i32 to vector<16xi32>
      %add3A_311 = arith.addi %get3A_309, %add3A_310 : vector<16xi32>
      %swap3A_312 = arith.constant 16 : index
      %swap3A_313 = tpu.vector_load %arg14[%swap3A_312] {strides = array<i32>} : memref<80xi32, #tpu.memory_space<vmem>>, vector<16xi32>,
      %swap3A_314 = vector.shape_cast %swap3A_313 : vector<16xi32> to vector<16xi32>
      %swap3A_315 = vector.shape_cast %add3A_311 : vector<16xi32> to vector<16xi32>
      tpu.vector_store %arg14[%swap3A_312], %swap3A_315 {strides = array<i32>} : memref<80xi32, #tpu.memory_space<vmem>>, vector<16xi32>,
      %get3A_316 = arith.constant 16 : index
      %get3A_317 = tpu.vector_load %arg13[%get3A_316] {strides = array<i32>} : memref<80xi32, #tpu.memory_space<vmem>>, vector<16xi32>,
      %get3A_318 = vector.shape_cast %get3A_317 : vector<16xi32> to vector<16xi32>
      %sub3A_319 = arith.constant 5000 : i32
      %sub3A_320 = vector.broadcast %sub3A_319 : i32 to vector<16xi32>
      %sub3A_321 = arith.subi %get3A_318, %sub3A_320 : vector<16xi32>
      %ge3A_322 = arith.constant 0 : i32
      %ge3A_323 = vector.broadcast %ge3A_322 : i32 to vector<16xi32>
      %ge3A_324 = arith.cmpi sge, %sub3A_321, %ge3A_323 : vector<16xi32>
      %lt3A_325 = arith.constant 5000 : i32
      %lt3A_326 = vector.broadcast %lt3A_325 : i32 to vector<16xi32>
      %lt3A_327 = arith.cmpi slt, %sub3A_321, %lt3A_326 : vector<16xi32>
      %and3A_328 = arith.andi %ge3A_324, %lt3A_327 : vector<16xi1>
      %jit3A_329 = arith.constant 5112 : i32
      %broadcast_in_dim3A_330 = vector.broadcast %jit3A_329 : i32 to vector<16xi32>
      %select_n3A_331 = arith.select %and3A_328, %sub3A_321, %broadcast_in_dim3A_330 : vector<16xi1>, vector<16xi32>
      %swap3A_332 = arith.constant 16 : index
      %swap3A_333 = tpu.vector_load %arg13[%swap3A_332] {strides = array<i32>} : memref<80xi32, #tpu.memory_space<vmem>>, vector<16xi32>,
      %swap3A_334 = vector.shape_cast %swap3A_333 : vector<16xi32> to vector<16xi32>
      %swap3A_335 = vector.shape_cast %select_n3A_331 : vector<16xi32> to vector<16xi32>
      tpu.vector_store %arg13[%swap3A_332], %swap3A_335 {strides = array<i32>} : memref<80xi32, #tpu.memory_space<vmem>>, vector<16xi32>,
      %get3A_336 = arith.constant 32 : index
      %get3A_337 = tpu.vector_load %arg8[%get3A_336] {strides = array<i32>} : memref<80xi32, #tpu.memory_space<vmem>>, vector<16xi32>,
      %get3A_338 = vector.shape_cast %get3A_337 : vector<16xi32> to vector<16xi32>
      %add3A_339 = vector.broadcast %mul3A_5 : i32 to vector<16xi32>
      %add3A_340 = arith.addi %get3A_338, %add3A_339 : vector<16xi32>
      %swap3A_341 = arith.constant 32 : index
      %swap3A_342 = tpu.vector_load %arg8[%swap3A_341] {strides = array<i32>} : memref<80xi32, #tpu.memory_space<vmem>>, vector<16xi32>,
      %swap3A_343 = vector.shape_cast %swap3A_342 : vector<16xi32> to vector<16xi32>
      %swap3A_344 = vector.shape_cast %add3A_340 : vector<16xi32> to vector<16xi32>
      tpu.vector_store %arg8[%swap3A_341], %swap3A_344 {strides = array<i32>} : memref<80xi32, #tpu.memory_space<vmem>>, vector<16xi32>,
      %get3A_345 = arith.constant 32 : index
      %get3A_346 = tpu.vector_load %arg14[%get3A_345] {strides = array<i32>} : memref<80xi32, #tpu.memory_space<vmem>>, vector<16xi32>,
      %get3A_347 = vector.shape_cast %get3A_346 : vector<16xi32> to vector<16xi32>
      %add3A_348 = vector.broadcast %mul3A_7 : i32 to vector<16xi32>
      %add3A_349 = arith.addi %get3A_347, %add3A_348 : vector<16xi32>
      %swap3A_350 = arith.constant 32 : index
      %swap3A_351 = tpu.vector_load %arg14[%swap3A_350] {strides = array<i32>} : memref<80xi32, #tpu.memory_space<vmem>>, vector<16xi32>,
      %swap3A_352 = vector.shape_cast %swap3A_351 : vector<16xi32> to vector<16xi32>
      %swap3A_353 = vector.shape_cast %add3A_349 : vector<16xi32> to vector<16xi32>
      tpu.vector_store %arg14[%swap3A_350], %swap3A_353 {strides = array<i32>} : memref<80xi32, #tpu.memory_space<vmem>>, vector<16xi32>,
      %get3A_354 = arith.constant 32 : index
      %get3A_355 = tpu.vector_load %arg13[%get3A_354] {strides = array<i32>} : memref<80xi32, #tpu.memory_space<vmem>>, vector<16xi32>,
      %get3A_356 = vector.shape_cast %get3A_355 : vector<16xi32> to vector<16xi32>
      %sub3A_357 = arith.constant 5000 : i32
      %sub3A_358 = vector.broadcast %sub3A_357 : i32 to vector<16xi32>
      %sub3A_359 = arith.subi %get3A_356, %sub3A_358 : vector<16xi32>
      %ge3A_360 = arith.constant 0 : i32
      %ge3A_361 = vector.broadcast %ge3A_360 : i32 to vector<16xi32>
      %ge3A_362 = arith.cmpi sge, %sub3A_359, %ge3A_361 : vector<16xi32>
      %lt3A_363 = arith.constant 5000 : i32
      %lt3A_364 = vector.broadcast %lt3A_363 : i32 to vector<16xi32>
      %lt3A_365 = arith.cmpi slt, %sub3A_359, %lt3A_364 : vector<16xi32>
      %and3A_366 = arith.andi %ge3A_362, %lt3A_365 : vector<16xi1>
      %jit3A_367 = arith.constant 5112 : i32
      %broadcast_in_dim3A_368 = vector.broadcast %jit3A_367 : i32 to vector<16xi32>
      %select_n3A_369 = arith.select %and3A_366, %sub3A_359, %broadcast_in_dim3A_368 : vector<16xi1>, vector<16xi32>
      %swap3A_370 = arith.constant 32 : index
      %swap3A_371 = tpu.vector_load %arg13[%swap3A_370] {strides = array<i32>} : memref<80xi32, #tpu.memory_space<vmem>>, vector<16xi32>,
      %swap3A_372 = vector.shape_cast %swap3A_371 : vector<16xi32> to vector<16xi32>
      %swap3A_373 = vector.shape_cast %select_n3A_369 : vector<16xi32> to vector<16xi32>
      tpu.vector_store %arg13[%swap3A_370], %swap3A_373 {strides = array<i32>} : memref<80xi32, #tpu.memory_space<vmem>>, vector<16xi32>,
      %get3A_374 = arith.constant 48 : index
      %get3A_375 = tpu.vector_load %arg8[%get3A_374] {strides = array<i32>} : memref<80xi32, #tpu.memory_space<vmem>>, vector<16xi32>,
      %get3A_376 = vector.shape_cast %get3A_375 : vector<16xi32> to vector<16xi32>
      %add3A_377 = vector.broadcast %mul3A_5 : i32 to vector<16xi32>
      %add3A_378 = arith.addi %get3A_376, %add3A_377 : vector<16xi32>
      %swap3A_379 = arith.constant 48 : index
      %swap3A_380 = tpu.vector_load %arg8[%swap3A_379] {strides = array<i32>} : memref<80xi32, #tpu.memory_space<vmem>>, vector<16xi32>,
      %swap3A_381 = vector.shape_cast %swap3A_380 : vector<16xi32> to vector<16xi32>
      %swap3A_382 = vector.shape_cast %add3A_378 : vector<16xi32> to vector<16xi32>
      tpu.vector_store %arg8[%swap3A_379], %swap3A_382 {strides = array<i32>} : memref<80xi32, #tpu.memory_space<vmem>>, vector<16xi32>,
      %get3A_383 = arith.constant 48 : index
      %get3A_384 = tpu.vector_load %arg14[%get3A_383] {strides = array<i32>} : memref<80xi32, #tpu.memory_space<vmem>>, vector<16xi32>,
      %get3A_385 = vector.shape_cast %get3A_384 : vector<16xi32> to vector<16xi32>
      %add3A_386 = vector.broadcast %mul3A_7 : i32 to vector<16xi32>
      %add3A_387 = arith.addi %get3A_385, %add3A_386 : vector<16xi32>
      %swap3A_388 = arith.constant 48 : index
      %swap3A_389 = tpu.vector_load %arg14[%swap3A_388] {strides = array<i32>} : memref<80xi32, #tpu.memory_space<vmem>>, vector<16xi32>,
      %swap3A_390 = vector.shape_cast %swap3A_389 : vector<16xi32> to vector<16xi32>
      %swap3A_391 = vector.shape_cast %add3A_387 : vector<16xi32> to vector<16xi32>
      tpu.vector_store %arg14[%swap3A_388], %swap3A_391 {strides = array<i32>} : memref<80xi32, #tpu.memory_space<vmem>>, vector<16xi32>,
      %get3A_392 = arith.constant 48 : index
      %get3A_393 = tpu.vector_load %arg13[%get3A_392] {strides = array<i32>} : memref<80xi32, #tpu.memory_space<vmem>>, vector<16xi32>,
      %get3A_394 = vector.shape_cast %get3A_393 : vector<16xi32> to vector<16xi32>
      %sub3A_395 = arith.constant 5000 : i32
      %sub3A_396 = vector.broadcast %sub3A_395 : i32 to vector<16xi32>
      %sub3A_397 = arith.subi %get3A_394, %sub3A_396 : vector<16xi32>
      %ge3A_398 = arith.constant 0 : i32
      %ge3A_399 = vector.broadcast %ge3A_398 : i32 to vector<16xi32>
      %ge3A_400 = arith.cmpi sge, %sub3A_397, %ge3A_399 : vector<16xi32>
      %lt3A_401 = arith.constant 5000 : i32
      %lt3A_402 = vector.broadcast %lt3A_401 : i32 to vector<16xi32>
      %lt3A_403 = arith.cmpi slt, %sub3A_397, %lt3A_402 : vector<16xi32>
      %and3A_404 = arith.andi %ge3A_400, %lt3A_403 : vector<16xi1>
      %jit3A_405 = arith.constant 5112 : i32
      %broadcast_in_dim3A_406 = vector.broadcast %jit3A_405 : i32 to vector<16xi32>
      %select_n3A_407 = arith.select %and3A_404, %sub3A_397, %broadcast_in_dim3A_406 : vector<16xi1>, vector<16xi32>
      %swap3A_408 = arith.constant 48 : index
      %swap3A_409 = tpu.vector_load %arg13[%swap3A_408] {strides = array<i32>} : memref<80xi32, #tpu.memory_space<vmem>>, vector<16xi32>,
      %swap3A_410 = vector.shape_cast %swap3A_409 : vector<16xi32> to vector<16xi32>
      %swap3A_411 = vector.shape_cast %select_n3A_407 : vector<16xi32> to vector<16xi32>
      tpu.vector_store %arg13[%swap3A_408], %swap3A_411 {strides = array<i32>} : memref<80xi32, #tpu.memory_space<vmem>>, vector<16xi32>,
      %get3A_412 = arith.constant 64 : index
      %get3A_413 = tpu.vector_load %arg8[%get3A_412] {strides = array<i32>} : memref<80xi32, #tpu.memory_space<vmem>>, vector<16xi32>,
      %get3A_414 = vector.shape_cast %get3A_413 : vector<16xi32> to vector<16xi32>
      %add3A_415 = vector.broadcast %mul3A_5 : i32 to vector<16xi32>
      %add3A_416 = arith.addi %get3A_414, %add3A_415 : vector<16xi32>
      %swap3A_417 = arith.constant 64 : index
      %swap3A_418 = tpu.vector_load %arg8[%swap3A_417] {strides = array<i32>} : memref<80xi32, #tpu.memory_space<vmem>>, vector<16xi32>,
      %swap3A_419 = vector.shape_cast %swap3A_418 : vector<16xi32> to vector<16xi32>
      %swap3A_420 = vector.shape_cast %add3A_416 : vector<16xi32> to vector<16xi32>
      tpu.vector_store %arg8[%swap3A_417], %swap3A_420 {strides = array<i32>} : memref<80xi32, #tpu.memory_space<vmem>>, vector<16xi32>,
      %get3A_421 = arith.constant 64 : index
      %get3A_422 = tpu.vector_load %arg14[%get3A_421] {strides = array<i32>} : memref<80xi32, #tpu.memory_space<vmem>>, vector<16xi32>,
      %get3A_423 = vector.shape_cast %get3A_422 : vector<16xi32> to vector<16xi32>
      %add3A_424 = vector.broadcast %mul3A_7 : i32 to vector<16xi32>
      %add3A_425 = arith.addi %get3A_423, %add3A_424 : vector<16xi32>
      %swap3A_426 = arith.constant 64 : index
      %swap3A_427 = tpu.vector_load %arg14[%swap3A_426] {strides = array<i32>} : memref<80xi32, #tpu.memory_space<vmem>>, vector<16xi32>,
      %swap3A_428 = vector.shape_cast %swap3A_427 : vector<16xi32> to vector<16xi32>
      %swap3A_429 = vector.shape_cast %add3A_425 : vector<16xi32> to vector<16xi32>
      tpu.vector_store %arg14[%swap3A_426], %swap3A_429 {strides = array<i32>} : memref<80xi32, #tpu.memory_space<vmem>>, vector<16xi32>,
      %get3A_430 = arith.constant 64 : index
      %get3A_431 = tpu.vector_load %arg13[%get3A_430] {strides = array<i32>} : memref<80xi32, #tpu.memory_space<vmem>>, vector<16xi32>,
      %get3A_432 = vector.shape_cast %get3A_431 : vector<16xi32> to vector<16xi32>
      %sub3A_433 = arith.constant 5000 : i32
      %sub3A_434 = vector.broadcast %sub3A_433 : i32 to vector<16xi32>
      %sub3A_435 = arith.subi %get3A_432, %sub3A_434 : vector<16xi32>
      %ge3A_436 = arith.constant 0 : i32
      %ge3A_437 = vector.broadcast %ge3A_436 : i32 to vector<16xi32>
      %ge3A_438 = arith.cmpi sge, %sub3A_435, %ge3A_437 : vector<16xi32>
      %lt3A_439 = arith.constant 5000 : i32
      %lt3A_440 = vector.broadcast %lt3A_439 : i32 to vector<16xi32>
      %lt3A_441 = arith.cmpi slt, %sub3A_435, %lt3A_440 : vector<16xi32>
      %and3A_442 = arith.andi %ge3A_438, %lt3A_441 : vector<16xi1>
      %jit3A_443 = arith.constant 5112 : i32
      %broadcast_in_dim3A_444 = vector.broadcast %jit3A_443 : i32 to vector<16xi32>
      %select_n3A_445 = arith.select %and3A_442, %sub3A_435, %broadcast_in_dim3A_444 : vector<16xi1>, vector<16xi32>
      %swap3A_446 = arith.constant 64 : index
      %swap3A_447 = tpu.vector_load %arg13[%swap3A_446] {strides = array<i32>} : memref<80xi32, #tpu.memory_space<vmem>>, vector<16xi32>,
      %swap3A_448 = vector.shape_cast %swap3A_447 : vector<16xi32> to vector<16xi32>
      %swap3A_449 = vector.shape_cast %select_n3A_445 : vector<16xi32> to vector<16xi32>
      tpu.vector_store %arg13[%swap3A_446], %swap3A_449 {strides = array<i32>} : memref<80xi32, #tpu.memory_space<vmem>>, vector<16xi32>,
      %dma_start3A_450 = arith.constant 0 : i32
      %dma_start3A_451 = arith.constant 0 : i32
      %dma_start3A_452 = tpu.memref_slice %arg2[%dma_start3A_450, %dma_start3A_451] : memref<20000x160xf32, #tpu.memory_space<hbm>> -> memref<20000x160xf32, #tpu.memory_space<hbm>>
      tpu.enqueue_indirect_dma source(%dma_start3A_452 : memref<20000x160xf32, #tpu.memory_space<hbm>>) target(%arg15 : memref<80x160xf32, #tpu.memory_space<vmem>>) offsets(%arg8 : memref<80xi32, #tpu.memory_space<vmem>>) semaphore(%arg21 : memref<!tpu.dma_semaphore, #tpu.memory_space<semaphore_mem>>)
      %dma_start3A_453 = arith.constant 0 : i32
      %dma_start3A_454 = arith.constant 0 : i32
      %dma_start3A_455 = tpu.memref_slice %arg3[%dma_start3A_453, %dma_start3A_454] : memref<2000x160xf32, #tpu.memory_space<hbm>> -> memref<2000x160xf32, #tpu.memory_space<hbm>>
      tpu.enqueue_indirect_dma source(%dma_start3A_455 : memref<2000x160xf32, #tpu.memory_space<hbm>>) target(%arg16 : memref<80x160xf32, #tpu.memory_space<vmem>>) offsets(%arg14 : memref<80xi32, #tpu.memory_space<vmem>>) semaphore(%arg22 : memref<!tpu.dma_semaphore, #tpu.memory_space<semaphore_mem>>)
      %dma_wait3A = arith.constant 0 : i32
      %dma_wait3A_456 = arith.constant 0 : i32
      %dma_wait3A_457 = tpu.memref_slice %arg2[%dma_wait3A, %dma_wait3A_456] : memref<20000x160xf32, #tpu.memory_space<hbm>> -> memref<20000x160xf32, #tpu.memory_space<hbm>>
      tpu.wait_indirect_dma semaphore(%arg19 : memref<!tpu.dma_semaphore, #tpu.memory_space<semaphore_mem>>) src(%dma_wait3A_457 : memref<20000x160xf32, #tpu.memory_space<hbm>>) dst(%arg11 : memref<80x160xf32, #tpu.memory_space<vmem>>)
      %dma_wait3A_458 = arith.constant 0 : i32
      %dma_wait3A_459 = arith.constant 0 : i32
      %dma_wait3A_460 = tpu.memref_slice %arg3[%dma_wait3A_458, %dma_wait3A_459] : memref<2000x160xf32, #tpu.memory_space<hbm>> -> memref<2000x160xf32, #tpu.memory_space<hbm>>
      tpu.wait_indirect_dma semaphore(%arg20 : memref<!tpu.dma_semaphore, #tpu.memory_space<semaphore_mem>>) src(%dma_wait3A_460 : memref<2000x160xf32, #tpu.memory_space<hbm>>) dst(%arg12 : memref<80x160xf32, #tpu.memory_space<vmem>>)
      %scan3A_461 = arith.constant 0 : i32
      %scan3A_462 = arith.constant 0 : i32
      %scan3A_463 = arith.constant 80 : i32
      %scan3A_464 = arith.addi %scan3A_462, %scan3A_463 : i32
      %scan3A_465 = arith.constant 1 : i32
      scf.for %scan3A_485 = %scan3A_462 to %scan3A_464 step %scan3A_465  : i32 {
        %get3A_486 = arith.index_cast %scan3A_485 : i32 to index
        %get3A_487 = arith.constant 0 : index
        %get3A_488 = tpu.vector_load %arg11[%get3A_486, %get3A_487] {strides = array<i32>} : memref<80x160xf32, #tpu.memory_space<vmem>>, vector<1x16xf32>,
        %get3A_489 = vector.shape_cast %get3A_488 : vector<1x16xf32> to vector<16xf32>
        %get3A_490 = arith.index_cast %scan3A_485 : i32 to index
        %get3A_491 = arith.constant 0 : index
        %get3A_492 = tpu.vector_load %arg12[%get3A_490, %get3A_491] {strides = array<i32>} : memref<80x160xf32, #tpu.memory_space<vmem>>, vector<1x16xf32>,
        %get3A_493 = vector.shape_cast %get3A_492 : vector<1x16xf32> to vector<16xf32>
        %add3A_494 = arith.addf %get3A_489, %get3A_493 : vector<16xf32>
        %max3A = arith.constant 0.000000e+00 : f32
        %max3A_495 = vector.broadcast %max3A : f32 to vector<16xf32>
        %max3A_496 = arith.maximumf %add3A_494, %max3A_495 : vector<16xf32>
        %swap3A_497 = arith.index_cast %scan3A_485 : i32 to index
        %swap3A_498 = arith.constant 0 : index
        %swap3A_499 = tpu.vector_load %arg11[%swap3A_497, %swap3A_498] {strides = array<i32>} : memref<80x160xf32, #tpu.memory_space<vmem>>, vector<1x16xf32>,
        %swap3A_500 = vector.shape_cast %swap3A_499 : vector<1x16xf32> to vector<16xf32>
        %swap3A_501 = vector.shape_cast %max3A_496 : vector<16xf32> to vector<1x16xf32>
        tpu.vector_store %arg11[%swap3A_497, %swap3A_498], %swap3A_501 {strides = array<i32>} : memref<80x160xf32, #tpu.memory_space<vmem>>, vector<1x16xf32>,
        %get3A_502 = arith.index_cast %scan3A_485 : i32 to index
        %get3A_503 = arith.constant 16 : index
        %get3A_504 = tpu.vector_load %arg11[%get3A_502, %get3A_503] {strides = array<i32>} : memref<80x160xf32, #tpu.memory_space<vmem>>, vector<1x16xf32>,
        %get3A_505 = vector.shape_cast %get3A_504 : vector<1x16xf32> to vector<16xf32>
        %get3A_506 = arith.index_cast %scan3A_485 : i32 to index
        %get3A_507 = arith.constant 16 : index
        %get3A_508 = tpu.vector_load %arg12[%get3A_506, %get3A_507] {strides = array<i32>} : memref<80x160xf32, #tpu.memory_space<vmem>>, vector<1x16xf32>,
        %get3A_509 = vector.shape_cast %get3A_508 : vector<1x16xf32> to vector<16xf32>
        %add3A_510 = arith.addf %get3A_505, %get3A_509 : vector<16xf32>
        %max3A_511 = arith.constant 0.000000e+00 : f32
        %max3A_512 = vector.broadcast %max3A_511 : f32 to vector<16xf32>
        %max3A_513 = arith.maximumf %add3A_510, %max3A_512 : vector<16xf32>
        %swap3A_514 = arith.index_cast %scan3A_485 : i32 to index
        %swap3A_515 = arith.constant 16 : index
        %swap3A_516 = tpu.vector_load %arg11[%swap3A_514, %swap3A_515] {strides = array<i32>} : memref<80x160xf32, #tpu.memory_space<vmem>>, vector<1x16xf32>,
        %swap3A_517 = vector.shape_cast %swap3A_516 : vector<1x16xf32> to vector<16xf32>
        %swap3A_518 = vector.shape_cast %max3A_513 : vector<16xf32> to vector<1x16xf32>
        tpu.vector_store %arg11[%swap3A_514, %swap3A_515], %swap3A_518 {strides = array<i32>} : memref<80x160xf32, #tpu.memory_space<vmem>>, vector<1x16xf32>,
        %get3A_519 = arith.index_cast %scan3A_485 : i32 to index
        %get3A_520 = arith.constant 32 : index
        %get3A_521 = tpu.vector_load %arg11[%get3A_519, %get3A_520] {strides = array<i32>} : memref<80x160xf32, #tpu.memory_space<vmem>>, vector<1x16xf32>,
        %get3A_522 = vector.shape_cast %get3A_521 : vector<1x16xf32> to vector<16xf32>
        %get3A_523 = arith.index_cast %scan3A_485 : i32 to index
        %get3A_524 = arith.constant 32 : index
        %get3A_525 = tpu.vector_load %arg12[%get3A_523, %get3A_524] {strides = array<i32>} : memref<80x160xf32, #tpu.memory_space<vmem>>, vector<1x16xf32>,
        %get3A_526 = vector.shape_cast %get3A_525 : vector<1x16xf32> to vector<16xf32>
        %add3A_527 = arith.addf %get3A_522, %get3A_526 : vector<16xf32>
        %max3A_528 = arith.constant 0.000000e+00 : f32
        %max3A_529 = vector.broadcast %max3A_528 : f32 to vector<16xf32>
        %max3A_530 = arith.maximumf %add3A_527, %max3A_529 : vector<16xf32>
        %swap3A_531 = arith.index_cast %scan3A_485 : i32 to index
        %swap3A_532 = arith.constant 32 : index
        %swap3A_533 = tpu.vector_load %arg11[%swap3A_531, %swap3A_532] {strides = array<i32>} : memref<80x160xf32, #tpu.memory_space<vmem>>, vector<1x16xf32>,
        %swap3A_534 = vector.shape_cast %swap3A_533 : vector<1x16xf32> to vector<16xf32>
        %swap3A_535 = vector.shape_cast %max3A_530 : vector<16xf32> to vector<1x16xf32>
        tpu.vector_store %arg11[%swap3A_531, %swap3A_532], %swap3A_535 {strides = array<i32>} : memref<80x160xf32, #tpu.memory_space<vmem>>, vector<1x16xf32>,
        %get3A_536 = arith.index_cast %scan3A_485 : i32 to index
        %get3A_537 = arith.constant 48 : index
        %get3A_538 = tpu.vector_load %arg11[%get3A_536, %get3A_537] {strides = array<i32>} : memref<80x160xf32, #tpu.memory_space<vmem>>, vector<1x16xf32>,
        %get3A_539 = vector.shape_cast %get3A_538 : vector<1x16xf32> to vector<16xf32>
        %get3A_540 = arith.index_cast %scan3A_485 : i32 to index
        %get3A_541 = arith.constant 48 : index
        %get3A_542 = tpu.vector_load %arg12[%get3A_540, %get3A_541] {strides = array<i32>} : memref<80x160xf32, #tpu.memory_space<vmem>>, vector<1x16xf32>,
        %get3A_543 = vector.shape_cast %get3A_542 : vector<1x16xf32> to vector<16xf32>
        %add3A_544 = arith.addf %get3A_539, %get3A_543 : vector<16xf32>
        %max3A_545 = arith.constant 0.000000e+00 : f32
        %max3A_546 = vector.broadcast %max3A_545 : f32 to vector<16xf32>
        %max3A_547 = arith.maximumf %add3A_544, %max3A_546 : vector<16xf32>
        %swap3A_548 = arith.index_cast %scan3A_485 : i32 to index
        %swap3A_549 = arith.constant 48 : index
        %swap3A_550 = tpu.vector_load %arg11[%swap3A_548, %swap3A_549] {strides = array<i32>} : memref<80x160xf32, #tpu.memory_space<vmem>>, vector<1x16xf32>,
        %swap3A_551 = vector.shape_cast %swap3A_550 : vector<1x16xf32> to vector<16xf32>
        %swap3A_552 = vector.shape_cast %max3A_547 : vector<16xf32> to vector<1x16xf32>
        tpu.vector_store %arg11[%swap3A_548, %swap3A_549], %swap3A_552 {strides = array<i32>} : memref<80x160xf32, #tpu.memory_space<vmem>>, vector<1x16xf32>,
        %get3A_553 = arith.index_cast %scan3A_485 : i32 to index
        %get3A_554 = arith.constant 64 : index
        %get3A_555 = tpu.vector_load %arg11[%get3A_553, %get3A_554] {strides = array<i32>} : memref<80x160xf32, #tpu.memory_space<vmem>>, vector<1x16xf32>,
        %get3A_556 = vector.shape_cast %get3A_555 : vector<1x16xf32> to vector<16xf32>
        %get3A_557 = arith.index_cast %scan3A_485 : i32 to index
        %get3A_558 = arith.constant 64 : index
        %get3A_559 = tpu.vector_load %arg12[%get3A_557, %get3A_558] {strides = array<i32>} : memref<80x160xf32, #tpu.memory_space<vmem>>, vector<1x16xf32>,
        %get3A_560 = vector.shape_cast %get3A_559 : vector<1x16xf32> to vector<16xf32>
        %add3A_561 = arith.addf %get3A_556, %get3A_560 : vector<16xf32>
        %max3A_562 = arith.constant 0.000000e+00 : f32
        %max3A_563 = vector.broadcast %max3A_562 : f32 to vector<16xf32>
        %max3A_564 = arith.maximumf %add3A_561, %max3A_563 : vector<16xf32>
        %swap3A_565 = arith.index_cast %scan3A_485 : i32 to index
        %swap3A_566 = arith.constant 64 : index
        %swap3A_567 = tpu.vector_load %arg11[%swap3A_565, %swap3A_566] {strides = array<i32>} : memref<80x160xf32, #tpu.memory_space<vmem>>, vector<1x16xf32>,
        %swap3A_568 = vector.shape_cast %swap3A_567 : vector<1x16xf32> to vector<16xf32>
        %swap3A_569 = vector.shape_cast %max3A_564 : vector<16xf32> to vector<1x16xf32>
        tpu.vector_store %arg11[%swap3A_565, %swap3A_566], %swap3A_569 {strides = array<i32>} : memref<80x160xf32, #tpu.memory_space<vmem>>, vector<1x16xf32>,
        %get3A_570 = arith.index_cast %scan3A_485 : i32 to index
        %get3A_571 = arith.constant 80 : index
        %get3A_572 = tpu.vector_load %arg11[%get3A_570, %get3A_571] {strides = array<i32>} : memref<80x160xf32, #tpu.memory_space<vmem>>, vector<1x16xf32>,
        %get3A_573 = vector.shape_cast %get3A_572 : vector<1x16xf32> to vector<16xf32>
        %get3A_574 = arith.index_cast %scan3A_485 : i32 to index
        %get3A_575 = arith.constant 80 : index
        %get3A_576 = tpu.vector_load %arg12[%get3A_574, %get3A_575] {strides = array<i32>} : memref<80x160xf32, #tpu.memory_space<vmem>>, vector<1x16xf32>,
        %get3A_577 = vector.shape_cast %get3A_576 : vector<1x16xf32> to vector<16xf32>
        %add3A_578 = arith.addf %get3A_573, %get3A_577 : vector<16xf32>
        %max3A_579 = arith.constant 0.000000e+00 : f32
        %max3A_580 = vector.broadcast %max3A_579 : f32 to vector<16xf32>
        %max3A_581 = arith.maximumf %add3A_578, %max3A_580 : vector<16xf32>
        %swap3A_582 = arith.index_cast %scan3A_485 : i32 to index
        %swap3A_583 = arith.constant 80 : index
        %swap3A_584 = tpu.vector_load %arg11[%swap3A_582, %swap3A_583] {strides = array<i32>} : memref<80x160xf32, #tpu.memory_space<vmem>>, vector<1x16xf32>,
        %swap3A_585 = vector.shape_cast %swap3A_584 : vector<1x16xf32> to vector<16xf32>
        %swap3A_586 = vector.shape_cast %max3A_581 : vector<16xf32> to vector<1x16xf32>
        tpu.vector_store %arg11[%swap3A_582, %swap3A_583], %swap3A_586 {strides = array<i32>} : memref<80x160xf32, #tpu.memory_space<vmem>>, vector<1x16xf32>,
        %get3A_587 = arith.index_cast %scan3A_485 : i32 to index
        %get3A_588 = arith.constant 96 : index
        %get3A_589 = tpu.vector_load %arg11[%get3A_587, %get3A_588] {strides = array<i32>} : memref<80x160xf32, #tpu.memory_space<vmem>>, vector<1x16xf32>,
        %get3A_590 = vector.shape_cast %get3A_589 : vector<1x16xf32> to vector<16xf32>
        %get3A_591 = arith.index_cast %scan3A_485 : i32 to index
        %get3A_592 = arith.constant 96 : index
        %get3A_593 = tpu.vector_load %arg12[%get3A_591, %get3A_592] {strides = array<i32>} : memref<80x160xf32, #tpu.memory_space<vmem>>, vector<1x16xf32>,
        %get3A_594 = vector.shape_cast %get3A_593 : vector<1x16xf32> to vector<16xf32>
        %add3A_595 = arith.addf %get3A_590, %get3A_594 : vector<16xf32>
        %max3A_596 = arith.constant 0.000000e+00 : f32
        %max3A_597 = vector.broadcast %max3A_596 : f32 to vector<16xf32>
        %max3A_598 = arith.maximumf %add3A_595, %max3A_597 : vector<16xf32>
        %swap3A_599 = arith.index_cast %scan3A_485 : i32 to index
        %swap3A_600 = arith.constant 96 : index
        %swap3A_601 = tpu.vector_load %arg11[%swap3A_599, %swap3A_600] {strides = array<i32>} : memref<80x160xf32, #tpu.memory_space<vmem>>, vector<1x16xf32>,
        %swap3A_602 = vector.shape_cast %swap3A_601 : vector<1x16xf32> to vector<16xf32>
        %swap3A_603 = vector.shape_cast %max3A_598 : vector<16xf32> to vector<1x16xf32>
        tpu.vector_store %arg11[%swap3A_599, %swap3A_600], %swap3A_603 {strides = array<i32>} : memref<80x160xf32, #tpu.memory_space<vmem>>, vector<1x16xf32>,
        %get3A_604 = arith.index_cast %scan3A_485 : i32 to index
        %get3A_605 = arith.constant 112 : index
        %get3A_606 = tpu.vector_load %arg11[%get3A_604, %get3A_605] {strides = array<i32>} : memref<80x160xf32, #tpu.memory_space<vmem>>, vector<1x16xf32>,
        %get3A_607 = vector.shape_cast %get3A_606 : vector<1x16xf32> to vector<16xf32>
        %get3A_608 = arith.index_cast %scan3A_485 : i32 to index
        %get3A_609 = arith.constant 112 : index
        %get3A_610 = tpu.vector_load %arg12[%get3A_608, %get3A_609] {strides = array<i32>} : memref<80x160xf32, #tpu.memory_space<vmem>>, vector<1x16xf32>,
        %get3A_611 = vector.shape_cast %get3A_610 : vector<1x16xf32> to vector<16xf32>
        %add3A_612 = arith.addf %get3A_607, %get3A_611 : vector<16xf32>
        %max3A_613 = arith.constant 0.000000e+00 : f32
        %max3A_614 = vector.broadcast %max3A_613 : f32 to vector<16xf32>
        %max3A_615 = arith.maximumf %add3A_612, %max3A_614 : vector<16xf32>
        %swap3A_616 = arith.index_cast %scan3A_485 : i32 to index
        %swap3A_617 = arith.constant 112 : index
        %swap3A_618 = tpu.vector_load %arg11[%swap3A_616, %swap3A_617] {strides = array<i32>} : memref<80x160xf32, #tpu.memory_space<vmem>>, vector<1x16xf32>,
        %swap3A_619 = vector.shape_cast %swap3A_618 : vector<1x16xf32> to vector<16xf32>
        %swap3A_620 = vector.shape_cast %max3A_615 : vector<16xf32> to vector<1x16xf32>
        tpu.vector_store %arg11[%swap3A_616, %swap3A_617], %swap3A_620 {strides = array<i32>} : memref<80x160xf32, #tpu.memory_space<vmem>>, vector<1x16xf32>,
        %get3A_621 = arith.index_cast %scan3A_485 : i32 to index
        %get3A_622 = arith.constant 128 : index
        %get3A_623 = tpu.vector_load %arg11[%get3A_621, %get3A_622] {strides = array<i32>} : memref<80x160xf32, #tpu.memory_space<vmem>>, vector<1x16xf32>,
        %get3A_624 = vector.shape_cast %get3A_623 : vector<1x16xf32> to vector<16xf32>
        %get3A_625 = arith.index_cast %scan3A_485 : i32 to index
        %get3A_626 = arith.constant 128 : index
        %get3A_627 = tpu.vector_load %arg12[%get3A_625, %get3A_626] {strides = array<i32>} : memref<80x160xf32, #tpu.memory_space<vmem>>, vector<1x16xf32>,
        %get3A_628 = vector.shape_cast %get3A_627 : vector<1x16xf32> to vector<16xf32>
        %add3A_629 = arith.addf %get3A_624, %get3A_628 : vector<16xf32>
        %max3A_630 = arith.constant 0.000000e+00 : f32
        %max3A_631 = vector.broadcast %max3A_630 : f32 to vector<16xf32>
        %max3A_632 = arith.maximumf %add3A_629, %max3A_631 : vector<16xf32>
        %swap3A_633 = arith.index_cast %scan3A_485 : i32 to index
        %swap3A_634 = arith.constant 128 : index
        %swap3A_635 = tpu.vector_load %arg11[%swap3A_633, %swap3A_634] {strides = array<i32>} : memref<80x160xf32, #tpu.memory_space<vmem>>, vector<1x16xf32>,
        %swap3A_636 = vector.shape_cast %swap3A_635 : vector<1x16xf32> to vector<16xf32>
        %swap3A_637 = vector.shape_cast %max3A_632 : vector<16xf32> to vector<1x16xf32>
        tpu.vector_store %arg11[%swap3A_633, %swap3A_634], %swap3A_637 {strides = array<i32>} : memref<80x160xf32, #tpu.memory_space<vmem>>, vector<1x16xf32>,
        %get3A_638 = arith.index_cast %scan3A_485 : i32 to index
        %get3A_639 = arith.constant 144 : index
        %get3A_640 = tpu.vector_load %arg11[%get3A_638, %get3A_639] {strides = array<i32>} : memref<80x160xf32, #tpu.memory_space<vmem>>, vector<1x16xf32>,
        %get3A_641 = vector.shape_cast %get3A_640 : vector<1x16xf32> to vector<16xf32>
        %get3A_642 = arith.index_cast %scan3A_485 : i32 to index
        %get3A_643 = arith.constant 144 : index
        %get3A_644 = tpu.vector_load %arg12[%get3A_642, %get3A_643] {strides = array<i32>} : memref<80x160xf32, #tpu.memory_space<vmem>>, vector<1x16xf32>,
        %get3A_645 = vector.shape_cast %get3A_644 : vector<1x16xf32> to vector<16xf32>
        %add3A_646 = arith.addf %get3A_641, %get3A_645 : vector<16xf32>
        %max3A_647 = arith.constant 0.000000e+00 : f32
        %max3A_648 = vector.broadcast %max3A_647 : f32 to vector<16xf32>
        %max3A_649 = arith.maximumf %add3A_646, %max3A_648 : vector<16xf32>
        %swap3A_650 = arith.index_cast %scan3A_485 : i32 to index
        %swap3A_651 = arith.constant 144 : index
        %swap3A_652 = tpu.vector_load %arg11[%swap3A_650, %swap3A_651] {strides = array<i32>} : memref<80x160xf32, #tpu.memory_space<vmem>>, vector<1x16xf32>,
        %swap3A_653 = vector.shape_cast %swap3A_652 : vector<1x16xf32> to vector<16xf32>
        %swap3A_654 = vector.shape_cast %max3A_649 : vector<16xf32> to vector<1x16xf32>
        tpu.vector_store %arg11[%swap3A_650, %swap3A_651], %swap3A_654 {strides = array<i32>} : memref<80x160xf32, #tpu.memory_space<vmem>>, vector<1x16xf32>,
      }
      %scan3A_466 = arith.constant 80 : i32
      %dma_start3A_467 = arith.constant 0 : i32
      %dma_start3A_468 = arith.constant 0 : i32
      %dma_start3A_469 = tpu.memref_slice %arg18[%dma_start3A_467, %dma_start3A_468] : memref<5120x160xf32, #tpu.memory_space<vmem_shared>> -> memref<5120x160xf32, #tpu.memory_space<vmem_shared>>
      tpu.enqueue_indirect_dma source(%arg11 : memref<80x160xf32, #tpu.memory_space<vmem>>) target(%dma_start3A_469 : memref<5120x160xf32, #tpu.memory_space<vmem_shared>>) offsets(%arg9 : memref<80xi32, #tpu.memory_space<vmem>>) semaphore(%arg23 : memref<!tpu.dma_semaphore, #tpu.memory_space<semaphore_mem>>) {add = true}
      %dma_wait3A_470 = arith.constant 0 : i32
      %dma_wait3A_471 = arith.constant 0 : i32
      %dma_wait3A_472 = tpu.memref_slice %arg2[%dma_wait3A_470, %dma_wait3A_471] : memref<20000x160xf32, #tpu.memory_space<hbm>> -> memref<20000x160xf32, #tpu.memory_space<hbm>>
      tpu.wait_indirect_dma semaphore(%arg21 : memref<!tpu.dma_semaphore, #tpu.memory_space<semaphore_mem>>) src(%dma_wait3A_472 : memref<20000x160xf32, #tpu.memory_space<hbm>>) dst(%arg15 : memref<80x160xf32, #tpu.memory_space<vmem>>)
      %dma_wait3A_473 = arith.constant 0 : i32
      %dma_wait3A_474 = arith.constant 0 : i32
      %dma_wait3A_475 = tpu.memref_slice %arg3[%dma_wait3A_473, %dma_wait3A_474] : memref<2000x160xf32, #tpu.memory_space<hbm>> -> memref<2000x160xf32, #tpu.memory_space<hbm>>
      tpu.wait_indirect_dma semaphore(%arg22 : memref<!tpu.dma_semaphore, #tpu.memory_space<semaphore_mem>>) src(%dma_wait3A_475 : memref<2000x160xf32, #tpu.memory_space<hbm>>) dst(%arg16 : memref<80x160xf32, #tpu.memory_space<vmem>>)
      %scan3A_476 = arith.constant 0 : i32
      %scan3A_477 = arith.constant 0 : i32
      %scan3A_478 = arith.constant 80 : i32
      %scan3A_479 = arith.addi %scan3A_477, %scan3A_478 : i32
      %scan3A_480 = arith.constant 1 : i32
      scf.for %scan3A_485 = %scan3A_477 to %scan3A_479 step %scan3A_480  : i32 {
        %get3A_486 = arith.index_cast %scan3A_485 : i32 to index
        %get3A_487 = arith.constant 0 : index
        %get3A_488 = tpu.vector_load %arg15[%get3A_486, %get3A_487] {strides = array<i32>} : memref<80x160xf32, #tpu.memory_space<vmem>>, vector<1x16xf32>,
        %get3A_489 = vector.shape_cast %get3A_488 : vector<1x16xf32> to vector<16xf32>
        %get3A_490 = arith.index_cast %scan3A_485 : i32 to index
        %get3A_491 = arith.constant 0 : index
        %get3A_492 = tpu.vector_load %arg16[%get3A_490, %get3A_491] {strides = array<i32>} : memref<80x160xf32, #tpu.memory_space<vmem>>, vector<1x16xf32>,
        %get3A_493 = vector.shape_cast %get3A_492 : vector<1x16xf32> to vector<16xf32>
        %add3A_494 = arith.addf %get3A_489, %get3A_493 : vector<16xf32>
        %max3A = arith.constant 0.000000e+00 : f32
        %max3A_495 = vector.broadcast %max3A : f32 to vector<16xf32>
        %max3A_496 = arith.maximumf %add3A_494, %max3A_495 : vector<16xf32>
        %swap3A_497 = arith.index_cast %scan3A_485 : i32 to index
        %swap3A_498 = arith.constant 0 : index
        %swap3A_499 = tpu.vector_load %arg15[%swap3A_497, %swap3A_498] {strides = array<i32>} : memref<80x160xf32, #tpu.memory_space<vmem>>, vector<1x16xf32>,
        %swap3A_500 = vector.shape_cast %swap3A_499 : vector<1x16xf32> to vector<16xf32>
        %swap3A_501 = vector.shape_cast %max3A_496 : vector<16xf32> to vector<1x16xf32>
        tpu.vector_store %arg15[%swap3A_497, %swap3A_498], %swap3A_501 {strides = array<i32>} : memref<80x160xf32, #tpu.memory_space<vmem>>, vector<1x16xf32>,
        %get3A_502 = arith.index_cast %scan3A_485 : i32 to index
        %get3A_503 = arith.constant 16 : index
        %get3A_504 = tpu.vector_load %arg15[%get3A_502, %get3A_503] {strides = array<i32>} : memref<80x160xf32, #tpu.memory_space<vmem>>, vector<1x16xf32>,
        %get3A_505 = vector.shape_cast %get3A_504 : vector<1x16xf32> to vector<16xf32>
        %get3A_506 = arith.index_cast %scan3A_485 : i32 to index
        %get3A_507 = arith.constant 16 : index
        %get3A_508 = tpu.vector_load %arg16[%get3A_506, %get3A_507] {strides = array<i32>} : memref<80x160xf32, #tpu.memory_space<vmem>>, vector<1x16xf32>,
        %get3A_509 = vector.shape_cast %get3A_508 : vector<1x16xf32> to vector<16xf32>
        %add3A_510 = arith.addf %get3A_505, %get3A_509 : vector<16xf32>
        %max3A_511 = arith.constant 0.000000e+00 : f32
        %max3A_512 = vector.broadcast %max3A_511 : f32 to vector<16xf32>
        %max3A_513 = arith.maximumf %add3A_510, %max3A_512 : vector<16xf32>
        %swap3A_514 = arith.index_cast %scan3A_485 : i32 to index
        %swap3A_515 = arith.constant 16 : index
        %swap3A_516 = tpu.vector_load %arg15[%swap3A_514, %swap3A_515] {strides = array<i32>} : memref<80x160xf32, #tpu.memory_space<vmem>>, vector<1x16xf32>,
        %swap3A_517 = vector.shape_cast %swap3A_516 : vector<1x16xf32> to vector<16xf32>
        %swap3A_518 = vector.shape_cast %max3A_513 : vector<16xf32> to vector<1x16xf32>
        tpu.vector_store %arg15[%swap3A_514, %swap3A_515], %swap3A_518 {strides = array<i32>} : memref<80x160xf32, #tpu.memory_space<vmem>>, vector<1x16xf32>,
        %get3A_519 = arith.index_cast %scan3A_485 : i32 to index
        %get3A_520 = arith.constant 32 : index
        %get3A_521 = tpu.vector_load %arg15[%get3A_519, %get3A_520] {strides = array<i32>} : memref<80x160xf32, #tpu.memory_space<vmem>>, vector<1x16xf32>,
        %get3A_522 = vector.shape_cast %get3A_521 : vector<1x16xf32> to vector<16xf32>
        %get3A_523 = arith.index_cast %scan3A_485 : i32 to index
        %get3A_524 = arith.constant 32 : index
        %get3A_525 = tpu.vector_load %arg16[%get3A_523, %get3A_524] {strides = array<i32>} : memref<80x160xf32, #tpu.memory_space<vmem>>, vector<1x16xf32>,
        %get3A_526 = vector.shape_cast %get3A_525 : vector<1x16xf32> to vector<16xf32>
        %add3A_527 = arith.addf %get3A_522, %get3A_526 : vector<16xf32>
        %max3A_528 = arith.constant 0.000000e+00 : f32
        %max3A_529 = vector.broadcast %max3A_528 : f32 to vector<16xf32>
        %max3A_530 = arith.maximumf %add3A_527, %max3A_529 : vector<16xf32>
        %swap3A_531 = arith.index_cast %scan3A_485 : i32 to index
        %swap3A_532 = arith.constant 32 : index
        %swap3A_533 = tpu.vector_load %arg15[%swap3A_531, %swap3A_532] {strides = array<i32>} : memref<80x160xf32, #tpu.memory_space<vmem>>, vector<1x16xf32>,
        %swap3A_534 = vector.shape_cast %swap3A_533 : vector<1x16xf32> to vector<16xf32>
        %swap3A_535 = vector.shape_cast %max3A_530 : vector<16xf32> to vector<1x16xf32>
        tpu.vector_store %arg15[%swap3A_531, %swap3A_532], %swap3A_535 {strides = array<i32>} : memref<80x160xf32, #tpu.memory_space<vmem>>, vector<1x16xf32>,
        %get3A_536 = arith.index_cast %scan3A_485 : i32 to index
        %get3A_537 = arith.constant 48 : index
        %get3A_538 = tpu.vector_load %arg15[%get3A_536, %get3A_537] {strides = array<i32>} : memref<80x160xf32, #tpu.memory_space<vmem>>, vector<1x16xf32>,
        %get3A_539 = vector.shape_cast %get3A_538 : vector<1x16xf32> to vector<16xf32>
        %get3A_540 = arith.index_cast %scan3A_485 : i32 to index
        %get3A_541 = arith.constant 48 : index
        %get3A_542 = tpu.vector_load %arg16[%get3A_540, %get3A_541] {strides = array<i32>} : memref<80x160xf32, #tpu.memory_space<vmem>>, vector<1x16xf32>,
        %get3A_543 = vector.shape_cast %get3A_542 : vector<1x16xf32> to vector<16xf32>
        %add3A_544 = arith.addf %get3A_539, %get3A_543 : vector<16xf32>
        %max3A_545 = arith.constant 0.000000e+00 : f32
        %max3A_546 = vector.broadcast %max3A_545 : f32 to vector<16xf32>
        %max3A_547 = arith.maximumf %add3A_544, %max3A_546 : vector<16xf32>
        %swap3A_548 = arith.index_cast %scan3A_485 : i32 to index
        %swap3A_549 = arith.constant 48 : index
        %swap3A_550 = tpu.vector_load %arg15[%swap3A_548, %swap3A_549] {strides = array<i32>} : memref<80x160xf32, #tpu.memory_space<vmem>>, vector<1x16xf32>,
        %swap3A_551 = vector.shape_cast %swap3A_550 : vector<1x16xf32> to vector<16xf32>
        %swap3A_552 = vector.shape_cast %max3A_547 : vector<16xf32> to vector<1x16xf32>
        tpu.vector_store %arg15[%swap3A_548, %swap3A_549], %swap3A_552 {strides = array<i32>} : memref<80x160xf32, #tpu.memory_space<vmem>>, vector<1x16xf32>,
        %get3A_553 = arith.index_cast %scan3A_485 : i32 to index
        %get3A_554 = arith.constant 64 : index
        %get3A_555 = tpu.vector_load %arg15[%get3A_553, %get3A_554] {strides = array<i32>} : memref<80x160xf32, #tpu.memory_space<vmem>>, vector<1x16xf32>,
        %get3A_556 = vector.shape_cast %get3A_555 : vector<1x16xf32> to vector<16xf32>
        %get3A_557 = arith.index_cast %scan3A_485 : i32 to index
        %get3A_558 = arith.constant 64 : index
        %get3A_559 = tpu.vector_load %arg16[%get3A_557, %get3A_558] {strides = array<i32>} : memref<80x160xf32, #tpu.memory_space<vmem>>, vector<1x16xf32>,
        %get3A_560 = vector.shape_cast %get3A_559 : vector<1x16xf32> to vector<16xf32>
        %add3A_561 = arith.addf %get3A_556, %get3A_560 : vector<16xf32>
        %max3A_562 = arith.constant 0.000000e+00 : f32
        %max3A_563 = vector.broadcast %max3A_562 : f32 to vector<16xf32>
        %max3A_564 = arith.maximumf %add3A_561, %max3A_563 : vector<16xf32>
        %swap3A_565 = arith.index_cast %scan3A_485 : i32 to index
        %swap3A_566 = arith.constant 64 : index
        %swap3A_567 = tpu.vector_load %arg15[%swap3A_565, %swap3A_566] {strides = array<i32>} : memref<80x160xf32, #tpu.memory_space<vmem>>, vector<1x16xf32>,
        %swap3A_568 = vector.shape_cast %swap3A_567 : vector<1x16xf32> to vector<16xf32>
        %swap3A_569 = vector.shape_cast %max3A_564 : vector<16xf32> to vector<1x16xf32>
        tpu.vector_store %arg15[%swap3A_565, %swap3A_566], %swap3A_569 {strides = array<i32>} : memref<80x160xf32, #tpu.memory_space<vmem>>, vector<1x16xf32>,
        %get3A_570 = arith.index_cast %scan3A_485 : i32 to index
        %get3A_571 = arith.constant 80 : index
        %get3A_572 = tpu.vector_load %arg15[%get3A_570, %get3A_571] {strides = array<i32>} : memref<80x160xf32, #tpu.memory_space<vmem>>, vector<1x16xf32>,
        %get3A_573 = vector.shape_cast %get3A_572 : vector<1x16xf32> to vector<16xf32>
        %get3A_574 = arith.index_cast %scan3A_485 : i32 to index
        %get3A_575 = arith.constant 80 : index
        %get3A_576 = tpu.vector_load %arg16[%get3A_574, %get3A_575] {strides = array<i32>} : memref<80x160xf32, #tpu.memory_space<vmem>>, vector<1x16xf32>,
        %get3A_577 = vector.shape_cast %get3A_576 : vector<1x16xf32> to vector<16xf32>
        %add3A_578 = arith.addf %get3A_573, %get3A_577 : vector<16xf32>
        %max3A_579 = arith.constant 0.000000e+00 : f32
        %max3A_580 = vector.broadcast %max3A_579 : f32 to vector<16xf32>
        %max3A_581 = arith.maximumf %add3A_578, %max3A_580 : vector<16xf32>
        %swap3A_582 = arith.index_cast %scan3A_485 : i32 to index
        %swap3A_583 = arith.constant 80 : index
        %swap3A_584 = tpu.vector_load %arg15[%swap3A_582, %swap3A_583] {strides = array<i32>} : memref<80x160xf32, #tpu.memory_space<vmem>>, vector<1x16xf32>,
        %swap3A_585 = vector.shape_cast %swap3A_584 : vector<1x16xf32> to vector<16xf32>
        %swap3A_586 = vector.shape_cast %max3A_581 : vector<16xf32> to vector<1x16xf32>
        tpu.vector_store %arg15[%swap3A_582, %swap3A_583], %swap3A_586 {strides = array<i32>} : memref<80x160xf32, #tpu.memory_space<vmem>>, vector<1x16xf32>,
        %get3A_587 = arith.index_cast %scan3A_485 : i32 to index
        %get3A_588 = arith.constant 96 : index
        %get3A_589 = tpu.vector_load %arg15[%get3A_587, %get3A_588] {strides = array<i32>} : memref<80x160xf32, #tpu.memory_space<vmem>>, vector<1x16xf32>,
        %get3A_590 = vector.shape_cast %get3A_589 : vector<1x16xf32> to vector<16xf32>
        %get3A_591 = arith.index_cast %scan3A_485 : i32 to index
        %get3A_592 = arith.constant 96 : index
        %get3A_593 = tpu.vector_load %arg16[%get3A_591, %get3A_592] {strides = array<i32>} : memref<80x160xf32, #tpu.memory_space<vmem>>, vector<1x16xf32>,
        %get3A_594 = vector.shape_cast %get3A_593 : vector<1x16xf32> to vector<16xf32>
        %add3A_595 = arith.addf %get3A_590, %get3A_594 : vector<16xf32>
        %max3A_596 = arith.constant 0.000000e+00 : f32
        %max3A_597 = vector.broadcast %max3A_596 : f32 to vector<16xf32>
        %max3A_598 = arith.maximumf %add3A_595, %max3A_597 : vector<16xf32>
        %swap3A_599 = arith.index_cast %scan3A_485 : i32 to index
        %swap3A_600 = arith.constant 96 : index
        %swap3A_601 = tpu.vector_load %arg15[%swap3A_599, %swap3A_600] {strides = array<i32>} : memref<80x160xf32, #tpu.memory_space<vmem>>, vector<1x16xf32>,
        %swap3A_602 = vector.shape_cast %swap3A_601 : vector<1x16xf32> to vector<16xf32>
        %swap3A_603 = vector.shape_cast %max3A_598 : vector<16xf32> to vector<1x16xf32>
        tpu.vector_store %arg15[%swap3A_599, %swap3A_600], %swap3A_603 {strides = array<i32>} : memref<80x160xf32, #tpu.memory_space<vmem>>, vector<1x16xf32>,
        %get3A_604 = arith.index_cast %scan3A_485 : i32 to index
        %get3A_605 = arith.constant 112 : index
        %get3A_606 = tpu.vector_load %arg15[%get3A_604, %get3A_605] {strides = array<i32>} : memref<80x160xf32, #tpu.memory_space<vmem>>, vector<1x16xf32>,
        %get3A_607 = vector.shape_cast %get3A_606 : vector<1x16xf32> to vector<16xf32>
        %get3A_608 = arith.index_cast %scan3A_485 : i32 to index
        %get3A_609 = arith.constant 112 : index
        %get3A_610 = tpu.vector_load %arg16[%get3A_608, %get3A_609] {strides = array<i32>} : memref<80x160xf32, #tpu.memory_space<vmem>>, vector<1x16xf32>,
        %get3A_611 = vector.shape_cast %get3A_610 : vector<1x16xf32> to vector<16xf32>
        %add3A_612 = arith.addf %get3A_607, %get3A_611 : vector<16xf32>
        %max3A_613 = arith.constant 0.000000e+00 : f32
        %max3A_614 = vector.broadcast %max3A_613 : f32 to vector<16xf32>
        %max3A_615 = arith.maximumf %add3A_612, %max3A_614 : vector<16xf32>
        %swap3A_616 = arith.index_cast %scan3A_485 : i32 to index
        %swap3A_617 = arith.constant 112 : index
        %swap3A_618 = tpu.vector_load %arg15[%swap3A_616, %swap3A_617] {strides = array<i32>} : memref<80x160xf32, #tpu.memory_space<vmem>>, vector<1x16xf32>,
        %swap3A_619 = vector.shape_cast %swap3A_618 : vector<1x16xf32> to vector<16xf32>
        %swap3A_620 = vector.shape_cast %max3A_615 : vector<16xf32> to vector<1x16xf32>
        tpu.vector_store %arg15[%swap3A_616, %swap3A_617], %swap3A_620 {strides = array<i32>} : memref<80x160xf32, #tpu.memory_space<vmem>>, vector<1x16xf32>,
        %get3A_621 = arith.index_cast %scan3A_485 : i32 to index
        %get3A_622 = arith.constant 128 : index
        %get3A_623 = tpu.vector_load %arg15[%get3A_621, %get3A_622] {strides = array<i32>} : memref<80x160xf32, #tpu.memory_space<vmem>>, vector<1x16xf32>,
        %get3A_624 = vector.shape_cast %get3A_623 : vector<1x16xf32> to vector<16xf32>
        %get3A_625 = arith.index_cast %scan3A_485 : i32 to index
        %get3A_626 = arith.constant 128 : index
        %get3A_627 = tpu.vector_load %arg16[%get3A_625, %get3A_626] {strides = array<i32>} : memref<80x160xf32, #tpu.memory_space<vmem>>, vector<1x16xf32>,
        %get3A_628 = vector.shape_cast %get3A_627 : vector<1x16xf32> to vector<16xf32>
        %add3A_629 = arith.addf %get3A_624, %get3A_628 : vector<16xf32>
        %max3A_630 = arith.constant 0.000000e+00 : f32
        %max3A_631 = vector.broadcast %max3A_630 : f32 to vector<16xf32>
        %max3A_632 = arith.maximumf %add3A_629, %max3A_631 : vector<16xf32>
        %swap3A_633 = arith.index_cast %scan3A_485 : i32 to index
        %swap3A_634 = arith.constant 128 : index
        %swap3A_635 = tpu.vector_load %arg15[%swap3A_633, %swap3A_634] {strides = array<i32>} : memref<80x160xf32, #tpu.memory_space<vmem>>, vector<1x16xf32>,
        %swap3A_636 = vector.shape_cast %swap3A_635 : vector<1x16xf32> to vector<16xf32>
        %swap3A_637 = vector.shape_cast %max3A_632 : vector<16xf32> to vector<1x16xf32>
        tpu.vector_store %arg15[%swap3A_633, %swap3A_634], %swap3A_637 {strides = array<i32>} : memref<80x160xf32, #tpu.memory_space<vmem>>, vector<1x16xf32>,
        %get3A_638 = arith.index_cast %scan3A_485 : i32 to index
        %get3A_639 = arith.constant 144 : index
        %get3A_640 = tpu.vector_load %arg15[%get3A_638, %get3A_639] {strides = array<i32>} : memref<80x160xf32, #tpu.memory_space<vmem>>, vector<1x16xf32>,
        %get3A_641 = vector.shape_cast %get3A_640 : vector<1x16xf32> to vector<16xf32>
        %get3A_642 = arith.index_cast %scan3A_485 : i32 to index
        %get3A_643 = arith.constant 144 : index
        %get3A_644 = tpu.vector_load %arg16[%get3A_642, %get3A_643] {strides = array<i32>} : memref<80x160xf32, #tpu.memory_space<vmem>>, vector<1x16xf32>,
        %get3A_645 = vector.shape_cast %get3A_644 : vector<1x16xf32> to vector<16xf32>
        %add3A_646 = arith.addf %get3A_641, %get3A_645 : vector<16xf32>
        %max3A_647 = arith.constant 0.000000e+00 : f32
        %max3A_648 = vector.broadcast %max3A_647 : f32 to vector<16xf32>
        %max3A_649 = arith.maximumf %add3A_646, %max3A_648 : vector<16xf32>
        %swap3A_650 = arith.index_cast %scan3A_485 : i32 to index
        %swap3A_651 = arith.constant 144 : index
        %swap3A_652 = tpu.vector_load %arg15[%swap3A_650, %swap3A_651] {strides = array<i32>} : memref<80x160xf32, #tpu.memory_space<vmem>>, vector<1x16xf32>,
        %swap3A_653 = vector.shape_cast %swap3A_652 : vector<1x16xf32> to vector<16xf32>
        %swap3A_654 = vector.shape_cast %max3A_649 : vector<16xf32> to vector<1x16xf32>
        tpu.vector_store %arg15[%swap3A_650, %swap3A_651], %swap3A_654 {strides = array<i32>} : memref<80x160xf32, #tpu.memory_space<vmem>>, vector<1x16xf32>,
      }
      %scan3A_481 = arith.constant 80 : i32
      %dma_wait3A_482 = arith.constant 0 : i32
      %dma_wait3A_483 = arith.constant 0 : i32
      %dma_wait3A_484 = tpu.memref_slice %arg18[%dma_wait3A_482, %dma_wait3A_483] : memref<5120x160xf32, #tpu.memory_space<vmem_shared>> -> memref<5120x160xf32, #tpu.memory_space<vmem_shared>>
      tpu.wait_indirect_dma semaphore(%arg23 : memref<!tpu.dma_semaphore, #tpu.memory_space<semaphore_mem>>) src(%arg11 : memref<80x160xf32, #tpu.memory_space<vmem>>) dst(%dma_wait3A_484 : memref<5120x160xf32, #tpu.memory_space<vmem_shared>>)
      "tpu.region"() ({
        %run_scoped3A = tpu.sem_alloc : memref<!tpu.dma_semaphore, #tpu.memory_space<semaphore_mem>>
        %dma_start3A_485 = arith.constant 0 : i32
        %dma_start3A_486 = arith.constant 0 : i32
        %dma_start3A_487 = tpu.memref_slice %arg18[%dma_start3A_485, %dma_start3A_486] : memref<5120x160xf32, #tpu.memory_space<vmem_shared>> -> memref<5120x160xf32, #tpu.memory_space<vmem_shared>>
        tpu.enqueue_indirect_dma source(%arg15 : memref<80x160xf32, #tpu.memory_space<vmem>>) target(%dma_start3A_487 : memref<5120x160xf32, #tpu.memory_space<vmem_shared>>) offsets(%arg13 : memref<80xi32, #tpu.memory_space<vmem>>) semaphore(%run_scoped3A : memref<!tpu.dma_semaphore, #tpu.memory_space<semaphore_mem>>) {add = true}
        %dma_wait3A_488 = arith.constant 0 : i32
        %dma_wait3A_489 = arith.constant 0 : i32
        %dma_wait3A_490 = tpu.memref_slice %arg18[%dma_wait3A_488, %dma_wait3A_489] : memref<5120x160xf32, #tpu.memory_space<vmem_shared>> -> memref<5120x160xf32, #tpu.memory_space<vmem_shared>>
        tpu.wait_indirect_dma semaphore(%run_scoped3A : memref<!tpu.dma_semaphore, #tpu.memory_space<semaphore_mem>>) src(%arg15 : memref<80x160xf32, #tpu.memory_space<vmem>>) dst(%dma_wait3A_490 : memref<5120x160xf32, #tpu.memory_space<vmem_shared>>)
        tpu.yield
      }) : () -> ()
    }
    %scan3A_39 = arith.constant 34 : i32
    %barrier3A_40 = arith.constant 0 : index
    tpu.barrier barrier_id(%barrier3A_40)
    %lt3A_41 = arith.constant 15 : i32
    %lt3A_42 = arith.cmpi slt, %arg1, %lt3A_41 : i32
    %convert_element_type3A_43 = arith.extui %lt3A_42 : i1 to i32
    %cond3A_44 = arith.constant 0 : i32
    %cond3A_45 = arith.cmpi ne, %convert_element_type3A_43, %cond3A_44 : i32
    scf.if %cond3A_45 {
      %mul3A_52 = arith.constant 320 : i32
      %mul3A_53 = arith.muli %arg1, %mul3A_52 : i32
      %mul3A_54 = arith.constant 10000 : i32
      %mul3A_55 = arith.muli %arg0, %mul3A_54 : i32
      %add3A_56 = arith.constant 5000 : i32
      %add3A_57 = arith.addi %mul3A_55, %add3A_56 : i32
      %mul3A_58 = arith.constant 320 : i32
      %mul3A_59 = arith.muli %arg1, %mul3A_58 : i32
      %add3A_60 = arith.addi %add3A_57, %mul3A_59 : i32
      "tpu.region"() ({
        %run_scoped3A = tpu.sem_alloc : memref<!tpu.dma_semaphore, #tpu.memory_space<semaphore_mem>>
        %dma_start3A = arith.constant 0 : i32
        %dma_start3A_61 = tpu.memref_slice %arg7[%add3A_60, %dma_start3A] : memref<20000x160xf32, #tpu.memory_space<hbm>> -> memref<320x160xf32, #tpu.memory_space<hbm>>
        %dma_start3A_62 = arith.constant 0 : i32
        %dma_start3A_63 = tpu.memref_slice %arg18[%mul3A_53, %dma_start3A_62] : memref<5120x160xf32, #tpu.memory_space<vmem_shared>> -> memref<320x160xf32, #tpu.memory_space<vmem_shared>>
        tpu.enqueue_dma source(%dma_start3A_63 : memref<320x160xf32, #tpu.memory_space<vmem_shared>>) target(%dma_start3A_61 : memref<320x160xf32, #tpu.memory_space<hbm>>) target_semaphore(%run_scoped3A : memref<!tpu.dma_semaphore, #tpu.memory_space<semaphore_mem>>)
        %dma_wait3A = arith.constant 0 : i32
        %dma_wait3A_64 = tpu.memref_slice %arg7[%add3A_60, %dma_wait3A] : memref<20000x160xf32, #tpu.memory_space<hbm>> -> memref<320x160xf32, #tpu.memory_space<hbm>>
        %dma_wait3A_65 = arith.constant 0 : i32
        %dma_wait3A_66 = tpu.memref_slice %arg18[%mul3A_53, %dma_wait3A_65] : memref<5120x160xf32, #tpu.memory_space<vmem_shared>> -> memref<320x160xf32, #tpu.memory_space<vmem_shared>>
        tpu.wait_dma2 semaphore(%run_scoped3A : memref<!tpu.dma_semaphore, #tpu.memory_space<semaphore_mem>>) src(%dma_wait3A_66 : memref<320x160xf32, #tpu.memory_space<vmem_shared>>) dst(%dma_wait3A_64 : memref<320x160xf32, #tpu.memory_space<hbm>>)
        tpu.yield
      }) : () -> ()
    } else {
    }
    %eq3A_46 = arith.constant 15 : i32
    %eq3A_47 = arith.cmpi eq, %arg1, %eq3A_46 : i32
    %convert_element_type3A_48 = arith.extui %eq3A_47 : i1 to i32
    %cond3A_49 = arith.constant 0 : i32
    %cond3A_50 = arith.cmpi ne, %convert_element_type3A_48, %cond3A_49 : i32
    scf.if %cond3A_50 {
      %mul3A_52 = arith.constant 10000 : i32
      %mul3A_53 = arith.muli %arg0, %mul3A_52 : i32
      %add3A_54 = arith.constant 5000 : i32
      %add3A_55 = arith.addi %mul3A_53, %add3A_54 : i32
      %add3A_56 = arith.constant 4800 : i32
      %add3A_57 = arith.addi %add3A_55, %add3A_56 : i32
      "tpu.region"() ({
        %run_scoped3A = tpu.sem_alloc : memref<!tpu.dma_semaphore, #tpu.memory_space<semaphore_mem>>
        %dma_start3A = arith.constant 0 : i32
        %dma_start3A_58 = tpu.memref_slice %arg7[%add3A_57, %dma_start3A] : memref<20000x160xf32, #tpu.memory_space<hbm>> -> memref<200x160xf32, #tpu.memory_space<hbm>>
        %dma_start3A_59 = arith.constant 4800 : i32
        %dma_start3A_60 = arith.constant 0 : i32
        %dma_start3A_61 = tpu.memref_slice %arg18[%dma_start3A_59, %dma_start3A_60] : memref<5120x160xf32, #tpu.memory_space<vmem_shared>> -> memref<200x160xf32, #tpu.memory_space<vmem_shared>>
        tpu.enqueue_dma source(%dma_start3A_61 : memref<200x160xf32, #tpu.memory_space<vmem_shared>>) target(%dma_start3A_58 : memref<200x160xf32, #tpu.memory_space<hbm>>) target_semaphore(%run_scoped3A : memref<!tpu.dma_semaphore, #tpu.memory_space<semaphore_mem>>)
        %dma_wait3A = arith.constant 0 : i32
        %dma_wait3A_62 = tpu.memref_slice %arg7[%add3A_57, %dma_wait3A] : memref<20000x160xf32, #tpu.memory_space<hbm>> -> memref<200x160xf32, #tpu.memory_space<hbm>>
        %dma_wait3A_63 = arith.constant 4800 : i32
        %dma_wait3A_64 = arith.constant 0 : i32
        %dma_wait3A_65 = tpu.memref_slice %arg18[%dma_wait3A_63, %dma_wait3A_64] : memref<5120x160xf32, #tpu.memory_space<vmem_shared>> -> memref<200x160xf32, #tpu.memory_space<vmem_shared>>
        tpu.wait_dma2 semaphore(%run_scoped3A : memref<!tpu.dma_semaphore, #tpu.memory_space<semaphore_mem>>) src(%dma_wait3A_65 : memref<200x160xf32, #tpu.memory_space<vmem_shared>>) dst(%dma_wait3A_62 : memref<200x160xf32, #tpu.memory_space<hbm>>)
        tpu.yield
      }) : () -> ()
    } else {
    }
    %barrier3A_51 = arith.constant 0 : index
    tpu.barrier barrier_id(%barrier3A_51)
    return
  }
}

</mosaic_0001>

<sc_bundles>
// kernel: _sc_aggregate.3.cloned.1.call-start
scs
__scs_entry_jumppad:
0x0: {  	(pc) =	sbr.rel $0x88, $3  }
0x1: {  	(tag) =	ssettag $0x0;
	lr =	simm.s32 $0x1  }
0x2: {  	[smem:$0x3F9C] =	sst lr;
	_ =	strace $0xD0000000  }
0x3: {  	_ = 	snop  }
0x4: {  	_ = 	snop  }
0x5: {  	_ = 	snop  }
0x6: {  	_ = 	snop  }
0x7: {  	_ = 	snop  }
__scs_overlays_trampoline_lowered:
0x8: {  	[smem:$0x3FAB] =	sst s0  }
0x9: {  	[smem:$0x3FAC] =	sst s1  }
0xa: {  	[smem:$0x3FAD] =	sst s2  }
0xb: {  	[smem:$0x3FAE] =	sst s3  }
0xc: {  	[smem:$0x3FAF] =	sst s4  }
0xd: {  	[smem:$0x3FB0] =	sst s5  }
0xe: {  	[smem:$0x3FB1] =	sst s6  }
0xf: {  	[smem:$0x3FB2] =	sst s7  }
0x10: {  	[smem:$0x3FB3] =	sst s8  }
0x11: {  	[smem:$0x3FB4] =	sst s9;
	s0 =	simm.s32 @!p0 $0x0  }
0x12: {  	s1 =	sld [smem:$0x3F9A];
	s0 =	simm.s32 @p0 $0x1  }
0x13: {  	[smem:$0x3FB5] =	sst s0;
	s0 =	simm.s32 @!p1 $0x0  }
0x14: {  	s2 =	sld [smem:$0x3F99];
	s0 =	simm.s32 @p1 $0x1  }
0x15: {  	[smem:$0x3FB6] =	sst s0;
	s0 =	simm.s32 @!p2 $0x0  }
0x16: {  	s3 =	sld [smem:$0x3FDB];
	s0 =	simm.s32 @p2 $0x1  }
0x17: {  	s4 =	simm.s32 $0x1BF5;
	[smem:$0x3FB8] =	sst s0  }
0x18: {  	s0 =	sld [smem:$0x3F9B];
	_ =	swait.ge [sflag:s4], $0x0  }
0x19: {  	s7 =	sld [smem:$0x3F9C]  }
0x1a: {  	s8 =	sadd.s32 $0xFFFFE003, lr  }
0x1b: {  	s9 =	sadd.s32 $0xFFFFFEF7, lr;
	s5 =	simm.s32 $0xFFFFFFFF;
	p2 =	slt.u32 s8, $0xFFFFF086  }
0x1c: {  	p1 =	slt.u32 s9, $0xF7A;
	s5 =	simm.s32 @!p2 $0x0  }
0x1d: {  	s5 =	simm.s32 @p1 $0x1;
	p0 =	seq.s32 s7, s2  }
0x1e: {  	s7 =	smul.u32 @!p0 $0xF7A, s2;
	p2 =	seq.s32 @!p0 s5, $0x0  }
0x1f: {  	s9 =	smul.u32 $0xF7A, s1;
	s8 =	simm.s32 @!p0 $0x1BF5;
	p2 =	por !p2, p0  }
0x20: {  	[sflag:s8] =	ssyncset.s32 @!p0 $0xFFFFF086;
	s6 =	sadd.s32 @!p0 s3, s7;
	s7 =	simm.s32 @!p0 $0x108  }
0x21: {  	s3 =	sadd.s32 s3, s9;
	s6 =	sadd.s32 @!p0 $0x88, s6;
	s7 =	simm.s32 @p2 $0x1082  }
0x22: {  	[simem:s7], [sflag:s8] =	dma.local @!p0 [hbm:s6], $0xF7A  }
0x23: {  	s9 =	sor.u32 $0xD0000000, s2;
	s6 =	simm.s32 $0x108;
	_ =	swait.ge @!p0 [sflag:s8], $0x0  }
0x24: {  	s3 =	sadd.s32 $0x88, s3;
	s6 =	simm.s32 @!p1 $0x1082;
	[sflag:s4] =	ssyncset.s32 $0xFFFFF086  }
0x25: {  	[simem:s6], [sflag:s4] =	dma.local [hbm:s3], $0xF7A  }
0x26: {  	[smem:$0x3F9C] =	sst s1;
	(tag) =	ssettag s2;
	_ =	strace s9  }
0x27: {  	s1 =	sld [smem:$0x3FAC]  }
0x28: {  	s2 =	sld [smem:$0x3FAD]  }
0x29: {  	s4 =	sld [smem:$0x3FAF]  }
0x2a: {  	p0 =	seq.s32 s5, $0x0;
	s5 =	sld [smem:$0x3FB0]  }
0x2b: {  	s6 =	sld [smem:$0x3FB1]  }
0x2c: {  	s7 =	sld [smem:$0x3FB2]  }
0x2d: {  	s3 =	simm.s32 $0x108;
	s8 =	sld [smem:$0x3FB3]  }
0x2e: {  	s3 =	simm.s32 @!p0 $0x1082;
	s9 =	sld [smem:$0x3FB4]  }
0x2f: {  	lr =	sadd.s32 s0, s3;
	s0 =	sld [smem:$0x3FAB]  }
0x30: {  	s3 =	sld [smem:$0x3FAE]  }
0x31: {  	[smem:$0x3FB7] =	sst s10  }
0x32: {  	s10 =	sld [smem:$0x3FB5];
	_ =	sdelay $0x3  }
0x33: {  	p0 =	seq.s32 s10, $0x1;
	s10 =	sld [smem:$0x3FB7];
	_ =	sdelay $0x3  }
0x34: {  	[smem:$0x3FB7] =	sst s10  }
0x35: {  	s10 =	sld [smem:$0x3FB6];
	_ =	sdelay $0x3  }
0x36: {  	p1 =	seq.s32 s10, $0x1;
	s10 =	sld [smem:$0x3FB7];
	_ =	sdelay $0x3  }
0x37: {  	[smem:$0x3FB7] =	sst s10  }
0x38: {  	s10 =	sld [smem:$0x3FB8]  }
0x39: {  	_ = 	snop;
	(pc) =	sbr.ind lr, $3  }
0x3a: {  	_ = 	snop  }
0x3b: {  	_ = 	snop  }
0x3c: {  	p2 =	seq.s32 s10, $0x1;
	s10 =	sld [smem:$0x3FB7]  }
0x3d: {  	_ =	shalt  }
0x3e: {  	_ =	shalt  }
0x3f: {  	_ =	shalt  }
0x40: {  	_ =	shalt  }
0x41: {  	_ =	shalt  }
0x42: {  	_ =	shalt  }
0x43: {  	_ =	shalt  }
0x44: {  	_ =	shalt  }
0x45: {  	_ =	shalt  }
0x46: {  	_ =	shalt  }
0x47: {  	_ =	shalt  }
0x48: {  	_ =	shalt  }
0x49: {  	_ =	shalt  }
0x4a: {  	_ =	shalt  }
0x4b: {  	_ =	shalt  }
0x4c: {  	_ =	shalt  }
0x4d: {  	_ =	shalt  }
0x4e: {  	_ =	shalt  }
0x4f: {  	_ =	shalt  }
0x50: {  	_ =	shalt  }
0x51: {  	_ =	shalt  }
0x52: {  	_ =	shalt  }
0x53: {  	_ =	shalt  }
0x54: {  	_ =	shalt  }
0x55: {  	_ =	shalt  }
0x56: {  	_ =	shalt  }
0x57: {  	_ =	shalt  }
0x58: {  	_ =	shalt  }
0x59: {  	_ =	shalt  }
0x5a: {  	_ =	shalt  }
0x5b: {  	_ =	shalt  }
0x5c: {  	_ =	shalt  }
0x5d: {  	_ =	shalt  }
0x5e: {  	_ =	shalt  }
0x5f: {  	_ =	shalt  }
0x60: {  	_ =	shalt  }
0x61: {  	_ =	shalt  }
0x62: {  	_ =	shalt  }
0x63: {  	_ =	shalt  }
0x64: {  	_ =	shalt  }
0x65: {  	_ =	shalt  }
0x66: {  	_ =	shalt  }
0x67: {  	_ =	shalt  }
0x68: {  	_ =	shalt  }
0x69: {  	_ =	shalt  }
0x6a: {  	_ =	shalt  }
0x6b: {  	_ =	shalt  }
0x6c: {  	_ =	shalt  }
0x6d: {  	_ =	shalt  }
0x6e: {  	_ =	shalt  }
0x6f: {  	_ =	shalt  }
0x70: {  	_ =	shalt  }
0x71: {  	_ =	shalt  }
0x72: {  	_ =	shalt  }
0x73: {  	_ =	shalt  }
0x74: {  	_ =	shalt  }
0x75: {  	_ =	shalt  }
0x76: {  	_ =	shalt  }
0x77: {  	_ =	shalt  }
0x78: {  	_ =	shalt  }
0x79: {  	_ =	shalt  }
0x7a: {  	_ =	shalt  }
0x7b: {  	_ =	shalt  }
0x7c: {  	_ =	shalt  }
0x7d: {  	_ =	shalt  }
0x7e: {  	_ =	shalt  }
0x7f: {  	_ =	shalt  }
0x80: {  	_ =	shalt  }
0x81: {  	_ =	shalt  }
0x82: {  	_ =	shalt  }
0x83: {  	_ =	shalt  }
0x84: {  	_ =	shalt  }
0x85: {  	_ =	shalt  }
0x86: {  	_ =	shalt  }
0x87: {  	_ =	shalt  }
.Lfunc_end0:
.L_simem_size_0:
called_computation_lowered:
.L_overlay_start_0:
0x88: {  	s2 =	sld [smem:$0x3FD9]  }
0x89: {  	s3 =	sld [smem:$0x3FFE];
	_ =	sdelay $0x1  }
0x8a: {  	s1 =	srdreg.scid  }
0x8b: {  	s0 =	sand.u32 $0x1, s1  }
0x8c: {  	s17 =	sshll.u32 s0, $0xA;
	s2 =	sadd.s32 s3, s2  }
0x8d: {  	s2 =	sadd.s32 s2, s17  }
0x8e: {  	[smem:$0x3FC3] =	sst s2  }
0x8f: {  	_ = 	snop  }
0x90: {  	s2 =	sld [smem:$0x3FC7]  }
0x91: {  	s18 =	sld [smem:$0x3FC6]  }
0x92: {  	s4 =	sld [smem:$0x3FC5]  }
0x93: {  	s5 =	sld [smem:$0x3FD0];
	(tm) =	ssettm $0x1  }
0x94: {  	s6 =	sld [smem:$0x3FFB];
	_ =	sdelay $0x3  }
0x95: {  	_ =	strace s6  }
0x96: {  	s6 =	sld [smem:$0x3FFC];
	_ =	sdelay $0x3  }
0x97: {  	_ =	strace s6  }
0x98: {  	s6 =	sld [smem:$0x3FFD];
	_ =	sdelay $0x3  }
0x99: {  	_ =	strace s6  }
0x9a: {  	_ =	strace $0x8FFFFFFF  }
0x9b: {  	s19 =	sld [smem:$0x3FDB];
	_ =	sdelay $0x1  }
0x9c: {  	s7 =	simm.s32 $_scs_section_size  }
0x9d: {  	s8 =	simm.s32 $_size__tile_overlayer_lowered;
	s9 =	simm.s32 $_tile_overlayer_lowered  }
0x9e: {  	s22 =	simm.s32 $0x1BFF;
	s21 =	sshll.u32 s9, $0x1;
	s6 =	sadd.s32 s7, s19  }
0x9f: {  	s10 =	simm.s32 $0x0;
	s20 =	sshll.u32 s8, $0x1;
	s8 =	sadd.s32 s21, s6  }
0xa0: {  	[timem:s10], [sflag:s22] =	dma.local [hbm:s8], s20  }
0xa1: {  	_ =	swait.ge [sflag:s22], s20  }
0xa2: {  	s7 =	ssub.s32 $0x0, s20;
	[sflag:s22] =	ssyncset.done $0x0  }
0xa3: {  	[sflag:s22] =	ssyncadd.s32 s7;
	_ =	sdelay $0x1  }
0xa4: {  	s23 =	simm.s32 $0x1B8B  }
0xa5: {  	_ =	swait.ge [sflag:s23], $0x1  }
0xa6: {  	[sflag:s23] =	ssyncset.done $0x0  }
0xa7: {  	s25 =	simm.s32 $0x1B8E;
	s24 =	sld [smem:$0x3FFE];
	[sflag:s23] =	ssyncadd.s32 $0xFFFFFFFF  }
0xa8: {  	s26 =	simm.s32 $execute0_lowered;
	[smem:$0x3FD2] =	sst s25  }
0xa9: {  	s8 =	sshll.u32 s26, $0x1;
	_ =	strace $0x80000046;
	[dreg:$0x1] =	wrdreg $0xFFFFFFFF  }
0xaa: {  	s28 =	simm.s32 $_size_execute0_lowered;
	s6 =	sadd.s32 s6, s8;
	[dreg:$0x0] =	wrdreg $0x0  }
0xab: {  	s8 =	sshll.u32 s28, $0x1;
	[dreg:$0x2] =	wrdreg s6  }
0xac: {  	[dreg:$0x3] =	wrdreg s8  }
0xad: {  	[dreg:$0x4] =	wrdreg $0xC0  }
0xae: {  	_ =	task [dreg:s10], $0x5FFFF  }
0xaf: {  	[dreg:$0x1] =	wrdreg $0xFFFFFFFF  }
0xb0: {  	[dreg:$0x0] =	wrdreg $0x60  }
0xb1: {  	[dreg:$0x2] =	wrdreg s5  }
0xb2: {  	[dreg:$0x3] =	wrdreg s24  }
0xb3: {  	[dreg:$0x4] =	wrdreg s2  }
0xb4: {  	[dreg:$0x5] =	wrdreg s18  }
0xb5: {  	[dreg:$0x6] =	wrdreg s4  }
0xb6: {  	[dreg:$0x7] =	wrdreg $0x12D900  }
0xb7: {  	[dreg:$0x8] =	wrdreg $0x9  }
0xb8: {  	_ =	task.clear_ibuf [dreg:s10], $0x9FFFF;
	_ =	strace $0x90000046  }
0xb9: {  	s29 =	simm.s32 $0x9;
	_ =	strace $0x80000048  }
0xba: {  	_ =	swait.ge [sflag:s29], $0x1  }
0xbb: {  	[sflag:s29] =	ssyncadd.s32 $0xFFFFFFFF  }
0xbc: {  	_ =	strace $0x90000048  }
0xbd: {  	_ =	sfence  }
0xbe: {  	s30 =	sld [smem:$0x0];
	_ =	sdelay $0x2  }
0xbf: {  	s31 =	sshll.u32 s1, $0xD;
	s1 =	sshrl.u32 s1, $0x2  }
0xc0: {  	s3 =	sand.u32 $0x4000, s31;
	s1 =	sadd.s32 s1, s30  }
0xc1: {  	s0 =	sor.u32 s3, s0;
	s1 =	sshll.u32 s1, $0x11  }
0xc2: {  	s0 =	sor.u32 s1, s0  }
0xc3: {  	s0 =	sadd.s32 $0x8F2B, s0  }
0xc4: {  	[sflag:s0] =	ssyncadd.remote.s32 $0x1  }
0xc5: {  	_ =	sfence.sel $0xFFFF  }
0xc6: {  	[dreg:$0x0] =	wrdreg $0xFFFFFFFF;
	(pc) =	sbr.abs _section_cstart, $3  }
0xc7: {  	[dreg:$0x1] =	wrdreg $0xFFFFFFFF  }
0xc8: {  	_ =	task.clear_ibuf [dreg:s10], $0x2FFFF;
	_ =	strace $0x9FFFFFFF  }
0xc9: {  	(tm) =	ssettm $0x7FFFFFFF  }
tec
execute0_lowered:
.L_overlay_start_1:
0x0: {  	(tag) =	ssettag $0x1  }
0x1: {  	s1 =	rddreg [dreg:$0x0]  }
0x2: {  	s0 =	rddreg [dreg:$0x1]  }
0x3: {  	s2 =	rddreg [dreg:$0x2]  }
0x4: {  	s3 =	rddreg [dreg:$0x3]  }
0x5: {  	s4 =	rddreg [dreg:$0x4]  }
0x6: {  	s5 =	rddreg [dreg:$0x5];
	s7 =	simm.s32 $0x0  }
0x7: {  	s6 =	srdreg.scid;
	s20 =	simm.s32 $0x6;
	s21 =	simm.s32 $0xA0  }
0x8: {  	s22 =	simm.s32 $0x50;
	s28 =	simm.s32 $0x6590;
	s29 =	simm.s32 $0x9790  }
0x9: {  	s30 =	simm.s32 $0x1;
	s31 =	simm.s32 $0x2;
	s9 =	sand.u32 $0x1, s6  }
0xa: {  	s16 =	simm.s32 $0x0;
	s6 =	stileid.u32;
	s10 =	smul.u32 $0x2710, s9  }
0xb: {  	[smem:$0x7FF] =	sst s7;
	s8 =	sadd.s32 $0x600, s0;
	s11 =	smul.u32 $0x140, s6  }
0xc: {  	s0 =	sadd.s32 $0xA400, s0;
	s25 =	sadd.s32 $0xBB800, s5;
	s13 =	smul.u32 $0x32000, s6  }
0xd: {  	_ =	strace $0x80000047;
	s12 =	ssub.s32 $0x2, s9;
	s15 =	smul.u32 $0x186A00, s9  }
0xe: {  	s9 =	smul.u32 $0x3E8, s9;
	[dreg:$0xb] =	wrdreg s25;
	p0 =	seq.s32 s6, $0xF  }
0xf: {  	s25 =	simm.s32 $0x6540;
	s14 =	sshrl.u32 s12, $0x1;
	s11 =	sadd.s32 s11, s10  }
0x10: {  	s12 =	ssub.s32 s12, s14;
	s13 =	sshrl.u32 s13, $0x2;
	s23 =	sshrl.u32 s15, $0x3  }
0x11: {  	s14 =	sor.u32 $0x440, s6;
	s15 =	sor.u32 $0x450, s6;
	s26 =	smax.u32 s12, $0x1  }
0x12: {  	s11 =	smul.u32 $0x14, s11;
	s19 =	sadd.s32 s13, s5;
	[dreg:$0xe] =	wrdreg s26  }
0x13: {  	s12 =	simm.s32 $0x4;
	s24 =	sadd.s32 $0x6400, s19;
	[dreg:$0x7] =	wrdreg s19  }
0x14: {  	[dreg:$0x8] =	wrdreg s24;
	s11 =	sadd.s32 s0, s11;
	s0 =	sadd.s32 s0, s23  }
0x15: {  	s26 =	simm.s32 $0x64F0;
	s13 =	sadd.s32 $0x17700, s0;
	[dreg:$0x9] =	wrdreg s11  }
0x16: {  	s23 =	simm.s32 $0xF0;
	s11 =	sadd.s32 $0x186A0, s11;
	[dreg:$0xa] =	wrdreg s13  }
0x17: {  	s24 =	simm.s32 $0x32F0;
	s0 =	sadd.s32 $0x2FDA0, s0;
	[dreg:$0xc] =	wrdreg s11  }
0x18: {  	v2 =	vimm.f32 $0.0e+00;
	v0 =	vmov s10;
	v1 =	vmov s9;
	[dreg:$0xd] =	wrdreg s0;
	s0 =	simm.s32 $0x3;
	s13 =	simm.s32 $0x5  }
.LBB2_1:
0x19: {  	s9 =	simm.s32 $0x0;
	s10 =	simm.s32 $0x280  }
.LBB2_2:
0x1a: {  	p1 =	sne.s32 s10, $0x18D80;
	[tilespmem:s9+$0xCA20] =	vst v2  }
0x1b: {  	[tilespmem:s9+$0xC990] =	vst v2  }
0x1c: {  	[tilespmem:s9+$0xC9A0] =	vst v2  }
0x1d: {  	[tilespmem:s9+$0xC9B0] =	vst v2  }
0x1e: {  	[tilespmem:s9+$0xC9C0] =	vst v2  }
.Ltmp0:
0x1f: {  	[tilespmem:s9+$0xC9D0] =	vst v2;
	(pc) =	sbr.rel @p1 .LBB2_2-.Ltmp0, $4  }
0x20: {  	[tilespmem:s9+$0xC9E0] =	vst v2  }
0x21: {  	[tilespmem:s9+$0xC9F0] =	vst v2  }
0x22: {  	[tilespmem:s9+$0xCA00] =	vst v2  }
0x23: {  	[tilespmem:s9+$0xCA10] =	vst v2;
	s9 =	sshra.s32 s10, $0x2;
	s10 =	sadd.s32 $0x280, s10  }
0x24: {  	[tilespmem:s9+$0xCA20] =	vst v2  }
0x25: {  	[tilespmem:s9+$0xC990] =	vst v2  }
0x26: {  	[tilespmem:s9+$0xC9A0] =	vst v2  }
0x27: {  	[tilespmem:s9+$0xC9B0] =	vst v2  }
0x28: {  	[tilespmem:s9+$0xC9C0] =	vst v2  }
0x29: {  	[tilespmem:s9+$0xC9D0] =	vst v2  }
0x2a: {  	[tilespmem:s9+$0xC9E0] =	vst v2  }
0x2b: {  	[tilespmem:s9+$0xC9F0] =	vst v2  }
0x2c: {  	[tilespmem:s9+$0xCA00] =	vst v2  }
0x2d: {  	[tilespmem:s9+$0xCA10] =	vst v2;
	s10 =	simm.s32 $0xC990  }
0x2e: {  	[spmem:s19] =	stream.linear.scatter [tilespmem:s10], [sflag:$0x6], $0x6400, $0x38;
	[tilespmem:$0x1F590] =	vst v63  }
0x2f: {  	_ =	swait.ge [sflag:s20], $0x6400  }
0x30: {  	[sflag:s20] =	ssyncset.done $0x0  }
0x31: {  	s18 =	rddreg [dreg:$0x8];
	[sflag:s20] =	ssyncadd.s32 $0xFFFF9C00  }
0x32: {  	[spmem:s18] =	stream.linear.scatter [tilespmem:s10], [sflag:$0x6], $0x6400, $0x38;
	[tilespmem:$0x1F590] =	vst v63  }
0x33: {  	_ =	swait.ge [sflag:s20], $0x6400  }
0x34: {  	[sflag:s20] =	ssyncset.done $0x0  }
0x35: {  	[sflag:s20] =	ssyncadd.s32 $0xFFFF9C00  }
0x36: {  	s10 =	simm.s32 $0x0;
	[bflag:$0x0] =	sbarrier.arrive $0xFFFF  }
.LBB2_4:
0x37: {  	s9 =	sshll.u32 s10, $0x5  }
0x38: {  	s9 =	sor.u32 s6, s9  }
0x39: {  	s9 =	smul.u32 $0xA, s9;
	_ =	sdelay $0x1  }
0x3a: {  	s11 =	sadd.s32 s2, s9  }
0x3b: {  	[tilespmem:s7], [sflag:$0x6] =	stream.linear.gather [hbm4b:s11+s7], $0x50, $0x38;
	[tilespmem:$0x1F590] =	vst v63  }
0x3c: {  	_ =	swait.ge [sflag:s20], $0x50  }
0x3d: {  	[sflag:s20] =	ssyncset.done $0x0  }
0x3e: {  	s17 =	sadd.s32 s4, s9;
	[sflag:s20] =	ssyncadd.s32 $0xFFFFFFB0  }
0x3f: {  	[tilespmem:s21], [sflag:$0x6] =	stream.linear.gather [hbm4b:s17+s7], $0x50, $0x38;
	[tilespmem:$0x1F590] =	vst v63  }
0x40: {  	_ =	swait.ge [sflag:s20], $0x50  }
0x41: {  	[sflag:s20] =	ssyncset.done $0x0  }
0x42: {  	s18 =	sadd.s32 s3, s9;
	[sflag:s20] =	ssyncadd.s32 $0xFFFFFFB0  }
0x43: {  	[tilespmem:s22], [sflag:$0x6] =	stream.linear.gather [hbm4b:s18+s7], $0x50, $0x38;
	[tilespmem:$0x1F590] =	vst v63  }
0x44: {  	_ =	swait.ge [sflag:s20], $0x50  }
0x45: {  	[sflag:s20] =	ssyncset.done $0x0  }
0x46: {  	[sflag:s20] =	ssyncadd.s32 $0xFFFFFFB0  }
0x47: {  	v3 =	vld [tilespmem:$0x0]  }
0x48: {  	v4 =	vld [tilespmem:$0xA0]  }
0x49: {  	v5 =	vld [tilespmem:$0x50]  }
0x4a: {  	v6 =	vld [tilespmem:$0x10]  }
0x4b: {  	v7 =	vld [tilespmem:$0xB0]  }
0x4c: {  	v8 =	vld [tilespmem:$0x60]  }
0x4d: {  	v9 =	vld [tilespmem:$0x20];
	v3 =	vadd.s32 v0, v3  }
0x4e: {  	vm0 =	vlt.u32 v5, $0x1388;
	[tilespmem:$0x0] =	vst v3;
	v3 =	vadd.s32 v1, v4;
	v4 =	vld [tilespmem:$0xC0]  }
0x4f: {  	[tilespmem:$0xA0] =	vst v3;
	v3 =	vnsel vm0, $0x13F8, v5;
	v5 =	vld [tilespmem:$0x70]  }
0x50: {  	[tilespmem:$0x50] =	vst v3;
	v3 =	vadd.s32 v0, v6;
	v6 =	vld [tilespmem:$0x30]  }
0x51: {  	vm7 =	vlt.u32 v8, $0x1388;
	[tilespmem:$0x10] =	vst v3;
	v3 =	vadd.s32 v1, v7;
	v7 =	vld [tilespmem:$0xD0]  }
0x52: {  	[tilespmem:$0xB0] =	vst v3;
	v3 =	vnsel vm7, $0x13F8, v8;
	v8 =	vld [tilespmem:$0x80]  }
0x53: {  	[tilespmem:$0x60] =	vst v3;
	v3 =	vadd.s32 v0, v9;
	v9 =	vld [tilespmem:$0x40]  }
0x54: {  	[tilespmem:$0x20] =	vst v3;
	v3 =	vadd.s32 v1, v4;
	vm8 =	vlt.u32 v5, $0x1388;
	v4 =	vld [tilespmem:$0xE0]  }
0x55: {  	[tilespmem:$0xC0] =	vst v3;
	v3 =	vnsel vm8, $0x13F8, v5;
	v5 =	vld [tilespmem:$0x90]  }
0x56: {  	[tilespmem:$0x70] =	vst v3;
	v3 =	vadd.s32 v0, v6  }
0x57: {  	[tilespmem:$0x30] =	vst v3;
	v3 =	vadd.s32 v1, v7;
	vm9 =	vlt.u32 v8, $0x1388  }
0x58: {  	[tilespmem:$0xD0] =	vst v3;
	v3 =	vnsel vm9, $0x13F8, v8  }
0x59: {  	[tilespmem:$0x80] =	vst v3;
	v3 =	vadd.s32 v0, v9  }
0x5a: {  	[tilespmem:$0x40] =	vst v3;
	v3 =	vadd.s32 v1, v4;
	vm10 =	vlt.u32 v5, $0x1388  }
0x5b: {  	[tilespmem:$0xE0] =	vst v3;
	v3 =	vnsel vm10, $0x13F8, v5  }
0x5c: {  	[tilespmem:$0x90] =	vst v3  }
0x5d: {  	[tilespmem:s23], [sflag:$0x1] =	stream.indirect.gather [hbm4b:s1+s22], $0xA0, s7, s22, $0xb8;
	[tilespmem:$0x1F590] =	vst v63  }
0x5e: {  	s9 =	sadd.s32 $0xA0, s9  }
0x5f: {  	[tilespmem:s24], [sflag:$0x2] =	stream.indirect.gather [hbm4b:s8+s22], $0xA0, s21, s22, $0xb8;
	[tilespmem:$0x1F590] =	vst v63  }
0x60: {  	s17 =	sadd.s32 s2, s9  }
0x61: {  	[tilespmem:s7], [sflag:$0x6] =	stream.linear.gather [hbm4b:s17+s7], $0x50, $0x38;
	[tilespmem:$0x1F590] =	vst v63  }
0x62: {  	_ =	swait.ge [sflag:s20], $0x50  }
0x63: {  	[sflag:s20] =	ssyncset.done $0x0  }
0x64: {  	s18 =	sadd.s32 s4, s9;
	[sflag:s20] =	ssyncadd.s32 $0xFFFFFFB0  }
0x65: {  	[tilespmem:s25], [sflag:$0x6] =	stream.linear.gather [hbm4b:s18+s7], $0x50, $0x38;
	[tilespmem:$0x1F590] =	vst v63  }
0x66: {  	_ =	swait.ge [sflag:s20], $0x50  }
0x67: {  	[sflag:s20] =	ssyncset.done $0x0  }
0x68: {  	s9 =	sadd.s32 s3, s9;
	[sflag:s20] =	ssyncadd.s32 $0xFFFFFFB0  }
0x69: {  	[tilespmem:s26], [sflag:$0x6] =	stream.linear.gather [hbm4b:s9+s7], $0x50, $0x38;
	[tilespmem:$0x1F590] =	vst v63  }
0x6a: {  	_ =	swait.ge [sflag:s20], $0x50  }
0x6b: {  	[sflag:s20] =	ssyncset.done $0x0  }
0x6c: {  	[sflag:s20] =	ssyncadd.s32 $0xFFFFFFB0  }
0x6d: {  	v3 =	vld [tilespmem:$0x0]  }
0x6e: {  	v4 =	vld [tilespmem:$0x6540]  }
0x6f: {  	v5 =	vld [tilespmem:$0x64F0]  }
0x70: {  	v6 =	vld [tilespmem:$0x10]  }
0x71: {  	v7 =	vld [tilespmem:$0x6550]  }
0x72: {  	v8 =	vld [tilespmem:$0x6500]  }
0x73: {  	v9 =	vld [tilespmem:$0x20];
	v3 =	vadd.s32 v0, v3  }
0x74: {  	vm11 =	vlt.u32 v5, $0x1388;
	[tilespmem:$0x0] =	vst v3;
	v3 =	vadd.s32 v1, v4;
	v4 =	vld [tilespmem:$0x6560]  }
0x75: {  	[tilespmem:$0x6540] =	vst v3;
	v3 =	vnsel vm11, $0x13F8, v5;
	v5 =	vld [tilespmem:$0x6510]  }
0x76: {  	[tilespmem:$0x64F0] =	vst v3;
	v3 =	vadd.s32 v0, v6;
	v6 =	vld [tilespmem:$0x30]  }
0x77: {  	vm12 =	vlt.u32 v8, $0x1388;
	[tilespmem:$0x10] =	vst v3;
	v3 =	vadd.s32 v1, v7;
	v7 =	vld [tilespmem:$0x6570]  }
0x78: {  	[tilespmem:$0x6550] =	vst v3;
	v3 =	vnsel vm12, $0x13F8, v8;
	v8 =	vld [tilespmem:$0x6520]  }
0x79: {  	[tilespmem:$0x6500] =	vst v3;
	v3 =	vadd.s32 v0, v9;
	v9 =	vld [tilespmem:$0x40]  }
0x7a: {  	[tilespmem:$0x20] =	vst v3;
	v3 =	vadd.s32 v1, v4;
	vm13 =	vlt.u32 v5, $0x1388;
	v4 =	vld [tilespmem:$0x6580]  }
0x7b: {  	[tilespmem:$0x6560] =	vst v3;
	v3 =	vnsel vm13, $0x13F8, v5;
	v5 =	vld [tilespmem:$0x6530]  }
0x7c: {  	[tilespmem:$0x6510] =	vst v3;
	v3 =	vadd.s32 v0, v6  }
0x7d: {  	[tilespmem:$0x30] =	vst v3;
	v3 =	vadd.s32 v1, v7;
	vm14 =	vlt.u32 v8, $0x1388  }
0x7e: {  	[tilespmem:$0x6570] =	vst v3;
	v3 =	vnsel vm14, $0x13F8, v8  }
0x7f: {  	[tilespmem:$0x6520] =	vst v3;
	v3 =	vadd.s32 v0, v9  }
0x80: {  	[tilespmem:$0x40] =	vst v3;
	v3 =	vadd.s32 v1, v4;
	vm15 =	vlt.u32 v5, $0x1388  }
0x81: {  	[tilespmem:$0x6580] =	vst v3;
	v3 =	vnsel vm15, $0x13F8, v5  }
0x82: {  	[tilespmem:$0x6530] =	vst v3  }
0x83: {  	[tilespmem:s28], [sflag:$0x3] =	stream.indirect.gather [hbm4b:s1+s22], $0xA0, s7, s22, $0xb8;
	[tilespmem:$0x1F590] =	vst v63  }
0x84: {  	_ = 	snop  }
0x85: {  	[tilespmem:s29], [sflag:$0x4] =	stream.indirect.gather [hbm4b:s8+s22], $0xA0, s25, s22, $0xb8;
	[tilespmem:$0x1F590] =	vst v63  }
0x86: {  	_ =	swait.ge [sflag:s30], $0x3200  }
0x87: {  	[sflag:s30] =	ssyncset.done $0x0  }
0x88: {  	[sflag:s30] =	ssyncadd.s32 $0xFFFFCE00  }
0x89: {  	_ =	swait.ge [sflag:s31], $0x3200  }
0x8a: {  	[sflag:s31] =	ssyncset.done $0x0  }
0x8b: {  	s11 =	simm.s32 $0x90;
	[sflag:s31] =	ssyncadd.s32 $0xFFFFCE00  }
0x8c: {  	v9 =	vld [tilespmem:s11+$0x3260]  }
0x8d: {  	v11 =	vld [tilespmem:s11+$0x3270]  }
0x8e: {  	v14 =	vld [tilespmem:s11+$0x3280]  }
0x8f: {  	v17 =	vld [tilespmem:s11+$0x3290]  }
0x90: {  	v8 =	vld [tilespmem:s11+$0x32A0]  }
0x91: {  	v7 =	vld [tilespmem:s11+$0x32B0]  }
0x92: {  	v6 =	vld [tilespmem:s11+$0x32C0]  }
0x93: {  	v5 =	vld [tilespmem:s11+$0x32D0]  }
0x94: {  	v4 =	vld [tilespmem:s11+$0x32E0]  }
0x95: {  	v10 =	vld [tilespmem:s11+$0x60]  }
0x96: {  	v3 =	vld [tilespmem:s11+$0x32F0]  }
0x97: {  	v15 =	vld [tilespmem:s11+$0x70]  }
0x98: {  	v16 =	vld [tilespmem:s11+$0x80]  }
0x99: {  	v18 =	vld [tilespmem:s11+$0x90]  }
0x9a: {  	v13 =	vld [tilespmem:s11+$0xA0];
	v9 =	vadd.f32 v9, v10  }
0x9b: {  	v12 =	vld [tilespmem:s11+$0xB0]  }
0x9c: {  	v10 =	vld [tilespmem:s11+$0xC0];
	v11 =	vadd.f32 v11, v15;
	v15 =	vmax.f32 v9, $0.0e+00  }
0x9d: {  	v9 =	vld [tilespmem:s11+$0xD0];
	[tilespmem:s11+$0x60] =	vst v15;
	v15 =	vadd.f32 v14, v16  }
0x9e: {  	s17 =	simm.s32 $0x4C0;
	v16 =	vmax.f32 v11, $0.0e+00;
	v14 =	vadd.f32 v17, v18;
	v11 =	vld [tilespmem:s11+$0xE0]  }
.LBB2_5:
0x9f: {  	s9 =	sshra.s32 s17, $0x2;
	p1 =	sne.s32 s17, $0xC7C0;
	[tilespmem:s11+$0x70] =	vst v16;
	v15 =	vmax.f32 v15, $0.0e+00;
	v8 =	vadd.f32 v8, v13;
	v13 =	vld [tilespmem:s11+$0xF0]  }
0xa0: {  	v16 =	vld [tilespmem:s9+$0x3260];
	[tilespmem:s11+$0x80] =	vst v15;
	v14 =	vmax.f32 v14, $0.0e+00;
	v7 =	vadd.f32 v7, v12  }
0xa1: {  	v15 =	vld [tilespmem:s9+$0x3270];
	[tilespmem:s11+$0x90] =	vst v14;
	v8 =	vmax.f32 v8, $0.0e+00;
	v6 =	vadd.f32 v6, v10  }
0xa2: {  	v14 =	vld [tilespmem:s9+$0x3280];
	[tilespmem:s11+$0xA0] =	vst v8;
	v7 =	vmax.f32 v7, $0.0e+00;
	v5 =	vadd.f32 v5, v9  }
0xa3: {  	v17 =	vld [tilespmem:s9+$0x3290];
	[tilespmem:s11+$0xB0] =	vst v7;
	v6 =	vmax.f32 v6, $0.0e+00;
	v4 =	vadd.f32 v4, v11  }
0xa4: {  	v8 =	vld [tilespmem:s9+$0x32A0];
	[tilespmem:s11+$0xC0] =	vst v6;
	v5 =	vmax.f32 v5, $0.0e+00;
	v3 =	vadd.f32 v3, v13  }
0xa5: {  	v7 =	vld [tilespmem:s9+$0x32B0];
	[tilespmem:s11+$0xD0] =	vst v5;
	v4 =	vmax.f32 v4, $0.0e+00  }
0xa6: {  	v6 =	vld [tilespmem:s9+$0x32C0];
	[tilespmem:s11+$0xE0] =	vst v4;
	v3 =	vmax.f32 v3, $0.0e+00  }
0xa7: {  	v5 =	vld [tilespmem:s9+$0x32D0];
	[tilespmem:s11+$0xF0] =	vst v3;
	s11 =	smov.u32 s9  }
0xa8: {  	v4 =	vld [tilespmem:s11+$0x32E0]  }
0xa9: {  	v3 =	vld [tilespmem:s11+$0x32F0]  }
0xaa: {  	v9 =	vld [tilespmem:s11+$0x60]  }
0xab: {  	v10 =	vld [tilespmem:s11+$0x70]  }
0xac: {  	v11 =	vld [tilespmem:s11+$0x80]  }
0xad: {  	v18 =	vld [tilespmem:s11+$0x90]  }
.Ltmp1:
0xae: {  	v13 =	vld [tilespmem:s11+$0xA0];
	(pc) =	sbr.rel @p1 .LBB2_5-.Ltmp1, $4  }
0xaf: {  	v9 =	vadd.f32 v16, v9;
	v12 =	vld [tilespmem:s11+$0xB0]  }
0xb0: {  	v16 =	vadd.f32 v15, v10;
	v10 =	vld [tilespmem:s11+$0xC0]  }
0xb1: {  	v19 =	vmax.f32 v9, $0.0e+00;
	v15 =	vadd.f32 v14, v11;
	v9 =	vld [tilespmem:s11+$0xD0]  }
0xb2: {  	s17 =	sadd.s32 $0x280, s17;
	[tilespmem:s11+$0x60] =	vst v19;
	v16 =	vmax.f32 v16, $0.0e+00;
	v14 =	vadd.f32 v17, v18;
	v11 =	vld [tilespmem:s11+$0xE0]  }
0xb3: {  	[tilespmem:s11+$0x70] =	vst v16;
	v15 =	vmax.f32 v15, $0.0e+00;
	v8 =	vadd.f32 v8, v13;
	v13 =	vld [tilespmem:s11+$0xF0]  }
0xb4: {  	[tilespmem:s11+$0x80] =	vst v15;
	v14 =	vmax.f32 v14, $0.0e+00;
	v7 =	vadd.f32 v7, v12  }
0xb5: {  	[tilespmem:s11+$0x90] =	vst v14;
	v8 =	vmax.f32 v8, $0.0e+00;
	v6 =	vadd.f32 v6, v10  }
0xb6: {  	[tilespmem:s11+$0xA0] =	vst v8;
	v7 =	vmax.f32 v7, $0.0e+00;
	v5 =	vadd.f32 v5, v9  }
0xb7: {  	[tilespmem:s11+$0xB0] =	vst v7;
	v6 =	vmax.f32 v6, $0.0e+00;
	v4 =	vadd.f32 v4, v11  }
0xb8: {  	[tilespmem:s11+$0xC0] =	vst v6;
	v5 =	vmax.f32 v5, $0.0e+00;
	v3 =	vadd.f32 v3, v13  }
0xb9: {  	[tilespmem:s11+$0xD0] =	vst v5;
	v4 =	vmax.f32 v4, $0.0e+00  }
0xba: {  	[tilespmem:s11+$0xE0] =	vst v4;
	v3 =	vmax.f32 v3, $0.0e+00  }
0xbb: {  	[tilespmem:s11+$0xF0] =	vst v3  }
0xbc: {  	[spmem:s5] =	stream.indirect.scatter.add.f32 [tilespmem:s23], [sflag:$0x5], $0xA0, s22, s22, $0xb8;
	[tilespmem:$0x1F590] =	vst v63  }
0xbd: {  	_ =	swait.ge [sflag:s0], $0x3200  }
0xbe: {  	[sflag:s0] =	ssyncset.done $0x0  }
0xbf: {  	[sflag:s0] =	ssyncadd.s32 $0xFFFFCE00  }
0xc0: {  	_ =	swait.ge [sflag:s12], $0x3200  }
0xc1: {  	[sflag:s12] =	ssyncset.done $0x0  }
0xc2: {  	s11 =	simm.s32 $0x90;
	[sflag:s12] =	ssyncadd.s32 $0xFFFFCE00  }
0xc3: {  	v9 =	vld [tilespmem:s11+$0x9700]  }
0xc4: {  	v11 =	vld [tilespmem:s11+$0x9710]  }
0xc5: {  	v14 =	vld [tilespmem:s11+$0x9720]  }
0xc6: {  	v17 =	vld [tilespmem:s11+$0x9730]  }
0xc7: {  	v8 =	vld [tilespmem:s11+$0x9740]  }
0xc8: {  	v7 =	vld [tilespmem:s11+$0x9750]  }
0xc9: {  	v6 =	vld [tilespmem:s11+$0x9760]  }
0xca: {  	v5 =	vld [tilespmem:s11+$0x9770]  }
0xcb: {  	v4 =	vld [tilespmem:s11+$0x9780]  }
0xcc: {  	v10 =	vld [tilespmem:s11+$0x6500]  }
0xcd: {  	v3 =	vld [tilespmem:s11+$0x9790]  }
0xce: {  	v15 =	vld [tilespmem:s11+$0x6510]  }
0xcf: {  	v16 =	vld [tilespmem:s11+$0x6520]  }
0xd0: {  	v18 =	vld [tilespmem:s11+$0x6530]  }
0xd1: {  	v13 =	vld [tilespmem:s11+$0x6540];
	v9 =	vadd.f32 v9, v10  }
0xd2: {  	v12 =	vld [tilespmem:s11+$0x6550]  }
0xd3: {  	v10 =	vld [tilespmem:s11+$0x6560];
	v11 =	vadd.f32 v11, v15;
	v15 =	vmax.f32 v9, $0.0e+00  }
0xd4: {  	v9 =	vld [tilespmem:s11+$0x6570];
	[tilespmem:s11+$0x6500] =	vst v15;
	v15 =	vadd.f32 v14, v16  }
0xd5: {  	s17 =	simm.s32 $0x4C0;
	v16 =	vmax.f32 v11, $0.0e+00;
	v14 =	vadd.f32 v17, v18;
	v11 =	vld [tilespmem:s11+$0x6580]  }
.LBB2_7:
0xd6: {  	s9 =	sshra.s32 s17, $0x2;
	p1 =	sne.s32 s17, $0xC7C0;
	[tilespmem:s11+$0x6510] =	vst v16;
	v15 =	vmax.f32 v15, $0.0e+00;
	v8 =	vadd.f32 v8, v13;
	v13 =	vld [tilespmem:s11+$0x6590]  }
0xd7: {  	v16 =	vld [tilespmem:s9+$0x9700];
	[tilespmem:s11+$0x6520] =	vst v15;
	v14 =	vmax.f32 v14, $0.0e+00;
	v7 =	vadd.f32 v7, v12  }
0xd8: {  	v15 =	vld [tilespmem:s9+$0x9710];
	[tilespmem:s11+$0x6530] =	vst v14;
	v8 =	vmax.f32 v8, $0.0e+00;
	v6 =	vadd.f32 v6, v10  }
0xd9: {  	v14 =	vld [tilespmem:s9+$0x9720];
	[tilespmem:s11+$0x6540] =	vst v8;
	v7 =	vmax.f32 v7, $0.0e+00;
	v5 =	vadd.f32 v5, v9  }
0xda: {  	v17 =	vld [tilespmem:s9+$0x9730];
	[tilespmem:s11+$0x6550] =	vst v7;
	v6 =	vmax.f32 v6, $0.0e+00;
	v4 =	vadd.f32 v4, v11  }
0xdb: {  	v8 =	vld [tilespmem:s9+$0x9740];
	[tilespmem:s11+$0x6560] =	vst v6;
	v5 =	vmax.f32 v5, $0.0e+00;
	v3 =	vadd.f32 v3, v13  }
0xdc: {  	v7 =	vld [tilespmem:s9+$0x9750];
	[tilespmem:s11+$0x6570] =	vst v5;
	v4 =	vmax.f32 v4, $0.0e+00  }
0xdd: {  	v6 =	vld [tilespmem:s9+$0x9760];
	[tilespmem:s11+$0x6580] =	vst v4;
	v3 =	vmax.f32 v3, $0.0e+00  }
0xde: {  	v5 =	vld [tilespmem:s9+$0x9770];
	[tilespmem:s11+$0x6590] =	vst v3;
	s11 =	smov.u32 s9  }
0xdf: {  	v4 =	vld [tilespmem:s11+$0x9780]  }
0xe0: {  	v3 =	vld [tilespmem:s11+$0x9790]  }
0xe1: {  	v9 =	vld [tilespmem:s11+$0x6500]  }
0xe2: {  	v10 =	vld [tilespmem:s11+$0x6510]  }
0xe3: {  	v11 =	vld [tilespmem:s11+$0x6520]  }
0xe4: {  	v18 =	vld [tilespmem:s11+$0x6530]  }
.Ltmp2:
0xe5: {  	v13 =	vld [tilespmem:s11+$0x6540];
	(pc) =	sbr.rel @p1 .LBB2_7-.Ltmp2, $4  }
0xe6: {  	v9 =	vadd.f32 v16, v9;
	v12 =	vld [tilespmem:s11+$0x6550]  }
0xe7: {  	v16 =	vadd.f32 v15, v10;
	v10 =	vld [tilespmem:s11+$0x6560]  }
0xe8: {  	v19 =	vmax.f32 v9, $0.0e+00;
	v15 =	vadd.f32 v14, v11;
	v9 =	vld [tilespmem:s11+$0x6570]  }
0xe9: {  	s17 =	sadd.s32 $0x280, s17;
	[tilespmem:s11+$0x6500] =	vst v19;
	v16 =	vmax.f32 v16, $0.0e+00;
	v14 =	vadd.f32 v17, v18;
	v11 =	vld [tilespmem:s11+$0x6580]  }
0xea: {  	[tilespmem:s11+$0x6510] =	vst v16;
	v15 =	vmax.f32 v15, $0.0e+00;
	v8 =	vadd.f32 v8, v13;
	v63 =	vld [tilespmem:s11+$0x6590]  }
0xeb: {  	[tilespmem:s11+$0x6520] =	vst v15;
	v14 =	vmax.f32 v14, $0.0e+00;
	v7 =	vadd.f32 v7, v12  }
0xec: {  	[tilespmem:s11+$0x6530] =	vst v14;
	v8 =	vmax.f32 v8, $0.0e+00;
	v6 =	vadd.f32 v6, v10  }
0xed: {  	[tilespmem:s11+$0x6540] =	vst v8;
	v7 =	vmax.f32 v7, $0.0e+00;
	v5 =	vadd.f32 v5, v9  }
0xee: {  	[tilespmem:s11+$0x6550] =	vst v7;
	v6 =	vmax.f32 v6, $0.0e+00;
	v4 =	vadd.f32 v4, v11  }
0xef: {  	[tilespmem:s11+$0x6560] =	vst v6;
	v5 =	vmax.f32 v5, $0.0e+00;
	v3 =	vadd.f32 v3, v63  }
0xf0: {  	[tilespmem:s11+$0x6570] =	vst v5;
	v4 =	vmax.f32 v4, $0.0e+00  }
0xf1: {  	[tilespmem:s11+$0x6580] =	vst v4;
	v3 =	vmax.f32 v3, $0.0e+00  }
0xf2: {  	[tilespmem:s11+$0x6590] =	vst v3  }
0xf3: {  	s10 =	sadd.s32 $0x1, s10;
	_ =	swait.ge [sflag:s13], $0x3200  }
0xf4: {  	p1 =	sne.s32 s10, $0x22;
	[sflag:s13] =	ssyncset.done $0x0  }
.Ltmp3:
0xf5: {  	[sflag:s13] =	ssyncadd.s32 $0xFFFFCE00;
	(pc) =	sbr.rel @p1 .LBB2_4-.Ltmp3, $4  }
0xf6: {  	[spmem:s5] =	stream.indirect.scatter.add.f32 [tilespmem:s28], [sflag:$0x6], $0xA0, s26, s22, $0xb8;
	[tilespmem:$0x1F590] =	vst v63  }
0xf7: {  	_ =	swait.ge [sflag:s20], $0x3200  }
0xf8: {  	[sflag:s20] =	ssyncset.done $0x0  }
0xf9: {  	[sflag:s20] =	ssyncadd.s32 $0xFFFFCE00  }
0xfa: {  	[bflag:$0x0] =	sbarrier.arrive $0xFFFF  }
0xfb: {  	s9 =	rddreg [dreg:$0xb]  }
0xfc: {  	s10 =	rddreg [dreg:$0xa];
	s11 =	sshrl.u32 @p0 s9, $0x3  }
0xfd: {  	s9 =	simm.s32 @p0 $0x1FC6;
	[dreg:$0xf] =	wrdreg s11  }
0xfe: {  	[hbm:s10], [sflag:s9] =	dma.local @p0 [spmem:s11], $0xFA0  }
0xff: {  	s9 =	simm.s32 @p0 $0x6  }
0x100: {  	_ =	swait.ge @p0 [sflag:s9], $0xFA0  }
0x101: {  	s10 =	sshll.u32 @!p0 s6, $0x6;
	s11 =	sshrl.u32 @!p0 s19, $0x3;
	[sflag:s9] =	ssyncset.done @p0 $0x0  }
0x102: {  	s18 =	sor.u32 @!p0 $0x1C06, s10;
	[sflag:s9] =	ssyncadd.s32 @p0 $0xFFFFF060;
	s9 =	rddreg [dreg:$0x9]  }
0x103: {  	[hbm:s9], [sflag:s18] =	dma.local @!p0 [spmem:s11], $0x1900  }
0x104: {  	s9 =	simm.s32 @!p0 $0x6  }
0x105: {  	_ =	swait.ge @!p0 [sflag:s9], $0x1900  }
0x106: {  	[sflag:s9] =	ssyncset.done @!p0 $0x0  }
0x107: {  	[sflag:s9] =	ssyncadd.s32 @!p0 $0xFFFFE700  }
0x108: {  	s17 =	simm.s32 $0xC990;
	[bflag:$0x0] =	sbarrier.arrive $0xFFFF  }
0x109: {  	[spmem:s19] =	stream.linear.scatter [tilespmem:s17], [sflag:$0x6], $0x6400, $0x38;
	[tilespmem:$0x1F590] =	vst v63  }
0x10a: {  	_ =	swait.ge [sflag:s20], $0x6400  }
0x10b: {  	[sflag:s20] =	ssyncset.done $0x0  }
0x10c: {  	s19 =	rddreg [dreg:$0x8];
	[sflag:s20] =	ssyncadd.s32 $0xFFFF9C00  }
0x10d: {  	[spmem:s19] =	stream.linear.scatter [tilespmem:s17], [sflag:$0x6], $0x6400, $0x38;
	[tilespmem:$0x1F590] =	vst v63  }
0x10e: {  	_ =	swait.ge [sflag:s20], $0x6400  }
0x10f: {  	[sflag:s20] =	ssyncset.done $0x0  }
0x110: {  	[sflag:s20] =	ssyncadd.s32 $0xFFFF9C00  }
0x111: {  	s10 =	simm.s32 $0x0;
	[bflag:$0x0] =	sbarrier.arrive $0xFFFF  }
.LBB2_10:
0x112: {  	s9 =	sshll.u32 s10, $0x5  }
0x113: {  	s19 =	sadd.s32 s14, s9  }
0x114: {  	s19 =	smul.u32 $0xA, s19;
	_ =	sdelay $0x1  }
0x115: {  	s17 =	sadd.s32 s2, s19  }
0x116: {  	[tilespmem:s7], [sflag:$0x6] =	stream.linear.gather [hbm4b:s17+s7], $0x50, $0x38;
	[tilespmem:$0x1F590] =	vst v63  }
0x117: {  	_ =	swait.ge [sflag:s20], $0x50  }
0x118: {  	[sflag:s20] =	ssyncset.done $0x0  }
0x119: {  	s17 =	sadd.s32 s4, s19;
	[sflag:s20] =	ssyncadd.s32 $0xFFFFFFB0  }
0x11a: {  	[tilespmem:s21], [sflag:$0x6] =	stream.linear.gather [hbm4b:s17+s7], $0x50, $0x38;
	[tilespmem:$0x1F590] =	vst v63  }
0x11b: {  	_ =	swait.ge [sflag:s20], $0x50  }
0x11c: {  	[sflag:s20] =	ssyncset.done $0x0  }
0x11d: {  	s19 =	sadd.s32 s3, s19;
	[sflag:s20] =	ssyncadd.s32 $0xFFFFFFB0  }
0x11e: {  	[tilespmem:s22], [sflag:$0x6] =	stream.linear.gather [hbm4b:s19+s7], $0x50, $0x38;
	[tilespmem:$0x1F590] =	vst v63  }
0x11f: {  	_ =	swait.ge [sflag:s20], $0x50  }
0x120: {  	[sflag:s20] =	ssyncset.done $0x0  }
0x121: {  	[sflag:s20] =	ssyncadd.s32 $0xFFFFFFB0  }
0x122: {  	v3 =	vld [tilespmem:$0x0]  }
0x123: {  	v4 =	vld [tilespmem:$0x50]  }
0x124: {  	v5 =	vld [tilespmem:$0xA0]  }
0x125: {  	v6 =	vld [tilespmem:$0x10]  }
0x126: {  	v7 =	vld [tilespmem:$0x60]  }
0x127: {  	v8 =	vld [tilespmem:$0xB0]  }
0x128: {  	v9 =	vld [tilespmem:$0x20];
	v3 =	vadd.s32 v0, v3;
	v4 =	vadd.s32 $0xFFFFEC78, v4  }
0x129: {  	[tilespmem:$0x0] =	vst v3;
	v3 =	vadd.s32 v1, v5;
	vm0 =	vlt.u32 v4, $0x1388;
	v5 =	vld [tilespmem:$0x70]  }
0x12a: {  	[tilespmem:$0xA0] =	vst v3;
	v3 =	vnsel vm0, $0x13F8, v4;
	v4 =	vld [tilespmem:$0xC0]  }
0x12b: {  	[tilespmem:$0x50] =	vst v3;
	v3 =	vadd.s32 v0, v6;
	v6 =	vadd.s32 $0xFFFFEC78, v7;
	v7 =	vld [tilespmem:$0x30]  }
0x12c: {  	[tilespmem:$0x10] =	vst v3;
	v3 =	vadd.s32 v1, v8;
	vm7 =	vlt.u32 v6, $0x1388;
	v8 =	vld [tilespmem:$0x80]  }
0x12d: {  	[tilespmem:$0xB0] =	vst v3;
	v3 =	vnsel vm7, $0x13F8, v6;
	v6 =	vld [tilespmem:$0xD0]  }
0x12e: {  	[tilespmem:$0x60] =	vst v3;
	v3 =	vadd.s32 v0, v9;
	v5 =	vadd.s32 $0xFFFFEC78, v5;
	v9 =	vld [tilespmem:$0x40]  }
0x12f: {  	[tilespmem:$0x20] =	vst v3;
	v3 =	vadd.s32 v1, v4;
	vm8 =	vlt.u32 v5, $0x1388;
	v4 =	vld [tilespmem:$0x90]  }
0x130: {  	[tilespmem:$0xC0] =	vst v3;
	v3 =	vnsel vm8, $0x13F8, v5;
	v5 =	vld [tilespmem:$0xE0]  }
0x131: {  	[tilespmem:$0x70] =	vst v3;
	v3 =	vadd.s32 v0, v7;
	v7 =	vadd.s32 $0xFFFFEC78, v8  }
0x132: {  	[tilespmem:$0x30] =	vst v3;
	v3 =	vadd.s32 v1, v6;
	vm9 =	vlt.u32 v7, $0x1388  }
0x133: {  	[tilespmem:$0xD0] =	vst v3;
	v3 =	vnsel vm9, $0x13F8, v7  }
0x134: {  	[tilespmem:$0x80] =	vst v3;
	v3 =	vadd.s32 v0, v9;
	v4 =	vadd.s32 $0xFFFFEC78, v4  }
0x135: {  	[tilespmem:$0x40] =	vst v3;
	v3 =	vadd.s32 v1, v5;
	vm10 =	vlt.u32 v4, $0x1388  }
0x136: {  	[tilespmem:$0xE0] =	vst v3;
	v3 =	vnsel vm10, $0x13F8, v4  }
0x137: {  	s9 =	sadd.s32 s9, s15;
	[tilespmem:$0x90] =	vst v3  }
0x138: {  	[tilespmem:s23], [sflag:$0x1] =	stream.indirect.gather [hbm4b:s1+s22], $0xA0, s7, s22, $0xb8;
	[tilespmem:$0x1F590] =	vst v63  }
0x139: {  	s9 =	smul.u32 $0xA, s9  }
0x13a: {  	[tilespmem:s24], [sflag:$0x2] =	stream.indirect.gather [hbm4b:s8+s22], $0xA0, s21, s22, $0xb8;
	[tilespmem:$0x1F590] =	vst v63  }
0x13b: {  	s19 =	sadd.s32 s2, s9  }
0x13c: {  	[tilespmem:s7], [sflag:$0x6] =	stream.linear.gather [hbm4b:s19+s7], $0x50, $0x38;
	[tilespmem:$0x1F590] =	vst v63  }
0x13d: {  	_ =	swait.ge [sflag:s20], $0x50  }
0x13e: {  	[sflag:s20] =	ssyncset.done $0x0  }
0x13f: {  	s19 =	sadd.s32 s4, s9;
	[sflag:s20] =	ssyncadd.s32 $0xFFFFFFB0  }
0x140: {  	[tilespmem:s25], [sflag:$0x6] =	stream.linear.gather [hbm4b:s19+s7], $0x50, $0x38;
	[tilespmem:$0x1F590] =	vst v63  }
0x141: {  	_ =	swait.ge [sflag:s20], $0x50  }
0x142: {  	[sflag:s20] =	ssyncset.done $0x0  }
0x143: {  	s9 =	sadd.s32 s3, s9;
	[sflag:s20] =	ssyncadd.s32 $0xFFFFFFB0  }
0x144: {  	[tilespmem:s26], [sflag:$0x6] =	stream.linear.gather [hbm4b:s9+s7], $0x50, $0x38;
	[tilespmem:$0x1F590] =	vst v63  }
0x145: {  	_ =	swait.ge [sflag:s20], $0x50  }
0x146: {  	[sflag:s20] =	ssyncset.done $0x0  }
0x147: {  	[sflag:s20] =	ssyncadd.s32 $0xFFFFFFB0  }
0x148: {  	v3 =	vld [tilespmem:$0x0]  }
0x149: {  	v4 =	vld [tilespmem:$0x64F0]  }
0x14a: {  	v5 =	vld [tilespmem:$0x6540]  }
0x14b: {  	v6 =	vld [tilespmem:$0x10]  }
0x14c: {  	v7 =	vld [tilespmem:$0x6500]  }
0x14d: {  	v8 =	vld [tilespmem:$0x6550]  }
0x14e: {  	v9 =	vld [tilespmem:$0x20];
	v3 =	vadd.s32 v0, v3;
	v4 =	vadd.s32 $0xFFFFEC78, v4  }
0x14f: {  	[tilespmem:$0x0] =	vst v3;
	v3 =	vadd.s32 v1, v5;
	vm11 =	vlt.u32 v4, $0x1388;
	v5 =	vld [tilespmem:$0x6510]  }
0x150: {  	[tilespmem:$0x6540] =	vst v3;
	v3 =	vnsel vm11, $0x13F8, v4;
	v4 =	vld [tilespmem:$0x6560]  }
0x151: {  	[tilespmem:$0x64F0] =	vst v3;
	v3 =	vadd.s32 v0, v6;
	v6 =	vadd.s32 $0xFFFFEC78, v7;
	v7 =	vld [tilespmem:$0x30]  }
0x152: {  	[tilespmem:$0x10] =	vst v3;
	v3 =	vadd.s32 v1, v8;
	vm12 =	vlt.u32 v6, $0x1388;
	v8 =	vld [tilespmem:$0x6520]  }
0x153: {  	[tilespmem:$0x6550] =	vst v3;
	v3 =	vnsel vm12, $0x13F8, v6;
	v6 =	vld [tilespmem:$0x6570]  }
0x154: {  	[tilespmem:$0x6500] =	vst v3;
	v3 =	vadd.s32 v0, v9;
	v5 =	vadd.s32 $0xFFFFEC78, v5;
	v9 =	vld [tilespmem:$0x40]  }
0x155: {  	[tilespmem:$0x20] =	vst v3;
	v3 =	vadd.s32 v1, v4;
	vm13 =	vlt.u32 v5, $0x1388;
	v4 =	vld [tilespmem:$0x6530]  }
0x156: {  	[tilespmem:$0x6560] =	vst v3;
	v3 =	vnsel vm13, $0x13F8, v5;
	v5 =	vld [tilespmem:$0x6580]  }
0x157: {  	[tilespmem:$0x6510] =	vst v3;
	v3 =	vadd.s32 v0, v7;
	v7 =	vadd.s32 $0xFFFFEC78, v8  }
0x158: {  	[tilespmem:$0x30] =	vst v3;
	v3 =	vadd.s32 v1, v6;
	vm14 =	vlt.u32 v7, $0x1388  }
0x159: {  	[tilespmem:$0x6570] =	vst v3;
	v3 =	vnsel vm14, $0x13F8, v7  }
0x15a: {  	[tilespmem:$0x6520] =	vst v3;
	v3 =	vadd.s32 v0, v9;
	v4 =	vadd.s32 $0xFFFFEC78, v4  }
0x15b: {  	[tilespmem:$0x40] =	vst v3;
	v3 =	vadd.s32 v1, v5;
	vm15 =	vlt.u32 v4, $0x1388  }
0x15c: {  	[tilespmem:$0x6580] =	vst v3;
	v3 =	vnsel vm15, $0x13F8, v4  }
0x15d: {  	[tilespmem:$0x6530] =	vst v3  }
0x15e: {  	[tilespmem:s28], [sflag:$0x3] =	stream.indirect.gather [hbm4b:s1+s22], $0xA0, s7, s22, $0xb8;
	[tilespmem:$0x1F590] =	vst v63  }
0x15f: {  	_ = 	snop  }
0x160: {  	[tilespmem:s29], [sflag:$0x4] =	stream.indirect.gather [hbm4b:s8+s22], $0xA0, s25, s22, $0xb8;
	[tilespmem:$0x1F590] =	vst v63  }
0x161: {  	_ =	swait.ge [sflag:s30], $0x3200  }
0x162: {  	[sflag:s30] =	ssyncset.done $0x0  }
0x163: {  	[sflag:s30] =	ssyncadd.s32 $0xFFFFCE00  }
0x164: {  	_ =	swait.ge [sflag:s31], $0x3200  }
0x165: {  	[sflag:s31] =	ssyncset.done $0x0  }
0x166: {  	s19 =	simm.s32 $0x90;
	[sflag:s31] =	ssyncadd.s32 $0xFFFFCE00  }
0x167: {  	v9 =	vld [tilespmem:s19+$0x3260]  }
0x168: {  	v11 =	vld [tilespmem:s19+$0x3270]  }
0x169: {  	v14 =	vld [tilespmem:s19+$0x3280]  }
0x16a: {  	v17 =	vld [tilespmem:s19+$0x3290]  }
0x16b: {  	v8 =	vld [tilespmem:s19+$0x32A0]  }
0x16c: {  	v7 =	vld [tilespmem:s19+$0x32B0]  }
0x16d: {  	v6 =	vld [tilespmem:s19+$0x32C0]  }
0x16e: {  	v5 =	vld [tilespmem:s19+$0x32D0]  }
0x16f: {  	v4 =	vld [tilespmem:s19+$0x32E0]  }
0x170: {  	v10 =	vld [tilespmem:s19+$0x60]  }
0x171: {  	v3 =	vld [tilespmem:s19+$0x32F0]  }
0x172: {  	v15 =	vld [tilespmem:s19+$0x70]  }
0x173: {  	v16 =	vld [tilespmem:s19+$0x80]  }
0x174: {  	v18 =	vld [tilespmem:s19+$0x90]  }
0x175: {  	v13 =	vld [tilespmem:s19+$0xA0];
	v9 =	vadd.f32 v9, v10  }
0x176: {  	v12 =	vld [tilespmem:s19+$0xB0]  }
0x177: {  	v10 =	vld [tilespmem:s19+$0xC0];
	v11 =	vadd.f32 v11, v15;
	v15 =	vmax.f32 v9, $0.0e+00  }
0x178: {  	v9 =	vld [tilespmem:s19+$0xD0];
	[tilespmem:s19+$0x60] =	vst v15;
	v15 =	vadd.f32 v14, v16  }
0x179: {  	s9 =	simm.s32 $0x4C0;
	v16 =	vmax.f32 v11, $0.0e+00;
	v14 =	vadd.f32 v17, v18;
	v11 =	vld [tilespmem:s19+$0xE0]  }
.LBB2_11:
0x17a: {  	s17 =	sshra.s32 s9, $0x2;
	p1 =	sne.s32 s9, $0xC7C0;
	[tilespmem:s19+$0x70] =	vst v16;
	v15 =	vmax.f32 v15, $0.0e+00;
	v8 =	vadd.f32 v8, v13;
	v13 =	vld [tilespmem:s19+$0xF0]  }
0x17b: {  	v16 =	vld [tilespmem:s17+$0x3260];
	[tilespmem:s19+$0x80] =	vst v15;
	v14 =	vmax.f32 v14, $0.0e+00;
	v7 =	vadd.f32 v7, v12  }
0x17c: {  	v15 =	vld [tilespmem:s17+$0x3270];
	[tilespmem:s19+$0x90] =	vst v14;
	v8 =	vmax.f32 v8, $0.0e+00;
	v6 =	vadd.f32 v6, v10  }
0x17d: {  	v14 =	vld [tilespmem:s17+$0x3280];
	[tilespmem:s19+$0xA0] =	vst v8;
	v7 =	vmax.f32 v7, $0.0e+00;
	v5 =	vadd.f32 v5, v9  }
0x17e: {  	v17 =	vld [tilespmem:s17+$0x3290];
	[tilespmem:s19+$0xB0] =	vst v7;
	v6 =	vmax.f32 v6, $0.0e+00;
	v4 =	vadd.f32 v4, v11  }
0x17f: {  	v8 =	vld [tilespmem:s17+$0x32A0];
	[tilespmem:s19+$0xC0] =	vst v6;
	v5 =	vmax.f32 v5, $0.0e+00;
	v3 =	vadd.f32 v3, v13  }
0x180: {  	v7 =	vld [tilespmem:s17+$0x32B0];
	[tilespmem:s19+$0xD0] =	vst v5;
	v4 =	vmax.f32 v4, $0.0e+00  }
0x181: {  	v6 =	vld [tilespmem:s17+$0x32C0];
	[tilespmem:s19+$0xE0] =	vst v4;
	v3 =	vmax.f32 v3, $0.0e+00  }
0x182: {  	v5 =	vld [tilespmem:s17+$0x32D0];
	[tilespmem:s19+$0xF0] =	vst v3;
	s19 =	smov.u32 s17  }
0x183: {  	v4 =	vld [tilespmem:s19+$0x32E0]  }
0x184: {  	v3 =	vld [tilespmem:s19+$0x32F0]  }
0x185: {  	v9 =	vld [tilespmem:s19+$0x60]  }
0x186: {  	v10 =	vld [tilespmem:s19+$0x70]  }
0x187: {  	v11 =	vld [tilespmem:s19+$0x80]  }
0x188: {  	v18 =	vld [tilespmem:s19+$0x90]  }
.Ltmp4:
0x189: {  	v13 =	vld [tilespmem:s19+$0xA0];
	(pc) =	sbr.rel @p1 .LBB2_11-.Ltmp4, $4  }
0x18a: {  	v9 =	vadd.f32 v16, v9;
	v12 =	vld [tilespmem:s19+$0xB0]  }
0x18b: {  	v16 =	vadd.f32 v15, v10;
	v10 =	vld [tilespmem:s19+$0xC0]  }
0x18c: {  	v19 =	vmax.f32 v9, $0.0e+00;
	v15 =	vadd.f32 v14, v11;
	v9 =	vld [tilespmem:s19+$0xD0]  }
0x18d: {  	s9 =	sadd.s32 $0x280, s9;
	[tilespmem:s19+$0x60] =	vst v19;
	v16 =	vmax.f32 v16, $0.0e+00;
	v14 =	vadd.f32 v17, v18;
	v11 =	vld [tilespmem:s19+$0xE0]  }
0x18e: {  	[tilespmem:s19+$0x70] =	vst v16;
	v15 =	vmax.f32 v15, $0.0e+00;
	v8 =	vadd.f32 v8, v13;
	v13 =	vld [tilespmem:s19+$0xF0]  }
0x18f: {  	[tilespmem:s19+$0x80] =	vst v15;
	v14 =	vmax.f32 v14, $0.0e+00;
	v7 =	vadd.f32 v7, v12  }
0x190: {  	[tilespmem:s19+$0x90] =	vst v14;
	v8 =	vmax.f32 v8, $0.0e+00;
	v6 =	vadd.f32 v6, v10  }
0x191: {  	[tilespmem:s19+$0xA0] =	vst v8;
	v7 =	vmax.f32 v7, $0.0e+00;
	v5 =	vadd.f32 v5, v9  }
0x192: {  	[tilespmem:s19+$0xB0] =	vst v7;
	v6 =	vmax.f32 v6, $0.0e+00;
	v4 =	vadd.f32 v4, v11  }
0x193: {  	[tilespmem:s19+$0xC0] =	vst v6;
	v5 =	vmax.f32 v5, $0.0e+00;
	v3 =	vadd.f32 v3, v13  }
0x194: {  	[tilespmem:s19+$0xD0] =	vst v5;
	v4 =	vmax.f32 v4, $0.0e+00  }
0x195: {  	[tilespmem:s19+$0xE0] =	vst v4;
	v3 =	vmax.f32 v3, $0.0e+00  }
0x196: {  	[tilespmem:s19+$0xF0] =	vst v3  }
0x197: {  	[spmem:s5] =	stream.indirect.scatter.add.f32 [tilespmem:s23], [sflag:$0x5], $0xA0, s22, s22, $0xb8;
	[tilespmem:$0x1F590] =	vst v63  }
0x198: {  	_ =	swait.ge [sflag:s0], $0x3200  }
0x199: {  	[sflag:s0] =	ssyncset.done $0x0  }
0x19a: {  	[sflag:s0] =	ssyncadd.s32 $0xFFFFCE00  }
0x19b: {  	_ =	swait.ge [sflag:s12], $0x3200  }
0x19c: {  	[sflag:s12] =	ssyncset.done $0x0  }
0x19d: {  	s19 =	simm.s32 $0x90;
	[sflag:s12] =	ssyncadd.s32 $0xFFFFCE00  }
0x19e: {  	v9 =	vld [tilespmem:s19+$0x9700]  }
0x19f: {  	v11 =	vld [tilespmem:s19+$0x9710]  }
0x1a0: {  	v14 =	vld [tilespmem:s19+$0x9720]  }
0x1a1: {  	v17 =	vld [tilespmem:s19+$0x9730]  }
0x1a2: {  	v8 =	vld [tilespmem:s19+$0x9740]  }
0x1a3: {  	v7 =	vld [tilespmem:s19+$0x9750]  }
0x1a4: {  	v6 =	vld [tilespmem:s19+$0x9760]  }
0x1a5: {  	v5 =	vld [tilespmem:s19+$0x9770]  }
0x1a6: {  	v4 =	vld [tilespmem:s19+$0x9780]  }
0x1a7: {  	v10 =	vld [tilespmem:s19+$0x6500]  }
0x1a8: {  	v3 =	vld [tilespmem:s19+$0x9790]  }
0x1a9: {  	v15 =	vld [tilespmem:s19+$0x6510]  }
0x1aa: {  	v16 =	vld [tilespmem:s19+$0x6520]  }
0x1ab: {  	v18 =	vld [tilespmem:s19+$0x6530]  }
0x1ac: {  	v13 =	vld [tilespmem:s19+$0x6540];
	v9 =	vadd.f32 v9, v10  }
0x1ad: {  	v12 =	vld [tilespmem:s19+$0x6550]  }
0x1ae: {  	v10 =	vld [tilespmem:s19+$0x6560];
	v11 =	vadd.f32 v11, v15;
	v15 =	vmax.f32 v9, $0.0e+00  }
0x1af: {  	v9 =	vld [tilespmem:s19+$0x6570];
	[tilespmem:s19+$0x6500] =	vst v15;
	v15 =	vadd.f32 v14, v16  }
0x1b0: {  	s9 =	simm.s32 $0x4C0;
	v16 =	vmax.f32 v11, $0.0e+00;
	v14 =	vadd.f32 v17, v18;
	v11 =	vld [tilespmem:s19+$0x6580]  }
.LBB2_13:
0x1b1: {  	s17 =	sshra.s32 s9, $0x2;
	p1 =	sne.s32 s9, $0xC7C0;
	[tilespmem:s19+$0x6510] =	vst v16;
	v15 =	vmax.f32 v15, $0.0e+00;
	v8 =	vadd.f32 v8, v13;
	v13 =	vld [tilespmem:s19+$0x6590]  }
0x1b2: {  	v16 =	vld [tilespmem:s17+$0x9700];
	[tilespmem:s19+$0x6520] =	vst v15;
	v14 =	vmax.f32 v14, $0.0e+00;
	v7 =	vadd.f32 v7, v12  }
0x1b3: {  	v15 =	vld [tilespmem:s17+$0x9710];
	[tilespmem:s19+$0x6530] =	vst v14;
	v8 =	vmax.f32 v8, $0.0e+00;
	v6 =	vadd.f32 v6, v10  }
0x1b4: {  	v14 =	vld [tilespmem:s17+$0x9720];
	[tilespmem:s19+$0x6540] =	vst v8;
	v7 =	vmax.f32 v7, $0.0e+00;
	v5 =	vadd.f32 v5, v9  }
0x1b5: {  	v17 =	vld [tilespmem:s17+$0x9730];
	[tilespmem:s19+$0x6550] =	vst v7;
	v6 =	vmax.f32 v6, $0.0e+00;
	v4 =	vadd.f32 v4, v11  }
0x1b6: {  	v8 =	vld [tilespmem:s17+$0x9740];
	[tilespmem:s19+$0x6560] =	vst v6;
	v5 =	vmax.f32 v5, $0.0e+00;
	v3 =	vadd.f32 v3, v13  }
0x1b7: {  	v7 =	vld [tilespmem:s17+$0x9750];
	[tilespmem:s19+$0x6570] =	vst v5;
	v4 =	vmax.f32 v4, $0.0e+00  }
0x1b8: {  	v6 =	vld [tilespmem:s17+$0x9760];
	[tilespmem:s19+$0x6580] =	vst v4;
	v3 =	vmax.f32 v3, $0.0e+00  }
0x1b9: {  	v5 =	vld [tilespmem:s17+$0x9770];
	[tilespmem:s19+$0x6590] =	vst v3;
	s19 =	smov.u32 s17  }
0x1ba: {  	v4 =	vld [tilespmem:s19+$0x9780]  }
0x1bb: {  	v3 =	vld [tilespmem:s19+$0x9790]  }
0x1bc: {  	v9 =	vld [tilespmem:s19+$0x6500]  }
0x1bd: {  	v10 =	vld [tilespmem:s19+$0x6510]  }
0x1be: {  	v11 =	vld [tilespmem:s19+$0x6520]  }
0x1bf: {  	v18 =	vld [tilespmem:s19+$0x6530]  }
.Ltmp5:
0x1c0: {  	v13 =	vld [tilespmem:s19+$0x6540];
	(pc) =	sbr.rel @p1 .LBB2_13-.Ltmp5, $4  }
0x1c1: {  	v9 =	vadd.f32 v16, v9;
	v12 =	vld [tilespmem:s19+$0x6550]  }
0x1c2: {  	v16 =	vadd.f32 v15, v10;
	v10 =	vld [tilespmem:s19+$0x6560]  }
0x1c3: {  	v19 =	vmax.f32 v9, $0.0e+00;
	v15 =	vadd.f32 v14, v11;
	v9 =	vld [tilespmem:s19+$0x6570]  }
0x1c4: {  	s9 =	sadd.s32 $0x280, s9;
	[tilespmem:s19+$0x6500] =	vst v19;
	v16 =	vmax.f32 v16, $0.0e+00;
	v14 =	vadd.f32 v17, v18;
	v11 =	vld [tilespmem:s19+$0x6580]  }
0x1c5: {  	[tilespmem:s19+$0x6510] =	vst v16;
	v15 =	vmax.f32 v15, $0.0e+00;
	v8 =	vadd.f32 v8, v13;
	v63 =	vld [tilespmem:s19+$0x6590]  }
0x1c6: {  	[tilespmem:s19+$0x6520] =	vst v15;
	v14 =	vmax.f32 v14, $0.0e+00;
	v7 =	vadd.f32 v7, v12  }
0x1c7: {  	[tilespmem:s19+$0x6530] =	vst v14;
	v8 =	vmax.f32 v8, $0.0e+00;
	v6 =	vadd.f32 v6, v10  }
0x1c8: {  	[tilespmem:s19+$0x6540] =	vst v8;
	v7 =	vmax.f32 v7, $0.0e+00;
	v5 =	vadd.f32 v5, v9  }
0x1c9: {  	[tilespmem:s19+$0x6550] =	vst v7;
	v6 =	vmax.f32 v6, $0.0e+00;
	v4 =	vadd.f32 v4, v11  }
0x1ca: {  	[tilespmem:s19+$0x6560] =	vst v6;
	v5 =	vmax.f32 v5, $0.0e+00;
	v3 =	vadd.f32 v3, v63  }
0x1cb: {  	[tilespmem:s19+$0x6570] =	vst v5;
	v4 =	vmax.f32 v4, $0.0e+00  }
0x1cc: {  	[tilespmem:s19+$0x6580] =	vst v4;
	v3 =	vmax.f32 v3, $0.0e+00  }
0x1cd: {  	[tilespmem:s19+$0x6590] =	vst v3  }
0x1ce: {  	s10 =	sadd.s32 $0x1, s10;
	_ =	swait.ge [sflag:s13], $0x3200  }
0x1cf: {  	p1 =	sne.s32 s10, $0x22;
	[sflag:s13] =	ssyncset.done $0x0  }
.Ltmp6:
0x1d0: {  	[sflag:s13] =	ssyncadd.s32 $0xFFFFCE00;
	(pc) =	sbr.rel @p1 .LBB2_10-.Ltmp6, $4  }
0x1d1: {  	[spmem:s5] =	stream.indirect.scatter.add.f32 [tilespmem:s28], [sflag:$0x6], $0xA0, s26, s22, $0xb8;
	[tilespmem:$0x1F590] =	vst v63  }
0x1d2: {  	_ =	swait.ge [sflag:s20], $0x3200  }
0x1d3: {  	[sflag:s20] =	ssyncset.done $0x0  }
0x1d4: {  	[sflag:s20] =	ssyncadd.s32 $0xFFFFCE00  }
0x1d5: {  	[bflag:$0x0] =	sbarrier.arrive $0xFFFF  }
0x1d6: {  	s10 =	rddreg [dreg:$0xd]  }
0x1d7: {  	s9 =	simm.s32 @p0 $0x1FC6;
	s17 =	rddreg [dreg:$0xf]  }
0x1d8: {  	[hbm:s10], [sflag:s9] =	dma.local @p0 [spmem:s17], $0xFA0  }
0x1d9: {  	s9 =	simm.s32 @p0 $0x6  }
0x1da: {  	_ =	swait.ge @p0 [sflag:s9], $0xFA0  }
0x1db: {  	[sflag:s9] =	ssyncset.done @p0 $0x0  }
0x1dc: {  	[sflag:s9] =	ssyncadd.s32 @p0 $0xFFFFF060;
	s9 =	rddreg [dreg:$0xc]  }
0x1dd: {  	[hbm:s9], [sflag:s18] =	dma.local @!p0 [spmem:s11], $0x1900  }
0x1de: {  	s9 =	simm.s32 @!p0 $0x6  }
0x1df: {  	_ =	swait.ge @!p0 [sflag:s9], $0x1900  }
0x1e0: {  	s16 =	sadd.s32 $0x1, s16;
	s19 =	rddreg [dreg:$0xe]  }
0x1e1: {  	p1 =	sne.s32 s16, s19  }
.Ltmp7:
0x1e2: {  	_ = 	snop;
	(pc) =	sbr.rel @p1 .LBB2_1-.Ltmp7, $4  }
0x1e3: {  	[sflag:s9] =	ssyncset.done @!p0 $0x0  }
0x1e4: {  	[sflag:s9] =	ssyncadd.s32 @!p0 $0xFFFFE700  }
0x1e5: {  	[bflag:$0x0] =	sbarrier.arrive $0xFFFF  }
0x1e6: {  	s19 =	rddreg [dreg:$0x7]  }
0x1e7: {  	_ =	sfence.sel $0x180000  }
0x1e8: {  	[bflag:$0x0] =	sbarrier.arrive $0xFFFF  }
0x1e9: {  	_ =	strace $0x90000047  }
0x1ea: {  	[bflag:$0x2] =	sbarrier.arrive $0xFFFF  }
0x1eb: {  	p0 =	sne.s32 s6, $0x0;
	s0 =	rddreg [dreg:$0x6]  }
0x1ec: {  	s0 =	sadd.s32 @!p0 $0x100000, s0  }
0x1ed: {  	[sflag:s0] =	ssyncadd.tile.s32 @!p0 $0x1;
	_ =	shalt  }
.Lfunc_end2:
_tile_overlayer_lowered:
.L_overlay_start_2:
0x1ee: {  	(tag) =	ssettag $0x2  }
0x1ef: {  	s0 =	rddreg [dreg:$0x0];
	s2 =	stileid.u32  }
0x1f0: {  	s1 =	rddreg [dreg:$0x1];
	p0 =	sne.s32 s2, $0x0  }
0x1f1: {  	s3 =	rddreg [dreg:$0x2];
	[bflag:$0x3] =	sbarrier.arrive $0xFFFF;
	s2 =	simm.s32 @!p0 $0x1C06  }
0x1f2: {  	[timem:s3], [sflag:s2] =	dma.local @!p0 [hbm:s0], s1  }
0x1f3: {  	s0 =	simm.s32 @!p0 $0x6  }
0x1f4: {  	_ =	swait.ge @!p0 [sflag:s0], s1  }
0x1f5: {  	s1 =	ssub.s32 @!p0 $0x0, s1;
	[sflag:s0] =	ssyncset.done @!p0 $0x0  }
0x1f6: {  	[sflag:s0] =	ssyncadd.s32 @!p0 s1  }
0x1f7: {  	[bflag:$0x3] =	sbarrier.arrive $0xFFFF  }
0x1f8: {  	_ =	shalt  }

</sc_bundles>
